<compile_context>
chip_gen: v7x
topology: tpu7x:2x2x1
jax: 0.10.2.dev20260603
libtpu: 0.0.44.dev20260713+nightly
codegen_flags: <defaults>
</compile_context>

<pallas_src>
import jax
import jax.numpy as jnp
from jax import lax
from jax.experimental import pallas as pl
from jax.experimental.pallas import tpu as pltpu
from jax.experimental.pallas import tpu_sc as plsc

NUM_EMB = 1201
EMB_DIM = 32
VOCAB = 1000
B, T, N = 1024, 50, 20
NUM_WORDS = B * T
NC, NS = 2, 16
NW = NC * NS
NSLICE = 1
TSL = T // NSLICE
WORDS_SL = B * TSL
WPW = WORDS_SL // NW
CH = 32
NCHUNK = WPW // CH
ROWS = CH * N
NGATH = 5
GSZ = ROWS // NGATH
PADD = 128


def _sc_body(xf_hbm, emb_hbm, word_hbm, idx_v, rows_v, out_v, sem, sem_i, sem_o):
    wid = lax.axis_index("s") * NC + lax.axis_index("c")
    wbase = wid * WPW
    c16 = jnp.full((16,), 16, jnp.uint32)
    cmask = jnp.full((16,), 0xFFFF0000, jnp.uint32)

    def _stage_idx(c, buf):
        return pltpu.async_copy(
            xf_hbm.at[pl.ds((wbase + c * CH) * N, ROWS)], idx_v.at[buf], sem_i
        )

    def _wait_idx(buf):
        pltpu.make_async_copy(
            xf_hbm.at[pl.ds(0, ROWS)], idx_v.at[buf], sem_i
        ).wait()

    def _fire_gathers(buf):
        for k in range(NGATH):
            pltpu.async_copy(
                emb_hbm.at[idx_v.at[buf, pl.ds(k * GSZ, GSZ)]],
                rows_v.at[buf, pl.ds(k * GSZ, GSZ)],
                sem,
            )

    def _wait_gathers(buf):
        for k in range(NGATH):
            pltpu.make_async_copy(
                emb_hbm.at[idx_v.at[buf, pl.ds(k * GSZ, GSZ)]],
                rows_v.at[buf, pl.ds(k * GSZ, GSZ)],
                sem,
            ).wait()

    zeros16 = jnp.zeros((16,), jnp.float32)

    @pl.loop(0, 2 * CH * PADD // 16)
    def _zf(i):
        out_v[pl.ds(i * 16, 16)] = zeros16

    def _reduce(buf):
        @pl.loop(0, CH, unroll=2)
        def _red(j):
            r = j * N

            def _lo(n):
                return lax.bitcast_convert_type(
                    lax.shift_left(rows_v[buf, r + n, :], c16), jnp.float32
                )

            def _hi(n):
                return lax.bitcast_convert_type(
                    rows_v[buf, r + n, :] & cmask, jnp.float32
                )

            ae0, ae1 = _lo(0), _lo(1)
            ao0, ao1 = _hi(0), _hi(1)
            for n in range(2, N, 2):
                ae0 = ae0 + _lo(n)
                ae1 = ae1 + _lo(n + 1)
                ao0 = ao0 + _hi(n)
                ao1 = ao1 + _hi(n + 1)
            base = buf * (CH * PADD) + j * PADD
            out_v[pl.ds(base, 16)] = ae0 + ae1
            out_v[pl.ds(base + 16, 16)] = ao0 + ao1

    def _wait_out(buf):
        pltpu.make_async_copy(
            out_v.at[pl.ds(0, CH * PADD)], word_hbm.at[pl.ds(0, CH * PADD)], sem_o
        ).wait()

    _stage_idx(0, 0).wait()
    _fire_gathers(0)
    _stage_idx(1, 1)

    @pl.loop(0, NCHUNK, step=2)
    def _chunks(c):
        for par in range(2):
            cc = c + par
            nxt = par ^ 1
            _wait_gathers(par)

            @pl.when(cc + 1 < NCHUNK)
            def _():
                _wait_idx(nxt)
                _fire_gathers(nxt)

            @pl.when(cc + 2 < NCHUNK)
            def _():
                _stage_idx(cc + 2, par)

            @pl.when(c >= 2)
            def _():
                _wait_out(par)

            _reduce(par)
            pltpu.async_copy(
                out_v.at[pl.ds(par * CH * PADD, CH * PADD)],
                word_hbm.at[pl.ds((wbase + cc * CH) * PADD, CH * PADD)],
                sem_o,
            )

    _wait_out(0)
    _wait_out(1)


def _gather_sum(x, emb):
    mesh = plsc.VectorSubcoreMesh(
        core_axis_name="c", subcore_axis_name="s", num_cores=NC, num_subcores=NS
    )
    fn = pl.kernel(
        _sc_body,
        out_type=jax.ShapeDtypeStruct((WORDS_SL * PADD,), jnp.float32),
        mesh=mesh,
        scratch_types=[
            pltpu.VMEM((2, ROWS), jnp.int32),
            pltpu.VMEM((2, ROWS, EMB_DIM // 2), jnp.uint32),
            pltpu.VMEM((2 * CH * PADD,), jnp.float32),
            pltpu.SemaphoreType.DMA,
            pltpu.SemaphoreType.DMA,
            pltpu.SemaphoreType.DMA,
        ],
        compiler_params=pltpu.CompilerParams(use_tc_tiling_on_sc=False),
    )
    return fn(x, emb)


def _mm_body(w_ref, ww_ref, b_ref, o_ref):
    o_ref[0] = (
        lax.dot_general(
            ww_ref[...],
            w_ref[0, :, :EMB_DIM],
            dimension_numbers=(((1,), (1,)), ((), ())),
            preferred_element_type=jnp.float32,
        )
        + b_ref[...]
    )


def _project(word3, W, b2, s, carry):
    in_specs = [
        pl.BlockSpec((1, B, PADD), lambda t: (t, 0, 0)),
        pl.BlockSpec((VOCAB, EMB_DIM), lambda t: (0, 0)),
        pl.BlockSpec((VOCAB, 1), lambda t: (0, 0)),
    ]
    args = (word3, W, b2)
    aliases = {}
    if carry is not None:
        in_specs.append(pl.BlockSpec(memory_space=pl.ANY))
        args = (word3, W, b2, carry)
        aliases = {3: 0}

    def body(*refs):
        _mm_body(refs[0], refs[1], refs[2], refs[-1])

    return pl.pallas_call(
        body,
        grid=(TSL,),
        in_specs=in_specs,
        out_specs=pl.BlockSpec((1, VOCAB, B), lambda t, s=s: (s * TSL + t, 0, 0)),
        out_shape=jax.ShapeDtypeStruct((T, VOCAB, B), jnp.float32),
        input_output_aliases=aliases,
        compiler_params=pltpu.CompilerParams(
            dimension_semantics=("arbitrary",)
        ),
    )(*args)


def kernel(x, emb, W, b):
    xf = jnp.transpose(x, (1, 0, 2)).reshape(NUM_WORDS * N)
    embp = jax.lax.bitcast_convert_type(
        emb.astype(jnp.bfloat16).reshape(NUM_EMB, EMB_DIM // 2, 2), jnp.uint32
    )
    Wp = jnp.concatenate([W[:, 0::2], W[:, 1::2]], axis=1)
    b2 = b.reshape(VOCAB, 1)
    out_p = None
    for s in range(NSLICE):
        xf_s = lax.dynamic_slice(xf, (s * WORDS_SL * N,), (WORDS_SL * N,))
        word = _gather_sum(xf_s, embp)
        word3 = word.reshape(TSL, B, PADD)
        out_p = _project(word3, Wp, b2, s, out_p)
    return jnp.transpose(out_p, (2, 0, 1))

# --- scband reference (transcript-rebuilt; emitter-appended) ---
"""Pipeline reference for scband-sisg-45105746542801 (READ-ONLY COPY).

The authoritative reference and input builder live on the scoring server;
editing this copy changes nothing except your own understanding.
"""

import jax, jax.numpy as jnp
import numpy as np

NUM_EMB = 1201  # len(ngram_hash) + 1, row 0 is padding
EMB_DIM = 32
VOCAB_LEN = 1000
B, T, N = 1024, 50, 20


def setup_inputs(seed: int = 0) -> dict:
    key = jax.random.key(seed)
    k1, k2, k3, k4 = jax.random.split(key, 4)
    x = jax.random.randint(k1, (B, T, N), 0, 1000, dtype=jnp.int32)
    emb = jax.random.normal(k2, (NUM_EMB, EMB_DIM), dtype=jnp.float32)
    emb = emb.at[0].set(0.0)  # padding_idx=0
    bound = 1.0 / np.sqrt(EMB_DIM)
    W = jax.random.uniform(k3, (VOCAB_LEN, EMB_DIM), minval=-bound, maxval=bound, dtype=jnp.float32)
    b = jax.random.uniform(k4, (VOCAB_LEN,), minval=-bound, maxval=bound, dtype=jnp.float32)
    return {"x": x, "emb": emb, "W": W, "b": b}


def reference(x, emb, W, b):
    # char_embeddings = self.embedding(x)
    char_embeddings = jnp.take(emb, x, axis=0)            # [B, T, N, 32]
    # word_embeddings = torch.sum(char_embeddings, dim=2)
    word_embeddings = jnp.sum(char_embeddings, axis=2)    # [B, T, 32]
    # out = self.linear(word_embeddings)
    out = word_embeddings @ W.T + b                        # [B, T, vocab_len]
    return out

if __name__ == "__main__":
    import jax
    _d = setup_inputs()
    print(jax.jit(kernel)(*tuple(_d.values())))

</pallas_src>

<mosaic_0001>
#map = affine_map<(d0, d1) -> (0)>
#map1 = affine_map<(d0, d1) -> (0, 0)>
module attributes {stable_mosaic.version = 14 : i64} {
  func.func @_sc_body(%arg0: i32, %arg1: i32, %arg2: memref<1024000xi32, #tpu.memory_space<hbm>>, %arg3: memref<1201x16xi32, #tpu.memory_space<hbm>>, %arg4: memref<6553600xf32, #tpu.memory_space<hbm>>, %arg5: memref<2x640xi32, #tpu.memory_space<vmem>>, %arg6: memref<2x640x16xi32, #tpu.memory_space<vmem>>, %arg7: memref<8192xf32, #tpu.memory_space<vmem>>, %arg8: memref<!tpu.dma_semaphore, #tpu.memory_space<semaphore_mem>>, %arg9: memref<!tpu.dma_semaphore, #tpu.memory_space<semaphore_mem>>, %arg10: memref<!tpu.dma_semaphore, #tpu.memory_space<semaphore_mem>>) attributes {dimension_semantics = [#tpu.dimension_semantics<core_parallel>, #tpu.dimension_semantics<subcore_parallel>], iteration_bounds = array<i64: 2, 16>, scalar_prefetch = 0 : i64, scratch_operands = 6 : i64, tpu.core_type = #tpu.core_type<sc_vector_subcore>, window_params = [{transform_indices = #map}, {transform_indices = #map1}, {transform_indices = #map}]} {
    %mul3A = arith.constant 2 : i32
    %mul3A_0 = arith.muli %arg1, %mul3A : i32
    %add3A = arith.addi %mul3A_0, %arg0 : i32
    %mul3A_1 = arith.constant 1600 : i32
    %mul3A_2 = arith.muli %add3A, %mul3A_1 : i32
    %broadcast_in_dim3A = arith.constant 16 : i32
    %broadcast_in_dim3A_3 = vector.broadcast %broadcast_in_dim3A : i32 to vector<16xi32>
    %broadcast_in_dim3A_4 = arith.constant -65536 : i32
    %broadcast_in_dim3A_5 = vector.broadcast %broadcast_in_dim3A_4 : i32 to vector<16xi32>
    %broadcast_in_dim3A_6 = arith.constant 0.000000e+00 : f32
    %broadcast_in_dim3A_7 = vector.broadcast %broadcast_in_dim3A_6 : f32 to vector<16xf32>
    %scan3A = arith.constant 0 : i32
    %scan3A_8 = arith.constant 512 : i32
    %scan3A_9 = arith.addi %scan3A, %scan3A_8 : i32
    %scan3A_10 = arith.constant 1 : i32
    scf.for %scan3A_126 = %scan3A to %scan3A_9 step %scan3A_10  : i32 {
      %mul3A_127 = arith.constant 1 : i32
      %mul3A_128 = arith.muli %scan3A_126, %mul3A_127 : i32
      %add3A_129 = arith.constant 0 : i32
      %add3A_130 = arith.addi %add3A_129, %mul3A_128 : i32
      %mul3A_131 = arith.constant 16 : i32
      %mul3A_132 = arith.muli %add3A_130, %mul3A_131 : i32
      %swap3A = arith.index_cast %mul3A_132 : i32 to index
      %swap3A_133 = tpu.vector_load %arg7[%swap3A] {strides = array<i32>} : memref<8192xf32, #tpu.memory_space<vmem>>, vector<16xf32>,
      %swap3A_134 = vector.shape_cast %swap3A_133 : vector<16xf32> to vector<16xf32>
      %swap3A_135 = vector.shape_cast %broadcast_in_dim3A_7 : vector<16xf32> to vector<16xf32>
      tpu.vector_store %arg7[%swap3A], %swap3A_135 {strides = array<i32>} : memref<8192xf32, #tpu.memory_space<vmem>>, vector<16xf32>,
    }
    %scan3A_11 = arith.constant 512 : i32
    %add3A_12 = arith.constant 0 : i32
    %add3A_13 = arith.addi %mul3A_2, %add3A_12 : i32
    %mul3A_14 = arith.constant 20 : i32
    %mul3A_15 = arith.muli %add3A_13, %mul3A_14 : i32
    %dma_start3A = arith.constant 0 : i32
    %dma_start3A_16 = arith.constant 0 : i32
    %dma_start3A_17 = tpu.memref_slice %arg5[%dma_start3A, %dma_start3A_16] : memref<2x640xi32, #tpu.memory_space<vmem>> -> memref<1x640xi32, #tpu.memory_space<vmem>>
    %dma_start3A_18 = tpu.memref_squeeze %dma_start3A_17 : memref<1x640xi32, #tpu.memory_space<vmem>> -> memref<640xi32, #tpu.memory_space<vmem>>
    %dma_start3A_19 = tpu.memref_slice %arg2[%mul3A_15] : memref<1024000xi32, #tpu.memory_space<hbm>> -> memref<640xi32, #tpu.memory_space<hbm>>
    %dma_start3A_20 = arith.constant 0 : i32
    %dma_start3A_21 = tpu.memref_slice %arg5[%dma_start3A, %dma_start3A_20] : memref<2x640xi32, #tpu.memory_space<vmem>> -> memref<1x640xi32, #tpu.memory_space<vmem>>
    %dma_start3A_22 = tpu.memref_squeeze %dma_start3A_21 : memref<1x640xi32, #tpu.memory_space<vmem>> -> memref<640xi32, #tpu.memory_space<vmem>>
    %dma_start3A_23 = tpu.memref_slice %arg2[%mul3A_15] : memref<1024000xi32, #tpu.memory_space<hbm>> -> memref<640xi32, #tpu.memory_space<hbm>>
    tpu.enqueue_dma source(%dma_start3A_23 : memref<640xi32, #tpu.memory_space<hbm>>) target(%dma_start3A_22 : memref<640xi32, #tpu.memory_space<vmem>>) target_semaphore(%arg9 : memref<!tpu.dma_semaphore, #tpu.memory_space<semaphore_mem>>)
    %dma_wait3A = arith.constant 0 : i32
    %dma_wait3A_24 = arith.constant 0 : i32
    %dma_wait3A_25 = tpu.memref_slice %arg5[%dma_wait3A, %dma_wait3A_24] : memref<2x640xi32, #tpu.memory_space<vmem>> -> memref<1x640xi32, #tpu.memory_space<vmem>>
    %dma_wait3A_26 = tpu.memref_squeeze %dma_wait3A_25 : memref<1x640xi32, #tpu.memory_space<vmem>> -> memref<640xi32, #tpu.memory_space<vmem>>
    %dma_wait3A_27 = tpu.memref_slice %arg2[%mul3A_15] : memref<1024000xi32, #tpu.memory_space<hbm>> -> memref<640xi32, #tpu.memory_space<hbm>>
    %dma_wait3A_28 = arith.constant 0 : i32
    %dma_wait3A_29 = tpu.memref_slice %arg5[%dma_wait3A, %dma_wait3A_28] : memref<2x640xi32, #tpu.memory_space<vmem>> -> memref<1x640xi32, #tpu.memory_space<vmem>>
    %dma_wait3A_30 = tpu.memref_squeeze %dma_wait3A_29 : memref<1x640xi32, #tpu.memory_space<vmem>> -> memref<640xi32, #tpu.memory_space<vmem>>
    %dma_wait3A_31 = tpu.memref_slice %arg2[%mul3A_15] : memref<1024000xi32, #tpu.memory_space<hbm>> -> memref<640xi32, #tpu.memory_space<hbm>>
    tpu.wait_dma2 semaphore(%arg9 : memref<!tpu.dma_semaphore, #tpu.memory_space<semaphore_mem>>) src(%dma_wait3A_31 : memref<640xi32, #tpu.memory_space<hbm>>) dst(%dma_wait3A_30 : memref<640xi32, #tpu.memory_space<vmem>>)
    %dma_start3A_32 = arith.constant 0 : i32
    %dma_start3A_33 = arith.constant 0 : i32
    %dma_start3A_34 = arith.constant 0 : i32
    %dma_start3A_35 = arith.constant 0 : i32
    %dma_start3A_36 = tpu.memref_slice %arg6[%dma_start3A_33, %dma_start3A_34, %dma_start3A_35] : memref<2x640x16xi32, #tpu.memory_space<vmem>> -> memref<1x128x16xi32, #tpu.memory_space<vmem>>
    %dma_start3A_37 = tpu.memref_squeeze %dma_start3A_36 : memref<1x128x16xi32, #tpu.memory_space<vmem>> -> memref<128x16xi32, #tpu.memory_space<vmem>>
    %dma_start3A_38 = arith.constant 0 : i32
    %dma_start3A_39 = tpu.memref_slice %arg5[%dma_start3A_32, %dma_start3A_38] : memref<2x640xi32, #tpu.memory_space<vmem>> -> memref<1x128xi32, #tpu.memory_space<vmem>>
    %dma_start3A_40 = tpu.memref_squeeze %dma_start3A_39 : memref<1x128xi32, #tpu.memory_space<vmem>> -> memref<128xi32, #tpu.memory_space<vmem>>
    %dma_start3A_41 = arith.constant 0 : i32
    %dma_start3A_42 = arith.constant 0 : i32
    %dma_start3A_43 = tpu.memref_slice %arg3[%dma_start3A_41, %dma_start3A_42] : memref<1201x16xi32, #tpu.memory_space<hbm>> -> memref<1201x16xi32, #tpu.memory_space<hbm>>
    tpu.enqueue_indirect_dma source(%dma_start3A_43 : memref<1201x16xi32, #tpu.memory_space<hbm>>) target(%dma_start3A_37 : memref<128x16xi32, #tpu.memory_space<vmem>>) offsets(%dma_start3A_40 : memref<128xi32, #tpu.memory_space<vmem>>) semaphore(%arg8 : memref<!tpu.dma_semaphore, #tpu.memory_space<semaphore_mem>>)
    %dma_start3A_44 = arith.constant 0 : i32
    %dma_start3A_45 = arith.constant 0 : i32
    %dma_start3A_46 = arith.constant 128 : i32
    %dma_start3A_47 = arith.constant 0 : i32
    %dma_start3A_48 = tpu.memref_slice %arg6[%dma_start3A_45, %dma_start3A_46, %dma_start3A_47] : memref<2x640x16xi32, #tpu.memory_space<vmem>> -> memref<1x128x16xi32, #tpu.memory_space<vmem>>
    %dma_start3A_49 = tpu.memref_squeeze %dma_start3A_48 : memref<1x128x16xi32, #tpu.memory_space<vmem>> -> memref<128x16xi32, #tpu.memory_space<vmem>>
    %dma_start3A_50 = arith.constant 128 : i32
    %dma_start3A_51 = tpu.memref_slice %arg5[%dma_start3A_44, %dma_start3A_50] : memref<2x640xi32, #tpu.memory_space<vmem>> -> memref<1x128xi32, #tpu.memory_space<vmem>>
    %dma_start3A_52 = tpu.memref_squeeze %dma_start3A_51 : memref<1x128xi32, #tpu.memory_space<vmem>> -> memref<128xi32, #tpu.memory_space<vmem>>
    %dma_start3A_53 = arith.constant 0 : i32
    %dma_start3A_54 = arith.constant 0 : i32
    %dma_start3A_55 = tpu.memref_slice %arg3[%dma_start3A_53, %dma_start3A_54] : memref<1201x16xi32, #tpu.memory_space<hbm>> -> memref<1201x16xi32, #tpu.memory_space<hbm>>
    tpu.enqueue_indirect_dma source(%dma_start3A_55 : memref<1201x16xi32, #tpu.memory_space<hbm>>) target(%dma_start3A_49 : memref<128x16xi32, #tpu.memory_space<vmem>>) offsets(%dma_start3A_52 : memref<128xi32, #tpu.memory_space<vmem>>) semaphore(%arg8 : memref<!tpu.dma_semaphore, #tpu.memory_space<semaphore_mem>>)
    %dma_start3A_56 = arith.constant 0 : i32
    %dma_start3A_57 = arith.constant 0 : i32
    %dma_start3A_58 = arith.constant 256 : i32
    %dma_start3A_59 = arith.constant 0 : i32
    %dma_start3A_60 = tpu.memref_slice %arg6[%dma_start3A_57, %dma_start3A_58, %dma_start3A_59] : memref<2x640x16xi32, #tpu.memory_space<vmem>> -> memref<1x128x16xi32, #tpu.memory_space<vmem>>
    %dma_start3A_61 = tpu.memref_squeeze %dma_start3A_60 : memref<1x128x16xi32, #tpu.memory_space<vmem>> -> memref<128x16xi32, #tpu.memory_space<vmem>>
    %dma_start3A_62 = arith.constant 256 : i32
    %dma_start3A_63 = tpu.memref_slice %arg5[%dma_start3A_56, %dma_start3A_62] : memref<2x640xi32, #tpu.memory_space<vmem>> -> memref<1x128xi32, #tpu.memory_space<vmem>>
    %dma_start3A_64 = tpu.memref_squeeze %dma_start3A_63 : memref<1x128xi32, #tpu.memory_space<vmem>> -> memref<128xi32, #tpu.memory_space<vmem>>
    %dma_start3A_65 = arith.constant 0 : i32
    %dma_start3A_66 = arith.constant 0 : i32
    %dma_start3A_67 = tpu.memref_slice %arg3[%dma_start3A_65, %dma_start3A_66] : memref<1201x16xi32, #tpu.memory_space<hbm>> -> memref<1201x16xi32, #tpu.memory_space<hbm>>
    tpu.enqueue_indirect_dma source(%dma_start3A_67 : memref<1201x16xi32, #tpu.memory_space<hbm>>) target(%dma_start3A_61 : memref<128x16xi32, #tpu.memory_space<vmem>>) offsets(%dma_start3A_64 : memref<128xi32, #tpu.memory_space<vmem>>) semaphore(%arg8 : memref<!tpu.dma_semaphore, #tpu.memory_space<semaphore_mem>>)
    %dma_start3A_68 = arith.constant 0 : i32
    %dma_start3A_69 = arith.constant 0 : i32
    %dma_start3A_70 = arith.constant 384 : i32
    %dma_start3A_71 = arith.constant 0 : i32
    %dma_start3A_72 = tpu.memref_slice %arg6[%dma_start3A_69, %dma_start3A_70, %dma_start3A_71] : memref<2x640x16xi32, #tpu.memory_space<vmem>> -> memref<1x128x16xi32, #tpu.memory_space<vmem>>
    %dma_start3A_73 = tpu.memref_squeeze %dma_start3A_72 : memref<1x128x16xi32, #tpu.memory_space<vmem>> -> memref<128x16xi32, #tpu.memory_space<vmem>>
    %dma_start3A_74 = arith.constant 384 : i32
    %dma_start3A_75 = tpu.memref_slice %arg5[%dma_start3A_68, %dma_start3A_74] : memref<2x640xi32, #tpu.memory_space<vmem>> -> memref<1x128xi32, #tpu.memory_space<vmem>>
    %dma_start3A_76 = tpu.memref_squeeze %dma_start3A_75 : memref<1x128xi32, #tpu.memory_space<vmem>> -> memref<128xi32, #tpu.memory_space<vmem>>
    %dma_start3A_77 = arith.constant 0 : i32
    %dma_start3A_78 = arith.constant 0 : i32
    %dma_start3A_79 = tpu.memref_slice %arg3[%dma_start3A_77, %dma_start3A_78] : memref<1201x16xi32, #tpu.memory_space<hbm>> -> memref<1201x16xi32, #tpu.memory_space<hbm>>
    tpu.enqueue_indirect_dma source(%dma_start3A_79 : memref<1201x16xi32, #tpu.memory_space<hbm>>) target(%dma_start3A_73 : memref<128x16xi32, #tpu.memory_space<vmem>>) offsets(%dma_start3A_76 : memref<128xi32, #tpu.memory_space<vmem>>) semaphore(%arg8 : memref<!tpu.dma_semaphore, #tpu.memory_space<semaphore_mem>>)
    %dma_start3A_80 = arith.constant 0 : i32
    %dma_start3A_81 = arith.constant 0 : i32
    %dma_start3A_82 = arith.constant 512 : i32
    %dma_start3A_83 = arith.constant 0 : i32
    %dma_start3A_84 = tpu.memref_slice %arg6[%dma_start3A_81, %dma_start3A_82, %dma_start3A_83] : memref<2x640x16xi32, #tpu.memory_space<vmem>> -> memref<1x128x16xi32, #tpu.memory_space<vmem>>
    %dma_start3A_85 = tpu.memref_squeeze %dma_start3A_84 : memref<1x128x16xi32, #tpu.memory_space<vmem>> -> memref<128x16xi32, #tpu.memory_space<vmem>>
    %dma_start3A_86 = arith.constant 512 : i32
    %dma_start3A_87 = tpu.memref_slice %arg5[%dma_start3A_80, %dma_start3A_86] : memref<2x640xi32, #tpu.memory_space<vmem>> -> memref<1x128xi32, #tpu.memory_space<vmem>>
    %dma_start3A_88 = tpu.memref_squeeze %dma_start3A_87 : memref<1x128xi32, #tpu.memory_space<vmem>> -> memref<128xi32, #tpu.memory_space<vmem>>
    %dma_start3A_89 = arith.constant 0 : i32
    %dma_start3A_90 = arith.constant 0 : i32
    %dma_start3A_91 = tpu.memref_slice %arg3[%dma_start3A_89, %dma_start3A_90] : memref<1201x16xi32, #tpu.memory_space<hbm>> -> memref<1201x16xi32, #tpu.memory_space<hbm>>
    tpu.enqueue_indirect_dma source(%dma_start3A_91 : memref<1201x16xi32, #tpu.memory_space<hbm>>) target(%dma_start3A_85 : memref<128x16xi32, #tpu.memory_space<vmem>>) offsets(%dma_start3A_88 : memref<128xi32, #tpu.memory_space<vmem>>) semaphore(%arg8 : memref<!tpu.dma_semaphore, #tpu.memory_space<semaphore_mem>>)
    %add3A_92 = arith.constant 32 : i32
    %add3A_93 = arith.addi %mul3A_2, %add3A_92 : i32
    %mul3A_94 = arith.constant 20 : i32
    %mul3A_95 = arith.muli %add3A_93, %mul3A_94 : i32
    %dma_start3A_96 = arith.constant 1 : i32
    %dma_start3A_97 = arith.constant 0 : i32
    %dma_start3A_98 = tpu.memref_slice %arg5[%dma_start3A_96, %dma_start3A_97] : memref<2x640xi32, #tpu.memory_space<vmem>> -> memref<1x640xi32, #tpu.memory_space<vmem>>
    %dma_start3A_99 = tpu.memref_squeeze %dma_start3A_98 : memref<1x640xi32, #tpu.memory_space<vmem>> -> memref<640xi32, #tpu.memory_space<vmem>>
    %dma_start3A_100 = tpu.memref_slice %arg2[%mul3A_95] : memref<1024000xi32, #tpu.memory_space<hbm>> -> memref<640xi32, #tpu.memory_space<hbm>>
    %dma_start3A_101 = arith.constant 0 : i32
    %dma_start3A_102 = tpu.memref_slice %arg5[%dma_start3A_96, %dma_start3A_101] : memref<2x640xi32, #tpu.memory_space<vmem>> -> memref<1x640xi32, #tpu.memory_space<vmem>>
    %dma_start3A_103 = tpu.memref_squeeze %dma_start3A_102 : memref<1x640xi32, #tpu.memory_space<vmem>> -> memref<640xi32, #tpu.memory_space<vmem>>
    %dma_start3A_104 = tpu.memref_slice %arg2[%mul3A_95] : memref<1024000xi32, #tpu.memory_space<hbm>> -> memref<640xi32, #tpu.memory_space<hbm>>
    tpu.enqueue_dma source(%dma_start3A_104 : memref<640xi32, #tpu.memory_space<hbm>>) target(%dma_start3A_103 : memref<640xi32, #tpu.memory_space<vmem>>) target_semaphore(%arg9 : memref<!tpu.dma_semaphore, #tpu.memory_space<semaphore_mem>>)
    %scan3A_105 = arith.constant 0 : i32
    %scan3A_106 = arith.constant 25 : i32
    %scan3A_107 = arith.addi %scan3A_105, %scan3A_106 : i32
    %scan3A_108 = arith.constant 1 : i32
    scf.for %scan3A_126 = %scan3A_105 to %scan3A_107 step %scan3A_108  : i32 {
      %mul3A_127 = arith.constant 2 : i32
      %mul3A_128 = arith.muli %scan3A_126, %mul3A_127 : i32
      %add3A_129 = arith.constant 0 : i32
      %add3A_130 = arith.addi %add3A_129, %mul3A_128 : i32
      %add3A_131 = arith.constant 0 : i32
      %add3A_132 = arith.addi %add3A_130, %add3A_131 : i32
      %dma_wait3A_133 = arith.constant 0 : i32
      %dma_wait3A_134 = arith.constant 0 : i32
      %dma_wait3A_135 = arith.constant 0 : i32
      %dma_wait3A_136 = arith.constant 0 : i32
      %dma_wait3A_137 = tpu.memref_slice %arg6[%dma_wait3A_134, %dma_wait3A_135, %dma_wait3A_136] : memref<2x640x16xi32, #tpu.memory_space<vmem>> -> memref<1x128x16xi32, #tpu.memory_space<vmem>>
      %dma_wait3A_138 = tpu.memref_squeeze %dma_wait3A_137 : memref<1x128x16xi32, #tpu.memory_space<vmem>> -> memref<128x16xi32, #tpu.memory_space<vmem>>
      %dma_wait3A_139 = arith.constant 0 : i32
      %dma_wait3A_140 = tpu.memref_slice %arg5[%dma_wait3A_133, %dma_wait3A_139] : memref<2x640xi32, #tpu.memory_space<vmem>> -> memref<1x128xi32, #tpu.memory_space<vmem>>
      %dma_wait3A_141 = tpu.memref_squeeze %dma_wait3A_140 : memref<1x128xi32, #tpu.memory_space<vmem>> -> memref<128xi32, #tpu.memory_space<vmem>>
      %dma_wait3A_142 = arith.constant 0 : i32
      %dma_wait3A_143 = arith.constant 0 : i32
      %dma_wait3A_144 = tpu.memref_slice %arg3[%dma_wait3A_142, %dma_wait3A_143] : memref<1201x16xi32, #tpu.memory_space<hbm>> -> memref<1201x16xi32, #tpu.memory_space<hbm>>
      tpu.wait_indirect_dma semaphore(%arg8 : memref<!tpu.dma_semaphore, #tpu.memory_space<semaphore_mem>>) src(%dma_wait3A_144 : memref<1201x16xi32, #tpu.memory_space<hbm>>) dst(%dma_wait3A_138 : memref<128x16xi32, #tpu.memory_space<vmem>>)
      %dma_wait3A_145 = arith.constant 0 : i32
      %dma_wait3A_146 = arith.constant 0 : i32
      %dma_wait3A_147 = arith.constant 128 : i32
      %dma_wait3A_148 = arith.constant 0 : i32
      %dma_wait3A_149 = tpu.memref_slice %arg6[%dma_wait3A_146, %dma_wait3A_147, %dma_wait3A_148] : memref<2x640x16xi32, #tpu.memory_space<vmem>> -> memref<1x128x16xi32, #tpu.memory_space<vmem>>
      %dma_wait3A_150 = tpu.memref_squeeze %dma_wait3A_149 : memref<1x128x16xi32, #tpu.memory_space<vmem>> -> memref<128x16xi32, #tpu.memory_space<vmem>>
      %dma_wait3A_151 = arith.constant 128 : i32
      %dma_wait3A_152 = tpu.memref_slice %arg5[%dma_wait3A_145, %dma_wait3A_151] : memref<2x640xi32, #tpu.memory_space<vmem>> -> memref<1x128xi32, #tpu.memory_space<vmem>>
      %dma_wait3A_153 = tpu.memref_squeeze %dma_wait3A_152 : memref<1x128xi32, #tpu.memory_space<vmem>> -> memref<128xi32, #tpu.memory_space<vmem>>
      %dma_wait3A_154 = arith.constant 0 : i32
      %dma_wait3A_155 = arith.constant 0 : i32
      %dma_wait3A_156 = tpu.memref_slice %arg3[%dma_wait3A_154, %dma_wait3A_155] : memref<1201x16xi32, #tpu.memory_space<hbm>> -> memref<1201x16xi32, #tpu.memory_space<hbm>>
      tpu.wait_indirect_dma semaphore(%arg8 : memref<!tpu.dma_semaphore, #tpu.memory_space<semaphore_mem>>) src(%dma_wait3A_156 : memref<1201x16xi32, #tpu.memory_space<hbm>>) dst(%dma_wait3A_150 : memref<128x16xi32, #tpu.memory_space<vmem>>)
      %dma_wait3A_157 = arith.constant 0 : i32
      %dma_wait3A_158 = arith.constant 0 : i32
      %dma_wait3A_159 = arith.constant 256 : i32
      %dma_wait3A_160 = arith.constant 0 : i32
      %dma_wait3A_161 = tpu.memref_slice %arg6[%dma_wait3A_158, %dma_wait3A_159, %dma_wait3A_160] : memref<2x640x16xi32, #tpu.memory_space<vmem>> -> memref<1x128x16xi32, #tpu.memory_space<vmem>>
      %dma_wait3A_162 = tpu.memref_squeeze %dma_wait3A_161 : memref<1x128x16xi32, #tpu.memory_space<vmem>> -> memref<128x16xi32, #tpu.memory_space<vmem>>
      %dma_wait3A_163 = arith.constant 256 : i32
      %dma_wait3A_164 = tpu.memref_slice %arg5[%dma_wait3A_157, %dma_wait3A_163] : memref<2x640xi32, #tpu.memory_space<vmem>> -> memref<1x128xi32, #tpu.memory_space<vmem>>
      %dma_wait3A_165 = tpu.memref_squeeze %dma_wait3A_164 : memref<1x128xi32, #tpu.memory_space<vmem>> -> memref<128xi32, #tpu.memory_space<vmem>>
      %dma_wait3A_166 = arith.constant 0 : i32
      %dma_wait3A_167 = arith.constant 0 : i32
      %dma_wait3A_168 = tpu.memref_slice %arg3[%dma_wait3A_166, %dma_wait3A_167] : memref<1201x16xi32, #tpu.memory_space<hbm>> -> memref<1201x16xi32, #tpu.memory_space<hbm>>
      tpu.wait_indirect_dma semaphore(%arg8 : memref<!tpu.dma_semaphore, #tpu.memory_space<semaphore_mem>>) src(%dma_wait3A_168 : memref<1201x16xi32, #tpu.memory_space<hbm>>) dst(%dma_wait3A_162 : memref<128x16xi32, #tpu.memory_space<vmem>>)
      %dma_wait3A_169 = arith.constant 0 : i32
      %dma_wait3A_170 = arith.constant 0 : i32
      %dma_wait3A_171 = arith.constant 384 : i32
      %dma_wait3A_172 = arith.constant 0 : i32
      %dma_wait3A_173 = tpu.memref_slice %arg6[%dma_wait3A_170, %dma_wait3A_171, %dma_wait3A_172] : memref<2x640x16xi32, #tpu.memory_space<vmem>> -> memref<1x128x16xi32, #tpu.memory_space<vmem>>
      %dma_wait3A_174 = tpu.memref_squeeze %dma_wait3A_173 : memref<1x128x16xi32, #tpu.memory_space<vmem>> -> memref<128x16xi32, #tpu.memory_space<vmem>>
      %dma_wait3A_175 = arith.constant 384 : i32
      %dma_wait3A_176 = tpu.memref_slice %arg5[%dma_wait3A_169, %dma_wait3A_175] : memref<2x640xi32, #tpu.memory_space<vmem>> -> memref<1x128xi32, #tpu.memory_space<vmem>>
      %dma_wait3A_177 = tpu.memref_squeeze %dma_wait3A_176 : memref<1x128xi32, #tpu.memory_space<vmem>> -> memref<128xi32, #tpu.memory_space<vmem>>
      %dma_wait3A_178 = arith.constant 0 : i32
      %dma_wait3A_179 = arith.constant 0 : i32
      %dma_wait3A_180 = tpu.memref_slice %arg3[%dma_wait3A_178, %dma_wait3A_179] : memref<1201x16xi32, #tpu.memory_space<hbm>> -> memref<1201x16xi32, #tpu.memory_space<hbm>>
      tpu.wait_indirect_dma semaphore(%arg8 : memref<!tpu.dma_semaphore, #tpu.memory_space<semaphore_mem>>) src(%dma_wait3A_180 : memref<1201x16xi32, #tpu.memory_space<hbm>>) dst(%dma_wait3A_174 : memref<128x16xi32, #tpu.memory_space<vmem>>)
      %dma_wait3A_181 = arith.constant 0 : i32
      %dma_wait3A_182 = arith.constant 0 : i32
      %dma_wait3A_183 = arith.constant 512 : i32
      %dma_wait3A_184 = arith.constant 0 : i32
      %dma_wait3A_185 = tpu.memref_slice %arg6[%dma_wait3A_182, %dma_wait3A_183, %dma_wait3A_184] : memref<2x640x16xi32, #tpu.memory_space<vmem>> -> memref<1x128x16xi32, #tpu.memory_space<vmem>>
      %dma_wait3A_186 = tpu.memref_squeeze %dma_wait3A_185 : memref<1x128x16xi32, #tpu.memory_space<vmem>> -> memref<128x16xi32, #tpu.memory_space<vmem>>
      %dma_wait3A_187 = arith.constant 512 : i32
      %dma_wait3A_188 = tpu.memref_slice %arg5[%dma_wait3A_181, %dma_wait3A_187] : memref<2x640xi32, #tpu.memory_space<vmem>> -> memref<1x128xi32, #tpu.memory_space<vmem>>
      %dma_wait3A_189 = tpu.memref_squeeze %dma_wait3A_188 : memref<1x128xi32, #tpu.memory_space<vmem>> -> memref<128xi32, #tpu.memory_space<vmem>>
      %dma_wait3A_190 = arith.constant 0 : i32
      %dma_wait3A_191 = arith.constant 0 : i32
      %dma_wait3A_192 = tpu.memref_slice %arg3[%dma_wait3A_190, %dma_wait3A_191] : memref<1201x16xi32, #tpu.memory_space<hbm>> -> memref<1201x16xi32, #tpu.memory_space<hbm>>
      tpu.wait_indirect_dma semaphore(%arg8 : memref<!tpu.dma_semaphore, #tpu.memory_space<semaphore_mem>>) src(%dma_wait3A_192 : memref<1201x16xi32, #tpu.memory_space<hbm>>) dst(%dma_wait3A_186 : memref<128x16xi32, #tpu.memory_space<vmem>>)
      %add3A_193 = arith.constant 1 : i32
      %add3A_194 = arith.addi %add3A_132, %add3A_193 : i32
      %lt3A = arith.constant 50 : i32
      %lt3A_195 = arith.cmpi slt, %add3A_194, %lt3A : i32
      %convert_element_type3A = arith.extui %lt3A_195 : i1 to i32
      %cond3A = arith.constant 0 : i32
      %cond3A_196 = arith.cmpi ne, %convert_element_type3A, %cond3A : i32
      scf.if %cond3A_196 {
        %dma_wait3A_321 = arith.constant 1 : i32
        %dma_wait3A_322 = arith.constant 0 : i32
        %dma_wait3A_323 = tpu.memref_slice %arg5[%dma_wait3A_321, %dma_wait3A_322] : memref<2x640xi32, #tpu.memory_space<vmem>> -> memref<1x640xi32, #tpu.memory_space<vmem>>
        %dma_wait3A_324 = tpu.memref_squeeze %dma_wait3A_323 : memref<1x640xi32, #tpu.memory_space<vmem>> -> memref<640xi32, #tpu.memory_space<vmem>>
        %dma_wait3A_325 = arith.constant 0 : i32
        %dma_wait3A_326 = tpu.memref_slice %arg2[%dma_wait3A_325] : memref<1024000xi32, #tpu.memory_space<hbm>> -> memref<640xi32, #tpu.memory_space<hbm>>
        %dma_wait3A_327 = arith.constant 0 : i32
        %dma_wait3A_328 = tpu.memref_slice %arg5[%dma_wait3A_321, %dma_wait3A_327] : memref<2x640xi32, #tpu.memory_space<vmem>> -> memref<1x640xi32, #tpu.memory_space<vmem>>
        %dma_wait3A_329 = tpu.memref_squeeze %dma_wait3A_328 : memref<1x640xi32, #tpu.memory_space<vmem>> -> memref<640xi32, #tpu.memory_space<vmem>>
        %dma_wait3A_330 = arith.constant 0 : i32
        %dma_wait3A_331 = tpu.memref_slice %arg2[%dma_wait3A_330] : memref<1024000xi32, #tpu.memory_space<hbm>> -> memref<640xi32, #tpu.memory_space<hbm>>
        tpu.wait_dma2 semaphore(%arg9 : memref<!tpu.dma_semaphore, #tpu.memory_space<semaphore_mem>>) src(%dma_wait3A_331 : memref<640xi32, #tpu.memory_space<hbm>>) dst(%dma_wait3A_329 : memref<640xi32, #tpu.memory_space<vmem>>)
        %dma_start3A_332 = arith.constant 1 : i32
        %dma_start3A_333 = arith.constant 1 : i32
        %dma_start3A_334 = arith.constant 0 : i32
        %dma_start3A_335 = arith.constant 0 : i32
        %dma_start3A_336 = tpu.memref_slice %arg6[%dma_start3A_333, %dma_start3A_334, %dma_start3A_335] : memref<2x640x16xi32, #tpu.memory_space<vmem>> -> memref<1x128x16xi32, #tpu.memory_space<vmem>>
        %dma_start3A_337 = tpu.memref_squeeze %dma_start3A_336 : memref<1x128x16xi32, #tpu.memory_space<vmem>> -> memref<128x16xi32, #tpu.memory_space<vmem>>
        %dma_start3A_338 = arith.constant 0 : i32
        %dma_start3A_339 = tpu.memref_slice %arg5[%dma_start3A_332, %dma_start3A_338] : memref<2x640xi32, #tpu.memory_space<vmem>> -> memref<1x128xi32, #tpu.memory_space<vmem>>
        %dma_start3A_340 = tpu.memref_squeeze %dma_start3A_339 : memref<1x128xi32, #tpu.memory_space<vmem>> -> memref<128xi32, #tpu.memory_space<vmem>>
        %dma_start3A_341 = arith.constant 0 : i32
        %dma_start3A_342 = arith.constant 0 : i32
        %dma_start3A_343 = tpu.memref_slice %arg3[%dma_start3A_341, %dma_start3A_342] : memref<1201x16xi32, #tpu.memory_space<hbm>> -> memref<1201x16xi32, #tpu.memory_space<hbm>>
        tpu.enqueue_indirect_dma source(%dma_start3A_343 : memref<1201x16xi32, #tpu.memory_space<hbm>>) target(%dma_start3A_337 : memref<128x16xi32, #tpu.memory_space<vmem>>) offsets(%dma_start3A_340 : memref<128xi32, #tpu.memory_space<vmem>>) semaphore(%arg8 : memref<!tpu.dma_semaphore, #tpu.memory_space<semaphore_mem>>)
        %dma_start3A_344 = arith.constant 1 : i32
        %dma_start3A_345 = arith.constant 1 : i32
        %dma_start3A_346 = arith.constant 128 : i32
        %dma_start3A_347 = arith.constant 0 : i32
        %dma_start3A_348 = tpu.memref_slice %arg6[%dma_start3A_345, %dma_start3A_346, %dma_start3A_347] : memref<2x640x16xi32, #tpu.memory_space<vmem>> -> memref<1x128x16xi32, #tpu.memory_space<vmem>>
        %dma_start3A_349 = tpu.memref_squeeze %dma_start3A_348 : memref<1x128x16xi32, #tpu.memory_space<vmem>> -> memref<128x16xi32, #tpu.memory_space<vmem>>
        %dma_start3A_350 = arith.constant 128 : i32
        %dma_start3A_351 = tpu.memref_slice %arg5[%dma_start3A_344, %dma_start3A_350] : memref<2x640xi32, #tpu.memory_space<vmem>> -> memref<1x128xi32, #tpu.memory_space<vmem>>
        %dma_start3A_352 = tpu.memref_squeeze %dma_start3A_351 : memref<1x128xi32, #tpu.memory_space<vmem>> -> memref<128xi32, #tpu.memory_space<vmem>>
        %dma_start3A_353 = arith.constant 0 : i32
        %dma_start3A_354 = arith.constant 0 : i32
        %dma_start3A_355 = tpu.memref_slice %arg3[%dma_start3A_353, %dma_start3A_354] : memref<1201x16xi32, #tpu.memory_space<hbm>> -> memref<1201x16xi32, #tpu.memory_space<hbm>>
        tpu.enqueue_indirect_dma source(%dma_start3A_355 : memref<1201x16xi32, #tpu.memory_space<hbm>>) target(%dma_start3A_349 : memref<128x16xi32, #tpu.memory_space<vmem>>) offsets(%dma_start3A_352 : memref<128xi32, #tpu.memory_space<vmem>>) semaphore(%arg8 : memref<!tpu.dma_semaphore, #tpu.memory_space<semaphore_mem>>)
        %dma_start3A_356 = arith.constant 1 : i32
        %dma_start3A_357 = arith.constant 1 : i32
        %dma_start3A_358 = arith.constant 256 : i32
        %dma_start3A_359 = arith.constant 0 : i32
        %dma_start3A_360 = tpu.memref_slice %arg6[%dma_start3A_357, %dma_start3A_358, %dma_start3A_359] : memref<2x640x16xi32, #tpu.memory_space<vmem>> -> memref<1x128x16xi32, #tpu.memory_space<vmem>>
        %dma_start3A_361 = tpu.memref_squeeze %dma_start3A_360 : memref<1x128x16xi32, #tpu.memory_space<vmem>> -> memref<128x16xi32, #tpu.memory_space<vmem>>
        %dma_start3A_362 = arith.constant 256 : i32
        %dma_start3A_363 = tpu.memref_slice %arg5[%dma_start3A_356, %dma_start3A_362] : memref<2x640xi32, #tpu.memory_space<vmem>> -> memref<1x128xi32, #tpu.memory_space<vmem>>
        %dma_start3A_364 = tpu.memref_squeeze %dma_start3A_363 : memref<1x128xi32, #tpu.memory_space<vmem>> -> memref<128xi32, #tpu.memory_space<vmem>>
        %dma_start3A_365 = arith.constant 0 : i32
        %dma_start3A_366 = arith.constant 0 : i32
        %dma_start3A_367 = tpu.memref_slice %arg3[%dma_start3A_365, %dma_start3A_366] : memref<1201x16xi32, #tpu.memory_space<hbm>> -> memref<1201x16xi32, #tpu.memory_space<hbm>>
        tpu.enqueue_indirect_dma source(%dma_start3A_367 : memref<1201x16xi32, #tpu.memory_space<hbm>>) target(%dma_start3A_361 : memref<128x16xi32, #tpu.memory_space<vmem>>) offsets(%dma_start3A_364 : memref<128xi32, #tpu.memory_space<vmem>>) semaphore(%arg8 : memref<!tpu.dma_semaphore, #tpu.memory_space<semaphore_mem>>)
        %dma_start3A_368 = arith.constant 1 : i32
        %dma_start3A_369 = arith.constant 1 : i32
        %dma_start3A_370 = arith.constant 384 : i32
        %dma_start3A_371 = arith.constant 0 : i32
        %dma_start3A_372 = tpu.memref_slice %arg6[%dma_start3A_369, %dma_start3A_370, %dma_start3A_371] : memref<2x640x16xi32, #tpu.memory_space<vmem>> -> memref<1x128x16xi32, #tpu.memory_space<vmem>>
        %dma_start3A_373 = tpu.memref_squeeze %dma_start3A_372 : memref<1x128x16xi32, #tpu.memory_space<vmem>> -> memref<128x16xi32, #tpu.memory_space<vmem>>
        %dma_start3A_374 = arith.constant 384 : i32
        %dma_start3A_375 = tpu.memref_slice %arg5[%dma_start3A_368, %dma_start3A_374] : memref<2x640xi32, #tpu.memory_space<vmem>> -> memref<1x128xi32, #tpu.memory_space<vmem>>
        %dma_start3A_376 = tpu.memref_squeeze %dma_start3A_375 : memref<1x128xi32, #tpu.memory_space<vmem>> -> memref<128xi32, #tpu.memory_space<vmem>>
        %dma_start3A_377 = arith.constant 0 : i32
        %dma_start3A_378 = arith.constant 0 : i32
        %dma_start3A_379 = tpu.memref_slice %arg3[%dma_start3A_377, %dma_start3A_378] : memref<1201x16xi32, #tpu.memory_space<hbm>> -> memref<1201x16xi32, #tpu.memory_space<hbm>>
        tpu.enqueue_indirect_dma source(%dma_start3A_379 : memref<1201x16xi32, #tpu.memory_space<hbm>>) target(%dma_start3A_373 : memref<128x16xi32, #tpu.memory_space<vmem>>) offsets(%dma_start3A_376 : memref<128xi32, #tpu.memory_space<vmem>>) semaphore(%arg8 : memref<!tpu.dma_semaphore, #tpu.memory_space<semaphore_mem>>)
        %dma_start3A_380 = arith.constant 1 : i32
        %dma_start3A_381 = arith.constant 1 : i32
        %dma_start3A_382 = arith.constant 512 : i32
        %dma_start3A_383 = arith.constant 0 : i32
        %dma_start3A_384 = tpu.memref_slice %arg6[%dma_start3A_381, %dma_start3A_382, %dma_start3A_383] : memref<2x640x16xi32, #tpu.memory_space<vmem>> -> memref<1x128x16xi32, #tpu.memory_space<vmem>>
        %dma_start3A_385 = tpu.memref_squeeze %dma_start3A_384 : memref<1x128x16xi32, #tpu.memory_space<vmem>> -> memref<128x16xi32, #tpu.memory_space<vmem>>
        %dma_start3A_386 = arith.constant 512 : i32
        %dma_start3A_387 = tpu.memref_slice %arg5[%dma_start3A_380, %dma_start3A_386] : memref<2x640xi32, #tpu.memory_space<vmem>> -> memref<1x128xi32, #tpu.memory_space<vmem>>
        %dma_start3A_388 = tpu.memref_squeeze %dma_start3A_387 : memref<1x128xi32, #tpu.memory_space<vmem>> -> memref<128xi32, #tpu.memory_space<vmem>>
        %dma_start3A_389 = arith.constant 0 : i32
        %dma_start3A_390 = arith.constant 0 : i32
        %dma_start3A_391 = tpu.memref_slice %arg3[%dma_start3A_389, %dma_start3A_390] : memref<1201x16xi32, #tpu.memory_space<hbm>> -> memref<1201x16xi32, #tpu.memory_space<hbm>>
        tpu.enqueue_indirect_dma source(%dma_start3A_391 : memref<1201x16xi32, #tpu.memory_space<hbm>>) target(%dma_start3A_385 : memref<128x16xi32, #tpu.memory_space<vmem>>) offsets(%dma_start3A_388 : memref<128xi32, #tpu.memory_space<vmem>>) semaphore(%arg8 : memref<!tpu.dma_semaphore, #tpu.memory_space<semaphore_mem>>)
      } else {
      }
      %add3A_197 = arith.constant 2 : i32
      %add3A_198 = arith.addi %add3A_132, %add3A_197 : i32
      %lt3A_199 = arith.constant 50 : i32
      %lt3A_200 = arith.cmpi slt, %add3A_198, %lt3A_199 : i32
      %convert_element_type3A_201 = arith.extui %lt3A_200 : i1 to i32
      %cond3A_202 = arith.constant 0 : i32
      %cond3A_203 = arith.cmpi ne, %convert_element_type3A_201, %cond3A_202 : i32
      scf.if %cond3A_203 {
        %add3A_321 = arith.constant 2 : i32
        %add3A_322 = arith.addi %add3A_132, %add3A_321 : i32
        %mul3A_323 = arith.constant 32 : i32
        %mul3A_324 = arith.muli %add3A_322, %mul3A_323 : i32
        %add3A_325 = arith.addi %mul3A_2, %mul3A_324 : i32
        %mul3A_326 = arith.constant 20 : i32
        %mul3A_327 = arith.muli %add3A_325, %mul3A_326 : i32
        %dma_start3A_328 = arith.constant 0 : i32
        %dma_start3A_329 = arith.constant 0 : i32
        %dma_start3A_330 = tpu.memref_slice %arg5[%dma_start3A_328, %dma_start3A_329] : memref<2x640xi32, #tpu.memory_space<vmem>> -> memref<1x640xi32, #tpu.memory_space<vmem>>
        %dma_start3A_331 = tpu.memref_squeeze %dma_start3A_330 : memref<1x640xi32, #tpu.memory_space<vmem>> -> memref<640xi32, #tpu.memory_space<vmem>>
        %dma_start3A_332 = tpu.memref_slice %arg2[%mul3A_327] : memref<1024000xi32, #tpu.memory_space<hbm>> -> memref<640xi32, #tpu.memory_space<hbm>>
        %dma_start3A_333 = arith.constant 0 : i32
        %dma_start3A_334 = tpu.memref_slice %arg5[%dma_start3A_328, %dma_start3A_333] : memref<2x640xi32, #tpu.memory_space<vmem>> -> memref<1x640xi32, #tpu.memory_space<vmem>>
        %dma_start3A_335 = tpu.memref_squeeze %dma_start3A_334 : memref<1x640xi32, #tpu.memory_space<vmem>> -> memref<640xi32, #tpu.memory_space<vmem>>
        %dma_start3A_336 = tpu.memref_slice %arg2[%mul3A_327] : memref<1024000xi32, #tpu.memory_space<hbm>> -> memref<640xi32, #tpu.memory_space<hbm>>
        tpu.enqueue_dma source(%dma_start3A_336 : memref<640xi32, #tpu.memory_space<hbm>>) target(%dma_start3A_335 : memref<640xi32, #tpu.memory_space<vmem>>) target_semaphore(%arg9 : memref<!tpu.dma_semaphore, #tpu.memory_space<semaphore_mem>>)
      } else {
      }
      %ge3A = arith.constant 2 : i32
      %ge3A_204 = arith.cmpi sge, %add3A_130, %ge3A : i32
      %convert_element_type3A_205 = arith.extui %ge3A_204 : i1 to i32
      %cond3A_206 = arith.constant 0 : i32
      %cond3A_207 = arith.cmpi ne, %convert_element_type3A_205, %cond3A_206 : i32
      scf.if %cond3A_207 {
        %dma_wait3A_321 = arith.constant 0 : i32
        %dma_wait3A_322 = tpu.memref_slice %arg7[%dma_wait3A_321] : memref<8192xf32, #tpu.memory_space<vmem>> -> memref<4096xf32, #tpu.memory_space<vmem>>
        %dma_wait3A_323 = arith.constant 0 : i32
        %dma_wait3A_324 = tpu.memref_slice %arg4[%dma_wait3A_323] : memref<6553600xf32, #tpu.memory_space<hbm>> -> memref<4096xf32, #tpu.memory_space<hbm>>
        %dma_wait3A_325 = arith.constant 0 : i32
        %dma_wait3A_326 = tpu.memref_slice %arg4[%dma_wait3A_325] : memref<6553600xf32, #tpu.memory_space<hbm>> -> memref<4096xf32, #tpu.memory_space<hbm>>
        %dma_wait3A_327 = arith.constant 0 : i32
        %dma_wait3A_328 = tpu.memref_slice %arg7[%dma_wait3A_327] : memref<8192xf32, #tpu.memory_space<vmem>> -> memref<4096xf32, #tpu.memory_space<vmem>>
        tpu.wait_dma2 semaphore(%arg10 : memref<!tpu.dma_semaphore, #tpu.memory_space<semaphore_mem>>) src(%dma_wait3A_328 : memref<4096xf32, #tpu.memory_space<vmem>>) dst(%dma_wait3A_326 : memref<4096xf32, #tpu.memory_space<hbm>>)
      } else {
      }
      %scan3A_208 = arith.constant 0 : i32
      %scan3A_209 = arith.constant 32 : i32
      %scan3A_210 = arith.addi %scan3A_208, %scan3A_209 : i32
      %scan3A_211 = arith.constant 2 : i32
      scf.for %scan3A_321 = %scan3A_208 to %scan3A_210 step %scan3A_211  : i32 {
        %mul3A_322 = arith.constant 1 : i32
        %mul3A_323 = arith.muli %scan3A_321, %mul3A_322 : i32
        %add3A_324 = arith.constant 0 : i32
        %add3A_325 = arith.addi %add3A_324, %mul3A_323 : i32
        %mul3A_326 = arith.constant 20 : i32
        %mul3A_327 = arith.muli %add3A_325, %mul3A_326 : i32
        %add3A_328 = arith.constant 0 : i32
        %add3A_329 = arith.addi %mul3A_327, %add3A_328 : i32
        %get3A = arith.constant 0 : i32
        %get3A_330 = arith.index_cast %get3A : i32 to index
        %get3A_331 = arith.index_cast %add3A_329 : i32 to index
        %get3A_332 = arith.constant 0 : index
        %get3A_333 = tpu.vector_load %arg6[%get3A_330, %get3A_331, %get3A_332] {strides = array<i32>} : memref<2x640x16xi32, #tpu.memory_space<vmem>>, vector<1x1x16xi32>,
        %get3A_334 = vector.shape_cast %get3A_333 : vector<1x1x16xi32> to vector<16xi32>
        %shift_left3A = arith.shli %get3A_334, %broadcast_in_dim3A_3 : vector<16xi32>
        %bitcast_convert_type3A = tpu.bitcast %shift_left3A : vector<16xi32> -> vector<16xf32>
        %add3A_335 = arith.constant 1 : i32
        %add3A_336 = arith.addi %mul3A_327, %add3A_335 : i32
        %get3A_337 = arith.constant 0 : i32
        %get3A_338 = arith.index_cast %get3A_337 : i32 to index
        %get3A_339 = arith.index_cast %add3A_336 : i32 to index
        %get3A_340 = arith.constant 0 : index
        %get3A_341 = tpu.vector_load %arg6[%get3A_338, %get3A_339, %get3A_340] {strides = array<i32>} : memref<2x640x16xi32, #tpu.memory_space<vmem>>, vector<1x1x16xi32>,
        %get3A_342 = vector.shape_cast %get3A_341 : vector<1x1x16xi32> to vector<16xi32>
        %shift_left3A_343 = arith.shli %get3A_342, %broadcast_in_dim3A_3 : vector<16xi32>
        %bitcast_convert_type3A_344 = tpu.bitcast %shift_left3A_343 : vector<16xi32> -> vector<16xf32>
        %add3A_345 = arith.constant 0 : i32
        %add3A_346 = arith.addi %mul3A_327, %add3A_345 : i32
        %get3A_347 = arith.constant 0 : i32
        %get3A_348 = arith.index_cast %get3A_347 : i32 to index
        %get3A_349 = arith.index_cast %add3A_346 : i32 to index
        %get3A_350 = arith.constant 0 : index
        %get3A_351 = tpu.vector_load %arg6[%get3A_348, %get3A_349, %get3A_350] {strides = array<i32>} : memref<2x640x16xi32, #tpu.memory_space<vmem>>, vector<1x1x16xi32>,
        %get3A_352 = vector.shape_cast %get3A_351 : vector<1x1x16xi32> to vector<16xi32>
        %and3A = arith.andi %get3A_352, %broadcast_in_dim3A_5 : vector<16xi32>
        %bitcast_convert_type3A_353 = tpu.bitcast %and3A : vector<16xi32> -> vector<16xf32>
        %add3A_354 = arith.constant 1 : i32
        %add3A_355 = arith.addi %mul3A_327, %add3A_354 : i32
        %get3A_356 = arith.constant 0 : i32
        %get3A_357 = arith.index_cast %get3A_356 : i32 to index
        %get3A_358 = arith.index_cast %add3A_355 : i32 to index
        %get3A_359 = arith.constant 0 : index
        %get3A_360 = tpu.vector_load %arg6[%get3A_357, %get3A_358, %get3A_359] {strides = array<i32>} : memref<2x640x16xi32, #tpu.memory_space<vmem>>, vector<1x1x16xi32>,
        %get3A_361 = vector.shape_cast %get3A_360 : vector<1x1x16xi32> to vector<16xi32>
        %and3A_362 = arith.andi %get3A_361, %broadcast_in_dim3A_5 : vector<16xi32>
        %bitcast_convert_type3A_363 = tpu.bitcast %and3A_362 : vector<16xi32> -> vector<16xf32>
        %add3A_364 = arith.constant 2 : i32
        %add3A_365 = arith.addi %mul3A_327, %add3A_364 : i32
        %get3A_366 = arith.constant 0 : i32
        %get3A_367 = arith.index_cast %get3A_366 : i32 to index
        %get3A_368 = arith.index_cast %add3A_365 : i32 to index
        %get3A_369 = arith.constant 0 : index
        %get3A_370 = tpu.vector_load %arg6[%get3A_367, %get3A_368, %get3A_369] {strides = array<i32>} : memref<2x640x16xi32, #tpu.memory_space<vmem>>, vector<1x1x16xi32>,
        %get3A_371 = vector.shape_cast %get3A_370 : vector<1x1x16xi32> to vector<16xi32>
        %shift_left3A_372 = arith.shli %get3A_371, %broadcast_in_dim3A_3 : vector<16xi32>
        %bitcast_convert_type3A_373 = tpu.bitcast %shift_left3A_372 : vector<16xi32> -> vector<16xf32>
        %add3A_374 = arith.addf %bitcast_convert_type3A, %bitcast_convert_type3A_373 : vector<16xf32>
        %add3A_375 = arith.constant 3 : i32
        %add3A_376 = arith.addi %mul3A_327, %add3A_375 : i32
        %get3A_377 = arith.constant 0 : i32
        %get3A_378 = arith.index_cast %get3A_377 : i32 to index
        %get3A_379 = arith.index_cast %add3A_376 : i32 to index
        %get3A_380 = arith.constant 0 : index
        %get3A_381 = tpu.vector_load %arg6[%get3A_378, %get3A_379, %get3A_380] {strides = array<i32>} : memref<2x640x16xi32, #tpu.memory_space<vmem>>, vector<1x1x16xi32>,
        %get3A_382 = vector.shape_cast %get3A_381 : vector<1x1x16xi32> to vector<16xi32>
        %shift_left3A_383 = arith.shli %get3A_382, %broadcast_in_dim3A_3 : vector<16xi32>
        %bitcast_convert_type3A_384 = tpu.bitcast %shift_left3A_383 : vector<16xi32> -> vector<16xf32>
        %add3A_385 = arith.addf %bitcast_convert_type3A_344, %bitcast_convert_type3A_384 : vector<16xf32>
        %add3A_386 = arith.constant 2 : i32
        %add3A_387 = arith.addi %mul3A_327, %add3A_386 : i32
        %get3A_388 = arith.constant 0 : i32
        %get3A_389 = arith.index_cast %get3A_388 : i32 to index
        %get3A_390 = arith.index_cast %add3A_387 : i32 to index
        %get3A_391 = arith.constant 0 : index
        %get3A_392 = tpu.vector_load %arg6[%get3A_389, %get3A_390, %get3A_391] {strides = array<i32>} : memref<2x640x16xi32, #tpu.memory_space<vmem>>, vector<1x1x16xi32>,
        %get3A_393 = vector.shape_cast %get3A_392 : vector<1x1x16xi32> to vector<16xi32>
        %and3A_394 = arith.andi %get3A_393, %broadcast_in_dim3A_5 : vector<16xi32>
        %bitcast_convert_type3A_395 = tpu.bitcast %and3A_394 : vector<16xi32> -> vector<16xf32>
        %add3A_396 = arith.addf %bitcast_convert_type3A_353, %bitcast_convert_type3A_395 : vector<16xf32>
        %add3A_397 = arith.constant 3 : i32
        %add3A_398 = arith.addi %mul3A_327, %add3A_397 : i32
        %get3A_399 = arith.constant 0 : i32
        %get3A_400 = arith.index_cast %get3A_399 : i32 to index
        %get3A_401 = arith.index_cast %add3A_398 : i32 to index
        %get3A_402 = arith.constant 0 : index
        %get3A_403 = tpu.vector_load %arg6[%get3A_400, %get3A_401, %get3A_402] {strides = array<i32>} : memref<2x640x16xi32, #tpu.memory_space<vmem>>, vector<1x1x16xi32>,
        %get3A_404 = vector.shape_cast %get3A_403 : vector<1x1x16xi32> to vector<16xi32>
        %and3A_405 = arith.andi %get3A_404, %broadcast_in_dim3A_5 : vector<16xi32>
        %bitcast_convert_type3A_406 = tpu.bitcast %and3A_405 : vector<16xi32> -> vector<16xf32>
        %add3A_407 = arith.addf %bitcast_convert_type3A_363, %bitcast_convert_type3A_406 : vector<16xf32>
        %add3A_408 = arith.constant 4 : i32
        %add3A_409 = arith.addi %mul3A_327, %add3A_408 : i32
        %get3A_410 = arith.constant 0 : i32
        %get3A_411 = arith.index_cast %get3A_410 : i32 to index
        %get3A_412 = arith.index_cast %add3A_409 : i32 to index
        %get3A_413 = arith.constant 0 : index
        %get3A_414 = tpu.vector_load %arg6[%get3A_411, %get3A_412, %get3A_413] {strides = array<i32>} : memref<2x640x16xi32, #tpu.memory_space<vmem>>, vector<1x1x16xi32>,
        %get3A_415 = vector.shape_cast %get3A_414 : vector<1x1x16xi32> to vector<16xi32>
        %shift_left3A_416 = arith.shli %get3A_415, %broadcast_in_dim3A_3 : vector<16xi32>
        %bitcast_convert_type3A_417 = tpu.bitcast %shift_left3A_416 : vector<16xi32> -> vector<16xf32>
        %add3A_418 = arith.addf %add3A_374, %bitcast_convert_type3A_417 : vector<16xf32>
        %add3A_419 = arith.constant 5 : i32
        %add3A_420 = arith.addi %mul3A_327, %add3A_419 : i32
        %get3A_421 = arith.constant 0 : i32
        %get3A_422 = arith.index_cast %get3A_421 : i32 to index
        %get3A_423 = arith.index_cast %add3A_420 : i32 to index
        %get3A_424 = arith.constant 0 : index
        %get3A_425 = tpu.vector_load %arg6[%get3A_422, %get3A_423, %get3A_424] {strides = array<i32>} : memref<2x640x16xi32, #tpu.memory_space<vmem>>, vector<1x1x16xi32>,
        %get3A_426 = vector.shape_cast %get3A_425 : vector<1x1x16xi32> to vector<16xi32>
        %shift_left3A_427 = arith.shli %get3A_426, %broadcast_in_dim3A_3 : vector<16xi32>
        %bitcast_convert_type3A_428 = tpu.bitcast %shift_left3A_427 : vector<16xi32> -> vector<16xf32>
        %add3A_429 = arith.addf %add3A_385, %bitcast_convert_type3A_428 : vector<16xf32>
        %add3A_430 = arith.constant 4 : i32
        %add3A_431 = arith.addi %mul3A_327, %add3A_430 : i32
        %get3A_432 = arith.constant 0 : i32
        %get3A_433 = arith.index_cast %get3A_432 : i32 to index
        %get3A_434 = arith.index_cast %add3A_431 : i32 to index
        %get3A_435 = arith.constant 0 : index
        %get3A_436 = tpu.vector_load %arg6[%get3A_433, %get3A_434, %get3A_435] {strides = array<i32>} : memref<2x640x16xi32, #tpu.memory_space<vmem>>, vector<1x1x16xi32>,
        %get3A_437 = vector.shape_cast %get3A_436 : vector<1x1x16xi32> to vector<16xi32>
        %and3A_438 = arith.andi %get3A_437, %broadcast_in_dim3A_5 : vector<16xi32>
        %bitcast_convert_type3A_439 = tpu.bitcast %and3A_438 : vector<16xi32> -> vector<16xf32>
        %add3A_440 = arith.addf %add3A_396, %bitcast_convert_type3A_439 : vector<16xf32>
        %add3A_441 = arith.constant 5 : i32
        %add3A_442 = arith.addi %mul3A_327, %add3A_441 : i32
        %get3A_443 = arith.constant 0 : i32
        %get3A_444 = arith.index_cast %get3A_443 : i32 to index
        %get3A_445 = arith.index_cast %add3A_442 : i32 to index
        %get3A_446 = arith.constant 0 : index
        %get3A_447 = tpu.vector_load %arg6[%get3A_444, %get3A_445, %get3A_446] {strides = array<i32>} : memref<2x640x16xi32, #tpu.memory_space<vmem>>, vector<1x1x16xi32>,
        %get3A_448 = vector.shape_cast %get3A_447 : vector<1x1x16xi32> to vector<16xi32>
        %and3A_449 = arith.andi %get3A_448, %broadcast_in_dim3A_5 : vector<16xi32>
        %bitcast_convert_type3A_450 = tpu.bitcast %and3A_449 : vector<16xi32> -> vector<16xf32>
        %add3A_451 = arith.addf %add3A_407, %bitcast_convert_type3A_450 : vector<16xf32>
        %add3A_452 = arith.constant 6 : i32
        %add3A_453 = arith.addi %mul3A_327, %add3A_452 : i32
        %get3A_454 = arith.constant 0 : i32
        %get3A_455 = arith.index_cast %get3A_454 : i32 to index
        %get3A_456 = arith.index_cast %add3A_453 : i32 to index
        %get3A_457 = arith.constant 0 : index
        %get3A_458 = tpu.vector_load %arg6[%get3A_455, %get3A_456, %get3A_457] {strides = array<i32>} : memref<2x640x16xi32, #tpu.memory_space<vmem>>, vector<1x1x16xi32>,
        %get3A_459 = vector.shape_cast %get3A_458 : vector<1x1x16xi32> to vector<16xi32>
        %shift_left3A_460 = arith.shli %get3A_459, %broadcast_in_dim3A_3 : vector<16xi32>
        %bitcast_convert_type3A_461 = tpu.bitcast %shift_left3A_460 : vector<16xi32> -> vector<16xf32>
        %add3A_462 = arith.addf %add3A_418, %bitcast_convert_type3A_461 : vector<16xf32>
        %add3A_463 = arith.constant 7 : i32
        %add3A_464 = arith.addi %mul3A_327, %add3A_463 : i32
        %get3A_465 = arith.constant 0 : i32
        %get3A_466 = arith.index_cast %get3A_465 : i32 to index
        %get3A_467 = arith.index_cast %add3A_464 : i32 to index
        %get3A_468 = arith.constant 0 : index
        %get3A_469 = tpu.vector_load %arg6[%get3A_466, %get3A_467, %get3A_468] {strides = array<i32>} : memref<2x640x16xi32, #tpu.memory_space<vmem>>, vector<1x1x16xi32>,
        %get3A_470 = vector.shape_cast %get3A_469 : vector<1x1x16xi32> to vector<16xi32>
        %shift_left3A_471 = arith.shli %get3A_470, %broadcast_in_dim3A_3 : vector<16xi32>
        %bitcast_convert_type3A_472 = tpu.bitcast %shift_left3A_471 : vector<16xi32> -> vector<16xf32>
        %add3A_473 = arith.addf %add3A_429, %bitcast_convert_type3A_472 : vector<16xf32>
        %add3A_474 = arith.constant 6 : i32
        %add3A_475 = arith.addi %mul3A_327, %add3A_474 : i32
        %get3A_476 = arith.constant 0 : i32
        %get3A_477 = arith.index_cast %get3A_476 : i32 to index
        %get3A_478 = arith.index_cast %add3A_475 : i32 to index
        %get3A_479 = arith.constant 0 : index
        %get3A_480 = tpu.vector_load %arg6[%get3A_477, %get3A_478, %get3A_479] {strides = array<i32>} : memref<2x640x16xi32, #tpu.memory_space<vmem>>, vector<1x1x16xi32>,
        %get3A_481 = vector.shape_cast %get3A_480 : vector<1x1x16xi32> to vector<16xi32>
        %and3A_482 = arith.andi %get3A_481, %broadcast_in_dim3A_5 : vector<16xi32>
        %bitcast_convert_type3A_483 = tpu.bitcast %and3A_482 : vector<16xi32> -> vector<16xf32>
        %add3A_484 = arith.addf %add3A_440, %bitcast_convert_type3A_483 : vector<16xf32>
        %add3A_485 = arith.constant 7 : i32
        %add3A_486 = arith.addi %mul3A_327, %add3A_485 : i32
        %get3A_487 = arith.constant 0 : i32
        %get3A_488 = arith.index_cast %get3A_487 : i32 to index
        %get3A_489 = arith.index_cast %add3A_486 : i32 to index
        %get3A_490 = arith.constant 0 : index
        %get3A_491 = tpu.vector_load %arg6[%get3A_488, %get3A_489, %get3A_490] {strides = array<i32>} : memref<2x640x16xi32, #tpu.memory_space<vmem>>, vector<1x1x16xi32>,
        %get3A_492 = vector.shape_cast %get3A_491 : vector<1x1x16xi32> to vector<16xi32>
        %and3A_493 = arith.andi %get3A_492, %broadcast_in_dim3A_5 : vector<16xi32>
        %bitcast_convert_type3A_494 = tpu.bitcast %and3A_493 : vector<16xi32> -> vector<16xf32>
        %add3A_495 = arith.addf %add3A_451, %bitcast_convert_type3A_494 : vector<16xf32>
        %add3A_496 = arith.constant 8 : i32
        %add3A_497 = arith.addi %mul3A_327, %add3A_496 : i32
        %get3A_498 = arith.constant 0 : i32
        %get3A_499 = arith.index_cast %get3A_498 : i32 to index
        %get3A_500 = arith.index_cast %add3A_497 : i32 to index
        %get3A_501 = arith.constant 0 : index
        %get3A_502 = tpu.vector_load %arg6[%get3A_499, %get3A_500, %get3A_501] {strides = array<i32>} : memref<2x640x16xi32, #tpu.memory_space<vmem>>, vector<1x1x16xi32>,
        %get3A_503 = vector.shape_cast %get3A_502 : vector<1x1x16xi32> to vector<16xi32>
        %shift_left3A_504 = arith.shli %get3A_503, %broadcast_in_dim3A_3 : vector<16xi32>
        %bitcast_convert_type3A_505 = tpu.bitcast %shift_left3A_504 : vector<16xi32> -> vector<16xf32>
        %add3A_506 = arith.addf %add3A_462, %bitcast_convert_type3A_505 : vector<16xf32>
        %add3A_507 = arith.constant 9 : i32
        %add3A_508 = arith.addi %mul3A_327, %add3A_507 : i32
        %get3A_509 = arith.constant 0 : i32
        %get3A_510 = arith.index_cast %get3A_509 : i32 to index
        %get3A_511 = arith.index_cast %add3A_508 : i32 to index
        %get3A_512 = arith.constant 0 : index
        %get3A_513 = tpu.vector_load %arg6[%get3A_510, %get3A_511, %get3A_512] {strides = array<i32>} : memref<2x640x16xi32, #tpu.memory_space<vmem>>, vector<1x1x16xi32>,
        %get3A_514 = vector.shape_cast %get3A_513 : vector<1x1x16xi32> to vector<16xi32>
        %shift_left3A_515 = arith.shli %get3A_514, %broadcast_in_dim3A_3 : vector<16xi32>
        %bitcast_convert_type3A_516 = tpu.bitcast %shift_left3A_515 : vector<16xi32> -> vector<16xf32>
        %add3A_517 = arith.addf %add3A_473, %bitcast_convert_type3A_516 : vector<16xf32>
        %add3A_518 = arith.constant 8 : i32
        %add3A_519 = arith.addi %mul3A_327, %add3A_518 : i32
        %get3A_520 = arith.constant 0 : i32
        %get3A_521 = arith.index_cast %get3A_520 : i32 to index
        %get3A_522 = arith.index_cast %add3A_519 : i32 to index
        %get3A_523 = arith.constant 0 : index
        %get3A_524 = tpu.vector_load %arg6[%get3A_521, %get3A_522, %get3A_523] {strides = array<i32>} : memref<2x640x16xi32, #tpu.memory_space<vmem>>, vector<1x1x16xi32>,
        %get3A_525 = vector.shape_cast %get3A_524 : vector<1x1x16xi32> to vector<16xi32>
        %and3A_526 = arith.andi %get3A_525, %broadcast_in_dim3A_5 : vector<16xi32>
        %bitcast_convert_type3A_527 = tpu.bitcast %and3A_526 : vector<16xi32> -> vector<16xf32>
        %add3A_528 = arith.addf %add3A_484, %bitcast_convert_type3A_527 : vector<16xf32>
        %add3A_529 = arith.constant 9 : i32
        %add3A_530 = arith.addi %mul3A_327, %add3A_529 : i32
        %get3A_531 = arith.constant 0 : i32
        %get3A_532 = arith.index_cast %get3A_531 : i32 to index
        %get3A_533 = arith.index_cast %add3A_530 : i32 to index
        %get3A_534 = arith.constant 0 : index
        %get3A_535 = tpu.vector_load %arg6[%get3A_532, %get3A_533, %get3A_534] {strides = array<i32>} : memref<2x640x16xi32, #tpu.memory_space<vmem>>, vector<1x1x16xi32>,
        %get3A_536 = vector.shape_cast %get3A_535 : vector<1x1x16xi32> to vector<16xi32>
        %and3A_537 = arith.andi %get3A_536, %broadcast_in_dim3A_5 : vector<16xi32>
        %bitcast_convert_type3A_538 = tpu.bitcast %and3A_537 : vector<16xi32> -> vector<16xf32>
        %add3A_539 = arith.addf %add3A_495, %bitcast_convert_type3A_538 : vector<16xf32>
        %add3A_540 = arith.constant 10 : i32
        %add3A_541 = arith.addi %mul3A_327, %add3A_540 : i32
        %get3A_542 = arith.constant 0 : i32
        %get3A_543 = arith.index_cast %get3A_542 : i32 to index
        %get3A_544 = arith.index_cast %add3A_541 : i32 to index
        %get3A_545 = arith.constant 0 : index
        %get3A_546 = tpu.vector_load %arg6[%get3A_543, %get3A_544, %get3A_545] {strides = array<i32>} : memref<2x640x16xi32, #tpu.memory_space<vmem>>, vector<1x1x16xi32>,
        %get3A_547 = vector.shape_cast %get3A_546 : vector<1x1x16xi32> to vector<16xi32>
        %shift_left3A_548 = arith.shli %get3A_547, %broadcast_in_dim3A_3 : vector<16xi32>
        %bitcast_convert_type3A_549 = tpu.bitcast %shift_left3A_548 : vector<16xi32> -> vector<16xf32>
        %add3A_550 = arith.addf %add3A_506, %bitcast_convert_type3A_549 : vector<16xf32>
        %add3A_551 = arith.constant 11 : i32
        %add3A_552 = arith.addi %mul3A_327, %add3A_551 : i32
        %get3A_553 = arith.constant 0 : i32
        %get3A_554 = arith.index_cast %get3A_553 : i32 to index
        %get3A_555 = arith.index_cast %add3A_552 : i32 to index
        %get3A_556 = arith.constant 0 : index
        %get3A_557 = tpu.vector_load %arg6[%get3A_554, %get3A_555, %get3A_556] {strides = array<i32>} : memref<2x640x16xi32, #tpu.memory_space<vmem>>, vector<1x1x16xi32>,
        %get3A_558 = vector.shape_cast %get3A_557 : vector<1x1x16xi32> to vector<16xi32>
        %shift_left3A_559 = arith.shli %get3A_558, %broadcast_in_dim3A_3 : vector<16xi32>
        %bitcast_convert_type3A_560 = tpu.bitcast %shift_left3A_559 : vector<16xi32> -> vector<16xf32>
        %add3A_561 = arith.addf %add3A_517, %bitcast_convert_type3A_560 : vector<16xf32>
        %add3A_562 = arith.constant 10 : i32
        %add3A_563 = arith.addi %mul3A_327, %add3A_562 : i32
        %get3A_564 = arith.constant 0 : i32
        %get3A_565 = arith.index_cast %get3A_564 : i32 to index
        %get3A_566 = arith.index_cast %add3A_563 : i32 to index
        %get3A_567 = arith.constant 0 : index
        %get3A_568 = tpu.vector_load %arg6[%get3A_565, %get3A_566, %get3A_567] {strides = array<i32>} : memref<2x640x16xi32, #tpu.memory_space<vmem>>, vector<1x1x16xi32>,
        %get3A_569 = vector.shape_cast %get3A_568 : vector<1x1x16xi32> to vector<16xi32>
        %and3A_570 = arith.andi %get3A_569, %broadcast_in_dim3A_5 : vector<16xi32>
        %bitcast_convert_type3A_571 = tpu.bitcast %and3A_570 : vector<16xi32> -> vector<16xf32>
        %add3A_572 = arith.addf %add3A_528, %bitcast_convert_type3A_571 : vector<16xf32>
        %add3A_573 = arith.constant 11 : i32
        %add3A_574 = arith.addi %mul3A_327, %add3A_573 : i32
        %get3A_575 = arith.constant 0 : i32
        %get3A_576 = arith.index_cast %get3A_575 : i32 to index
        %get3A_577 = arith.index_cast %add3A_574 : i32 to index
        %get3A_578 = arith.constant 0 : index
        %get3A_579 = tpu.vector_load %arg6[%get3A_576, %get3A_577, %get3A_578] {strides = array<i32>} : memref<2x640x16xi32, #tpu.memory_space<vmem>>, vector<1x1x16xi32>,
        %get3A_580 = vector.shape_cast %get3A_579 : vector<1x1x16xi32> to vector<16xi32>
        %and3A_581 = arith.andi %get3A_580, %broadcast_in_dim3A_5 : vector<16xi32>
        %bitcast_convert_type3A_582 = tpu.bitcast %and3A_581 : vector<16xi32> -> vector<16xf32>
        %add3A_583 = arith.addf %add3A_539, %bitcast_convert_type3A_582 : vector<16xf32>
        %add3A_584 = arith.constant 12 : i32
        %add3A_585 = arith.addi %mul3A_327, %add3A_584 : i32
        %get3A_586 = arith.constant 0 : i32
        %get3A_587 = arith.index_cast %get3A_586 : i32 to index
        %get3A_588 = arith.index_cast %add3A_585 : i32 to index
        %get3A_589 = arith.constant 0 : index
        %get3A_590 = tpu.vector_load %arg6[%get3A_587, %get3A_588, %get3A_589] {strides = array<i32>} : memref<2x640x16xi32, #tpu.memory_space<vmem>>, vector<1x1x16xi32>,
        %get3A_591 = vector.shape_cast %get3A_590 : vector<1x1x16xi32> to vector<16xi32>
        %shift_left3A_592 = arith.shli %get3A_591, %broadcast_in_dim3A_3 : vector<16xi32>
        %bitcast_convert_type3A_593 = tpu.bitcast %shift_left3A_592 : vector<16xi32> -> vector<16xf32>
        %add3A_594 = arith.addf %add3A_550, %bitcast_convert_type3A_593 : vector<16xf32>
        %add3A_595 = arith.constant 13 : i32
        %add3A_596 = arith.addi %mul3A_327, %add3A_595 : i32
        %get3A_597 = arith.constant 0 : i32
        %get3A_598 = arith.index_cast %get3A_597 : i32 to index
        %get3A_599 = arith.index_cast %add3A_596 : i32 to index
        %get3A_600 = arith.constant 0 : index
        %get3A_601 = tpu.vector_load %arg6[%get3A_598, %get3A_599, %get3A_600] {strides = array<i32>} : memref<2x640x16xi32, #tpu.memory_space<vmem>>, vector<1x1x16xi32>,
        %get3A_602 = vector.shape_cast %get3A_601 : vector<1x1x16xi32> to vector<16xi32>
        %shift_left3A_603 = arith.shli %get3A_602, %broadcast_in_dim3A_3 : vector<16xi32>
        %bitcast_convert_type3A_604 = tpu.bitcast %shift_left3A_603 : vector<16xi32> -> vector<16xf32>
        %add3A_605 = arith.addf %add3A_561, %bitcast_convert_type3A_604 : vector<16xf32>
        %add3A_606 = arith.constant 12 : i32
        %add3A_607 = arith.addi %mul3A_327, %add3A_606 : i32
        %get3A_608 = arith.constant 0 : i32
        %get3A_609 = arith.index_cast %get3A_608 : i32 to index
        %get3A_610 = arith.index_cast %add3A_607 : i32 to index
        %get3A_611 = arith.constant 0 : index
        %get3A_612 = tpu.vector_load %arg6[%get3A_609, %get3A_610, %get3A_611] {strides = array<i32>} : memref<2x640x16xi32, #tpu.memory_space<vmem>>, vector<1x1x16xi32>,
        %get3A_613 = vector.shape_cast %get3A_612 : vector<1x1x16xi32> to vector<16xi32>
        %and3A_614 = arith.andi %get3A_613, %broadcast_in_dim3A_5 : vector<16xi32>
        %bitcast_convert_type3A_615 = tpu.bitcast %and3A_614 : vector<16xi32> -> vector<16xf32>
        %add3A_616 = arith.addf %add3A_572, %bitcast_convert_type3A_615 : vector<16xf32>
        %add3A_617 = arith.constant 13 : i32
        %add3A_618 = arith.addi %mul3A_327, %add3A_617 : i32
        %get3A_619 = arith.constant 0 : i32
        %get3A_620 = arith.index_cast %get3A_619 : i32 to index
        %get3A_621 = arith.index_cast %add3A_618 : i32 to index
        %get3A_622 = arith.constant 0 : index
        %get3A_623 = tpu.vector_load %arg6[%get3A_620, %get3A_621, %get3A_622] {strides = array<i32>} : memref<2x640x16xi32, #tpu.memory_space<vmem>>, vector<1x1x16xi32>,
        %get3A_624 = vector.shape_cast %get3A_623 : vector<1x1x16xi32> to vector<16xi32>
        %and3A_625 = arith.andi %get3A_624, %broadcast_in_dim3A_5 : vector<16xi32>
        %bitcast_convert_type3A_626 = tpu.bitcast %and3A_625 : vector<16xi32> -> vector<16xf32>
        %add3A_627 = arith.addf %add3A_583, %bitcast_convert_type3A_626 : vector<16xf32>
        %add3A_628 = arith.constant 14 : i32
        %add3A_629 = arith.addi %mul3A_327, %add3A_628 : i32
        %get3A_630 = arith.constant 0 : i32
        %get3A_631 = arith.index_cast %get3A_630 : i32 to index
        %get3A_632 = arith.index_cast %add3A_629 : i32 to index
        %get3A_633 = arith.constant 0 : index
        %get3A_634 = tpu.vector_load %arg6[%get3A_631, %get3A_632, %get3A_633] {strides = array<i32>} : memref<2x640x16xi32, #tpu.memory_space<vmem>>, vector<1x1x16xi32>,
        %get3A_635 = vector.shape_cast %get3A_634 : vector<1x1x16xi32> to vector<16xi32>
        %shift_left3A_636 = arith.shli %get3A_635, %broadcast_in_dim3A_3 : vector<16xi32>
        %bitcast_convert_type3A_637 = tpu.bitcast %shift_left3A_636 : vector<16xi32> -> vector<16xf32>
        %add3A_638 = arith.addf %add3A_594, %bitcast_convert_type3A_637 : vector<16xf32>
        %add3A_639 = arith.constant 15 : i32
        %add3A_640 = arith.addi %mul3A_327, %add3A_639 : i32
        %get3A_641 = arith.constant 0 : i32
        %get3A_642 = arith.index_cast %get3A_641 : i32 to index
        %get3A_643 = arith.index_cast %add3A_640 : i32 to index
        %get3A_644 = arith.constant 0 : index
        %get3A_645 = tpu.vector_load %arg6[%get3A_642, %get3A_643, %get3A_644] {strides = array<i32>} : memref<2x640x16xi32, #tpu.memory_space<vmem>>, vector<1x1x16xi32>,
        %get3A_646 = vector.shape_cast %get3A_645 : vector<1x1x16xi32> to vector<16xi32>
        %shift_left3A_647 = arith.shli %get3A_646, %broadcast_in_dim3A_3 : vector<16xi32>
        %bitcast_convert_type3A_648 = tpu.bitcast %shift_left3A_647 : vector<16xi32> -> vector<16xf32>
        %add3A_649 = arith.addf %add3A_605, %bitcast_convert_type3A_648 : vector<16xf32>
        %add3A_650 = arith.constant 14 : i32
        %add3A_651 = arith.addi %mul3A_327, %add3A_650 : i32
        %get3A_652 = arith.constant 0 : i32
        %get3A_653 = arith.index_cast %get3A_652 : i32 to index
        %get3A_654 = arith.index_cast %add3A_651 : i32 to index
        %get3A_655 = arith.constant 0 : index
        %get3A_656 = tpu.vector_load %arg6[%get3A_653, %get3A_654, %get3A_655] {strides = array<i32>} : memref<2x640x16xi32, #tpu.memory_space<vmem>>, vector<1x1x16xi32>,
        %get3A_657 = vector.shape_cast %get3A_656 : vector<1x1x16xi32> to vector<16xi32>
        %and3A_658 = arith.andi %get3A_657, %broadcast_in_dim3A_5 : vector<16xi32>
        %bitcast_convert_type3A_659 = tpu.bitcast %and3A_658 : vector<16xi32> -> vector<16xf32>
        %add3A_660 = arith.addf %add3A_616, %bitcast_convert_type3A_659 : vector<16xf32>
        %add3A_661 = arith.constant 15 : i32
        %add3A_662 = arith.addi %mul3A_327, %add3A_661 : i32
        %get3A_663 = arith.constant 0 : i32
        %get3A_664 = arith.index_cast %get3A_663 : i32 to index
        %get3A_665 = arith.index_cast %add3A_662 : i32 to index
        %get3A_666 = arith.constant 0 : index
        %get3A_667 = tpu.vector_load %arg6[%get3A_664, %get3A_665, %get3A_666] {strides = array<i32>} : memref<2x640x16xi32, #tpu.memory_space<vmem>>, vector<1x1x16xi32>,
        %get3A_668 = vector.shape_cast %get3A_667 : vector<1x1x16xi32> to vector<16xi32>
        %and3A_669 = arith.andi %get3A_668, %broadcast_in_dim3A_5 : vector<16xi32>
        %bitcast_convert_type3A_670 = tpu.bitcast %and3A_669 : vector<16xi32> -> vector<16xf32>
        %add3A_671 = arith.addf %add3A_627, %bitcast_convert_type3A_670 : vector<16xf32>
        %add3A_672 = arith.constant 16 : i32
        %add3A_673 = arith.addi %mul3A_327, %add3A_672 : i32
        %get3A_674 = arith.constant 0 : i32
        %get3A_675 = arith.index_cast %get3A_674 : i32 to index
        %get3A_676 = arith.index_cast %add3A_673 : i32 to index
        %get3A_677 = arith.constant 0 : index
        %get3A_678 = tpu.vector_load %arg6[%get3A_675, %get3A_676, %get3A_677] {strides = array<i32>} : memref<2x640x16xi32, #tpu.memory_space<vmem>>, vector<1x1x16xi32>,
        %get3A_679 = vector.shape_cast %get3A_678 : vector<1x1x16xi32> to vector<16xi32>
        %shift_left3A_680 = arith.shli %get3A_679, %broadcast_in_dim3A_3 : vector<16xi32>
        %bitcast_convert_type3A_681 = tpu.bitcast %shift_left3A_680 : vector<16xi32> -> vector<16xf32>
        %add3A_682 = arith.addf %add3A_638, %bitcast_convert_type3A_681 : vector<16xf32>
        %add3A_683 = arith.constant 17 : i32
        %add3A_684 = arith.addi %mul3A_327, %add3A_683 : i32
        %get3A_685 = arith.constant 0 : i32
        %get3A_686 = arith.index_cast %get3A_685 : i32 to index
        %get3A_687 = arith.index_cast %add3A_684 : i32 to index
        %get3A_688 = arith.constant 0 : index
        %get3A_689 = tpu.vector_load %arg6[%get3A_686, %get3A_687, %get3A_688] {strides = array<i32>} : memref<2x640x16xi32, #tpu.memory_space<vmem>>, vector<1x1x16xi32>,
        %get3A_690 = vector.shape_cast %get3A_689 : vector<1x1x16xi32> to vector<16xi32>
        %shift_left3A_691 = arith.shli %get3A_690, %broadcast_in_dim3A_3 : vector<16xi32>
        %bitcast_convert_type3A_692 = tpu.bitcast %shift_left3A_691 : vector<16xi32> -> vector<16xf32>
        %add3A_693 = arith.addf %add3A_649, %bitcast_convert_type3A_692 : vector<16xf32>
        %add3A_694 = arith.constant 16 : i32
        %add3A_695 = arith.addi %mul3A_327, %add3A_694 : i32
        %get3A_696 = arith.constant 0 : i32
        %get3A_697 = arith.index_cast %get3A_696 : i32 to index
        %get3A_698 = arith.index_cast %add3A_695 : i32 to index
        %get3A_699 = arith.constant 0 : index
        %get3A_700 = tpu.vector_load %arg6[%get3A_697, %get3A_698, %get3A_699] {strides = array<i32>} : memref<2x640x16xi32, #tpu.memory_space<vmem>>, vector<1x1x16xi32>,
        %get3A_701 = vector.shape_cast %get3A_700 : vector<1x1x16xi32> to vector<16xi32>
        %and3A_702 = arith.andi %get3A_701, %broadcast_in_dim3A_5 : vector<16xi32>
        %bitcast_convert_type3A_703 = tpu.bitcast %and3A_702 : vector<16xi32> -> vector<16xf32>
        %add3A_704 = arith.addf %add3A_660, %bitcast_convert_type3A_703 : vector<16xf32>
        %add3A_705 = arith.constant 17 : i32
        %add3A_706 = arith.addi %mul3A_327, %add3A_705 : i32
        %get3A_707 = arith.constant 0 : i32
        %get3A_708 = arith.index_cast %get3A_707 : i32 to index
        %get3A_709 = arith.index_cast %add3A_706 : i32 to index
        %get3A_710 = arith.constant 0 : index
        %get3A_711 = tpu.vector_load %arg6[%get3A_708, %get3A_709, %get3A_710] {strides = array<i32>} : memref<2x640x16xi32, #tpu.memory_space<vmem>>, vector<1x1x16xi32>,
        %get3A_712 = vector.shape_cast %get3A_711 : vector<1x1x16xi32> to vector<16xi32>
        %and3A_713 = arith.andi %get3A_712, %broadcast_in_dim3A_5 : vector<16xi32>
        %bitcast_convert_type3A_714 = tpu.bitcast %and3A_713 : vector<16xi32> -> vector<16xf32>
        %add3A_715 = arith.addf %add3A_671, %bitcast_convert_type3A_714 : vector<16xf32>
        %add3A_716 = arith.constant 18 : i32
        %add3A_717 = arith.addi %mul3A_327, %add3A_716 : i32
        %get3A_718 = arith.constant 0 : i32
        %get3A_719 = arith.index_cast %get3A_718 : i32 to index
        %get3A_720 = arith.index_cast %add3A_717 : i32 to index
        %get3A_721 = arith.constant 0 : index
        %get3A_722 = tpu.vector_load %arg6[%get3A_719, %get3A_720, %get3A_721] {strides = array<i32>} : memref<2x640x16xi32, #tpu.memory_space<vmem>>, vector<1x1x16xi32>,
        %get3A_723 = vector.shape_cast %get3A_722 : vector<1x1x16xi32> to vector<16xi32>
        %shift_left3A_724 = arith.shli %get3A_723, %broadcast_in_dim3A_3 : vector<16xi32>
        %bitcast_convert_type3A_725 = tpu.bitcast %shift_left3A_724 : vector<16xi32> -> vector<16xf32>
        %add3A_726 = arith.addf %add3A_682, %bitcast_convert_type3A_725 : vector<16xf32>
        %add3A_727 = arith.constant 19 : i32
        %add3A_728 = arith.addi %mul3A_327, %add3A_727 : i32
        %get3A_729 = arith.constant 0 : i32
        %get3A_730 = arith.index_cast %get3A_729 : i32 to index
        %get3A_731 = arith.index_cast %add3A_728 : i32 to index
        %get3A_732 = arith.constant 0 : index
        %get3A_733 = tpu.vector_load %arg6[%get3A_730, %get3A_731, %get3A_732] {strides = array<i32>} : memref<2x640x16xi32, #tpu.memory_space<vmem>>, vector<1x1x16xi32>,
        %get3A_734 = vector.shape_cast %get3A_733 : vector<1x1x16xi32> to vector<16xi32>
        %shift_left3A_735 = arith.shli %get3A_734, %broadcast_in_dim3A_3 : vector<16xi32>
        %bitcast_convert_type3A_736 = tpu.bitcast %shift_left3A_735 : vector<16xi32> -> vector<16xf32>
        %add3A_737 = arith.addf %add3A_693, %bitcast_convert_type3A_736 : vector<16xf32>
        %add3A_738 = arith.constant 18 : i32
        %add3A_739 = arith.addi %mul3A_327, %add3A_738 : i32
        %get3A_740 = arith.constant 0 : i32
        %get3A_741 = arith.index_cast %get3A_740 : i32 to index
        %get3A_742 = arith.index_cast %add3A_739 : i32 to index
        %get3A_743 = arith.constant 0 : index
        %get3A_744 = tpu.vector_load %arg6[%get3A_741, %get3A_742, %get3A_743] {strides = array<i32>} : memref<2x640x16xi32, #tpu.memory_space<vmem>>, vector<1x1x16xi32>,
        %get3A_745 = vector.shape_cast %get3A_744 : vector<1x1x16xi32> to vector<16xi32>
        %and3A_746 = arith.andi %get3A_745, %broadcast_in_dim3A_5 : vector<16xi32>
        %bitcast_convert_type3A_747 = tpu.bitcast %and3A_746 : vector<16xi32> -> vector<16xf32>
        %add3A_748 = arith.addf %add3A_704, %bitcast_convert_type3A_747 : vector<16xf32>
        %add3A_749 = arith.constant 19 : i32
        %add3A_750 = arith.addi %mul3A_327, %add3A_749 : i32
        %get3A_751 = arith.constant 0 : i32
        %get3A_752 = arith.index_cast %get3A_751 : i32 to index
        %get3A_753 = arith.index_cast %add3A_750 : i32 to index
        %get3A_754 = arith.constant 0 : index
        %get3A_755 = tpu.vector_load %arg6[%get3A_752, %get3A_753, %get3A_754] {strides = array<i32>} : memref<2x640x16xi32, #tpu.memory_space<vmem>>, vector<1x1x16xi32>,
        %get3A_756 = vector.shape_cast %get3A_755 : vector<1x1x16xi32> to vector<16xi32>
        %and3A_757 = arith.andi %get3A_756, %broadcast_in_dim3A_5 : vector<16xi32>
        %bitcast_convert_type3A_758 = tpu.bitcast %and3A_757 : vector<16xi32> -> vector<16xf32>
        %add3A_759 = arith.addf %add3A_715, %bitcast_convert_type3A_758 : vector<16xf32>
        %mul3A_760 = arith.constant 128 : i32
        %mul3A_761 = arith.muli %add3A_325, %mul3A_760 : i32
        %add3A_762 = arith.constant 0 : i32
        %add3A_763 = arith.addi %add3A_762, %mul3A_761 : i32
        %add3A_764 = arith.addf %add3A_726, %add3A_737 : vector<16xf32>
        %swap3A = arith.index_cast %add3A_763 : i32 to index
        %swap3A_765 = tpu.vector_load %arg7[%swap3A] {strides = array<i32>} : memref<8192xf32, #tpu.memory_space<vmem>>, vector<16xf32>,
        %swap3A_766 = vector.shape_cast %swap3A_765 : vector<16xf32> to vector<16xf32>
        %swap3A_767 = vector.shape_cast %add3A_764 : vector<16xf32> to vector<16xf32>
        tpu.vector_store %arg7[%swap3A], %swap3A_767 {strides = array<i32>} : memref<8192xf32, #tpu.memory_space<vmem>>, vector<16xf32>,
        %add3A_768 = arith.addf %add3A_748, %add3A_759 : vector<16xf32>
        %add3A_769 = arith.constant 16 : i32
        %add3A_770 = arith.addi %add3A_763, %add3A_769 : i32
        %swap3A_771 = arith.index_cast %add3A_770 : i32 to index
        %swap3A_772 = tpu.vector_load %arg7[%swap3A_771] {strides = array<i32>} : memref<8192xf32, #tpu.memory_space<vmem>>, vector<16xf32>,
        %swap3A_773 = vector.shape_cast %swap3A_772 : vector<16xf32> to vector<16xf32>
        %swap3A_774 = vector.shape_cast %add3A_768 : vector<16xf32> to vector<16xf32>
        tpu.vector_store %arg7[%swap3A_771], %swap3A_774 {strides = array<i32>} : memref<8192xf32, #tpu.memory_space<vmem>>, vector<16xf32>,
        %scan3A_775 = arith.constant 1 : i32
        %scan3A_776 = arith.addi %scan3A_321, %scan3A_775 : i32
        %mul3A_777 = arith.constant 1 : i32
        %mul3A_778 = arith.muli %scan3A_776, %mul3A_777 : i32
        %add3A_779 = arith.constant 0 : i32
        %add3A_780 = arith.addi %add3A_779, %mul3A_778 : i32
        %mul3A_781 = arith.constant 20 : i32
        %mul3A_782 = arith.muli %add3A_780, %mul3A_781 : i32
        %add3A_783 = arith.constant 0 : i32
        %add3A_784 = arith.addi %mul3A_782, %add3A_783 : i32
        %get3A_785 = arith.constant 0 : i32
        %get3A_786 = arith.index_cast %get3A_785 : i32 to index
        %get3A_787 = arith.index_cast %add3A_784 : i32 to index
        %get3A_788 = arith.constant 0 : index
        %get3A_789 = tpu.vector_load %arg6[%get3A_786, %get3A_787, %get3A_788] {strides = array<i32>} : memref<2x640x16xi32, #tpu.memory_space<vmem>>, vector<1x1x16xi32>,
        %get3A_790 = vector.shape_cast %get3A_789 : vector<1x1x16xi32> to vector<16xi32>
        %shift_left3A_791 = arith.shli %get3A_790, %broadcast_in_dim3A_3 : vector<16xi32>
        %bitcast_convert_type3A_792 = tpu.bitcast %shift_left3A_791 : vector<16xi32> -> vector<16xf32>
        %add3A_793 = arith.constant 1 : i32
        %add3A_794 = arith.addi %mul3A_782, %add3A_793 : i32
        %get3A_795 = arith.constant 0 : i32
        %get3A_796 = arith.index_cast %get3A_795 : i32 to index
        %get3A_797 = arith.index_cast %add3A_794 : i32 to index
        %get3A_798 = arith.constant 0 : index
        %get3A_799 = tpu.vector_load %arg6[%get3A_796, %get3A_797, %get3A_798] {strides = array<i32>} : memref<2x640x16xi32, #tpu.memory_space<vmem>>, vector<1x1x16xi32>,
        %get3A_800 = vector.shape_cast %get3A_799 : vector<1x1x16xi32> to vector<16xi32>
        %shift_left3A_801 = arith.shli %get3A_800, %broadcast_in_dim3A_3 : vector<16xi32>
        %bitcast_convert_type3A_802 = tpu.bitcast %shift_left3A_801 : vector<16xi32> -> vector<16xf32>
        %add3A_803 = arith.constant 0 : i32
        %add3A_804 = arith.addi %mul3A_782, %add3A_803 : i32
        %get3A_805 = arith.constant 0 : i32
        %get3A_806 = arith.index_cast %get3A_805 : i32 to index
        %get3A_807 = arith.index_cast %add3A_804 : i32 to index
        %get3A_808 = arith.constant 0 : index
        %get3A_809 = tpu.vector_load %arg6[%get3A_806, %get3A_807, %get3A_808] {strides = array<i32>} : memref<2x640x16xi32, #tpu.memory_space<vmem>>, vector<1x1x16xi32>,
        %get3A_810 = vector.shape_cast %get3A_809 : vector<1x1x16xi32> to vector<16xi32>
        %and3A_811 = arith.andi %get3A_810, %broadcast_in_dim3A_5 : vector<16xi32>
        %bitcast_convert_type3A_812 = tpu.bitcast %and3A_811 : vector<16xi32> -> vector<16xf32>
        %add3A_813 = arith.constant 1 : i32
        %add3A_814 = arith.addi %mul3A_782, %add3A_813 : i32
        %get3A_815 = arith.constant 0 : i32
        %get3A_816 = arith.index_cast %get3A_815 : i32 to index
        %get3A_817 = arith.index_cast %add3A_814 : i32 to index
        %get3A_818 = arith.constant 0 : index
        %get3A_819 = tpu.vector_load %arg6[%get3A_816, %get3A_817, %get3A_818] {strides = array<i32>} : memref<2x640x16xi32, #tpu.memory_space<vmem>>, vector<1x1x16xi32>,
        %get3A_820 = vector.shape_cast %get3A_819 : vector<1x1x16xi32> to vector<16xi32>
        %and3A_821 = arith.andi %get3A_820, %broadcast_in_dim3A_5 : vector<16xi32>
        %bitcast_convert_type3A_822 = tpu.bitcast %and3A_821 : vector<16xi32> -> vector<16xf32>
        %add3A_823 = arith.constant 2 : i32
        %add3A_824 = arith.addi %mul3A_782, %add3A_823 : i32
        %get3A_825 = arith.constant 0 : i32
        %get3A_826 = arith.index_cast %get3A_825 : i32 to index
        %get3A_827 = arith.index_cast %add3A_824 : i32 to index
        %get3A_828 = arith.constant 0 : index
        %get3A_829 = tpu.vector_load %arg6[%get3A_826, %get3A_827, %get3A_828] {strides = array<i32>} : memref<2x640x16xi32, #tpu.memory_space<vmem>>, vector<1x1x16xi32>,
        %get3A_830 = vector.shape_cast %get3A_829 : vector<1x1x16xi32> to vector<16xi32>
        %shift_left3A_831 = arith.shli %get3A_830, %broadcast_in_dim3A_3 : vector<16xi32>
        %bitcast_convert_type3A_832 = tpu.bitcast %shift_left3A_831 : vector<16xi32> -> vector<16xf32>
        %add3A_833 = arith.addf %bitcast_convert_type3A_792, %bitcast_convert_type3A_832 : vector<16xf32>
        %add3A_834 = arith.constant 3 : i32
        %add3A_835 = arith.addi %mul3A_782, %add3A_834 : i32
        %get3A_836 = arith.constant 0 : i32
        %get3A_837 = arith.index_cast %get3A_836 : i32 to index
        %get3A_838 = arith.index_cast %add3A_835 : i32 to index
        %get3A_839 = arith.constant 0 : index
        %get3A_840 = tpu.vector_load %arg6[%get3A_837, %get3A_838, %get3A_839] {strides = array<i32>} : memref<2x640x16xi32, #tpu.memory_space<vmem>>, vector<1x1x16xi32>,
        %get3A_841 = vector.shape_cast %get3A_840 : vector<1x1x16xi32> to vector<16xi32>
        %shift_left3A_842 = arith.shli %get3A_841, %broadcast_in_dim3A_3 : vector<16xi32>
        %bitcast_convert_type3A_843 = tpu.bitcast %shift_left3A_842 : vector<16xi32> -> vector<16xf32>
        %add3A_844 = arith.addf %bitcast_convert_type3A_802, %bitcast_convert_type3A_843 : vector<16xf32>
        %add3A_845 = arith.constant 2 : i32
        %add3A_846 = arith.addi %mul3A_782, %add3A_845 : i32
        %get3A_847 = arith.constant 0 : i32
        %get3A_848 = arith.index_cast %get3A_847 : i32 to index
        %get3A_849 = arith.index_cast %add3A_846 : i32 to index
        %get3A_850 = arith.constant 0 : index
        %get3A_851 = tpu.vector_load %arg6[%get3A_848, %get3A_849, %get3A_850] {strides = array<i32>} : memref<2x640x16xi32, #tpu.memory_space<vmem>>, vector<1x1x16xi32>,
        %get3A_852 = vector.shape_cast %get3A_851 : vector<1x1x16xi32> to vector<16xi32>
        %and3A_853 = arith.andi %get3A_852, %broadcast_in_dim3A_5 : vector<16xi32>
        %bitcast_convert_type3A_854 = tpu.bitcast %and3A_853 : vector<16xi32> -> vector<16xf32>
        %add3A_855 = arith.addf %bitcast_convert_type3A_812, %bitcast_convert_type3A_854 : vector<16xf32>
        %add3A_856 = arith.constant 3 : i32
        %add3A_857 = arith.addi %mul3A_782, %add3A_856 : i32
        %get3A_858 = arith.constant 0 : i32
        %get3A_859 = arith.index_cast %get3A_858 : i32 to index
        %get3A_860 = arith.index_cast %add3A_857 : i32 to index
        %get3A_861 = arith.constant 0 : index
        %get3A_862 = tpu.vector_load %arg6[%get3A_859, %get3A_860, %get3A_861] {strides = array<i32>} : memref<2x640x16xi32, #tpu.memory_space<vmem>>, vector<1x1x16xi32>,
        %get3A_863 = vector.shape_cast %get3A_862 : vector<1x1x16xi32> to vector<16xi32>
        %and3A_864 = arith.andi %get3A_863, %broadcast_in_dim3A_5 : vector<16xi32>
        %bitcast_convert_type3A_865 = tpu.bitcast %and3A_864 : vector<16xi32> -> vector<16xf32>
        %add3A_866 = arith.addf %bitcast_convert_type3A_822, %bitcast_convert_type3A_865 : vector<16xf32>
        %add3A_867 = arith.constant 4 : i32
        %add3A_868 = arith.addi %mul3A_782, %add3A_867 : i32
        %get3A_869 = arith.constant 0 : i32
        %get3A_870 = arith.index_cast %get3A_869 : i32 to index
        %get3A_871 = arith.index_cast %add3A_868 : i32 to index
        %get3A_872 = arith.constant 0 : index
        %get3A_873 = tpu.vector_load %arg6[%get3A_870, %get3A_871, %get3A_872] {strides = array<i32>} : memref<2x640x16xi32, #tpu.memory_space<vmem>>, vector<1x1x16xi32>,
        %get3A_874 = vector.shape_cast %get3A_873 : vector<1x1x16xi32> to vector<16xi32>
        %shift_left3A_875 = arith.shli %get3A_874, %broadcast_in_dim3A_3 : vector<16xi32>
        %bitcast_convert_type3A_876 = tpu.bitcast %shift_left3A_875 : vector<16xi32> -> vector<16xf32>
        %add3A_877 = arith.addf %add3A_833, %bitcast_convert_type3A_876 : vector<16xf32>
        %add3A_878 = arith.constant 5 : i32
        %add3A_879 = arith.addi %mul3A_782, %add3A_878 : i32
        %get3A_880 = arith.constant 0 : i32
        %get3A_881 = arith.index_cast %get3A_880 : i32 to index
        %get3A_882 = arith.index_cast %add3A_879 : i32 to index
        %get3A_883 = arith.constant 0 : index
        %get3A_884 = tpu.vector_load %arg6[%get3A_881, %get3A_882, %get3A_883] {strides = array<i32>} : memref<2x640x16xi32, #tpu.memory_space<vmem>>, vector<1x1x16xi32>,
        %get3A_885 = vector.shape_cast %get3A_884 : vector<1x1x16xi32> to vector<16xi32>
        %shift_left3A_886 = arith.shli %get3A_885, %broadcast_in_dim3A_3 : vector<16xi32>
        %bitcast_convert_type3A_887 = tpu.bitcast %shift_left3A_886 : vector<16xi32> -> vector<16xf32>
        %add3A_888 = arith.addf %add3A_844, %bitcast_convert_type3A_887 : vector<16xf32>
        %add3A_889 = arith.constant 4 : i32
        %add3A_890 = arith.addi %mul3A_782, %add3A_889 : i32
        %get3A_891 = arith.constant 0 : i32
        %get3A_892 = arith.index_cast %get3A_891 : i32 to index
        %get3A_893 = arith.index_cast %add3A_890 : i32 to index
        %get3A_894 = arith.constant 0 : index
        %get3A_895 = tpu.vector_load %arg6[%get3A_892, %get3A_893, %get3A_894] {strides = array<i32>} : memref<2x640x16xi32, #tpu.memory_space<vmem>>, vector<1x1x16xi32>,
        %get3A_896 = vector.shape_cast %get3A_895 : vector<1x1x16xi32> to vector<16xi32>
        %and3A_897 = arith.andi %get3A_896, %broadcast_in_dim3A_5 : vector<16xi32>
        %bitcast_convert_type3A_898 = tpu.bitcast %and3A_897 : vector<16xi32> -> vector<16xf32>
        %add3A_899 = arith.addf %add3A_855, %bitcast_convert_type3A_898 : vector<16xf32>
        %add3A_900 = arith.constant 5 : i32
        %add3A_901 = arith.addi %mul3A_782, %add3A_900 : i32
        %get3A_902 = arith.constant 0 : i32
        %get3A_903 = arith.index_cast %get3A_902 : i32 to index
        %get3A_904 = arith.index_cast %add3A_901 : i32 to index
        %get3A_905 = arith.constant 0 : index
        %get3A_906 = tpu.vector_load %arg6[%get3A_903, %get3A_904, %get3A_905] {strides = array<i32>} : memref<2x640x16xi32, #tpu.memory_space<vmem>>, vector<1x1x16xi32>,
        %get3A_907 = vector.shape_cast %get3A_906 : vector<1x1x16xi32> to vector<16xi32>
        %and3A_908 = arith.andi %get3A_907, %broadcast_in_dim3A_5 : vector<16xi32>
        %bitcast_convert_type3A_909 = tpu.bitcast %and3A_908 : vector<16xi32> -> vector<16xf32>
        %add3A_910 = arith.addf %add3A_866, %bitcast_convert_type3A_909 : vector<16xf32>
        %add3A_911 = arith.constant 6 : i32
        %add3A_912 = arith.addi %mul3A_782, %add3A_911 : i32
        %get3A_913 = arith.constant 0 : i32
        %get3A_914 = arith.index_cast %get3A_913 : i32 to index
        %get3A_915 = arith.index_cast %add3A_912 : i32 to index
        %get3A_916 = arith.constant 0 : index
        %get3A_917 = tpu.vector_load %arg6[%get3A_914, %get3A_915, %get3A_916] {strides = array<i32>} : memref<2x640x16xi32, #tpu.memory_space<vmem>>, vector<1x1x16xi32>,
        %get3A_918 = vector.shape_cast %get3A_917 : vector<1x1x16xi32> to vector<16xi32>
        %shift_left3A_919 = arith.shli %get3A_918, %broadcast_in_dim3A_3 : vector<16xi32>
        %bitcast_convert_type3A_920 = tpu.bitcast %shift_left3A_919 : vector<16xi32> -> vector<16xf32>
        %add3A_921 = arith.addf %add3A_877, %bitcast_convert_type3A_920 : vector<16xf32>
        %add3A_922 = arith.constant 7 : i32
        %add3A_923 = arith.addi %mul3A_782, %add3A_922 : i32
        %get3A_924 = arith.constant 0 : i32
        %get3A_925 = arith.index_cast %get3A_924 : i32 to index
        %get3A_926 = arith.index_cast %add3A_923 : i32 to index
        %get3A_927 = arith.constant 0 : index
        %get3A_928 = tpu.vector_load %arg6[%get3A_925, %get3A_926, %get3A_927] {strides = array<i32>} : memref<2x640x16xi32, #tpu.memory_space<vmem>>, vector<1x1x16xi32>,
        %get3A_929 = vector.shape_cast %get3A_928 : vector<1x1x16xi32> to vector<16xi32>
        %shift_left3A_930 = arith.shli %get3A_929, %broadcast_in_dim3A_3 : vector<16xi32>
        %bitcast_convert_type3A_931 = tpu.bitcast %shift_left3A_930 : vector<16xi32> -> vector<16xf32>
        %add3A_932 = arith.addf %add3A_888, %bitcast_convert_type3A_931 : vector<16xf32>
        %add3A_933 = arith.constant 6 : i32
        %add3A_934 = arith.addi %mul3A_782, %add3A_933 : i32
        %get3A_935 = arith.constant 0 : i32
        %get3A_936 = arith.index_cast %get3A_935 : i32 to index
        %get3A_937 = arith.index_cast %add3A_934 : i32 to index
        %get3A_938 = arith.constant 0 : index
        %get3A_939 = tpu.vector_load %arg6[%get3A_936, %get3A_937, %get3A_938] {strides = array<i32>} : memref<2x640x16xi32, #tpu.memory_space<vmem>>, vector<1x1x16xi32>,
        %get3A_940 = vector.shape_cast %get3A_939 : vector<1x1x16xi32> to vector<16xi32>
        %and3A_941 = arith.andi %get3A_940, %broadcast_in_dim3A_5 : vector<16xi32>
        %bitcast_convert_type3A_942 = tpu.bitcast %and3A_941 : vector<16xi32> -> vector<16xf32>
        %add3A_943 = arith.addf %add3A_899, %bitcast_convert_type3A_942 : vector<16xf32>
        %add3A_944 = arith.constant 7 : i32
        %add3A_945 = arith.addi %mul3A_782, %add3A_944 : i32
        %get3A_946 = arith.constant 0 : i32
        %get3A_947 = arith.index_cast %get3A_946 : i32 to index
        %get3A_948 = arith.index_cast %add3A_945 : i32 to index
        %get3A_949 = arith.constant 0 : index
        %get3A_950 = tpu.vector_load %arg6[%get3A_947, %get3A_948, %get3A_949] {strides = array<i32>} : memref<2x640x16xi32, #tpu.memory_space<vmem>>, vector<1x1x16xi32>,
        %get3A_951 = vector.shape_cast %get3A_950 : vector<1x1x16xi32> to vector<16xi32>
        %and3A_952 = arith.andi %get3A_951, %broadcast_in_dim3A_5 : vector<16xi32>
        %bitcast_convert_type3A_953 = tpu.bitcast %and3A_952 : vector<16xi32> -> vector<16xf32>
        %add3A_954 = arith.addf %add3A_910, %bitcast_convert_type3A_953 : vector<16xf32>
        %add3A_955 = arith.constant 8 : i32
        %add3A_956 = arith.addi %mul3A_782, %add3A_955 : i32
        %get3A_957 = arith.constant 0 : i32
        %get3A_958 = arith.index_cast %get3A_957 : i32 to index
        %get3A_959 = arith.index_cast %add3A_956 : i32 to index
        %get3A_960 = arith.constant 0 : index
        %get3A_961 = tpu.vector_load %arg6[%get3A_958, %get3A_959, %get3A_960] {strides = array<i32>} : memref<2x640x16xi32, #tpu.memory_space<vmem>>, vector<1x1x16xi32>,
        %get3A_962 = vector.shape_cast %get3A_961 : vector<1x1x16xi32> to vector<16xi32>
        %shift_left3A_963 = arith.shli %get3A_962, %broadcast_in_dim3A_3 : vector<16xi32>
        %bitcast_convert_type3A_964 = tpu.bitcast %shift_left3A_963 : vector<16xi32> -> vector<16xf32>
        %add3A_965 = arith.addf %add3A_921, %bitcast_convert_type3A_964 : vector<16xf32>
        %add3A_966 = arith.constant 9 : i32
        %add3A_967 = arith.addi %mul3A_782, %add3A_966 : i32
        %get3A_968 = arith.constant 0 : i32
        %get3A_969 = arith.index_cast %get3A_968 : i32 to index
        %get3A_970 = arith.index_cast %add3A_967 : i32 to index
        %get3A_971 = arith.constant 0 : index
        %get3A_972 = tpu.vector_load %arg6[%get3A_969, %get3A_970, %get3A_971] {strides = array<i32>} : memref<2x640x16xi32, #tpu.memory_space<vmem>>, vector<1x1x16xi32>,
        %get3A_973 = vector.shape_cast %get3A_972 : vector<1x1x16xi32> to vector<16xi32>
        %shift_left3A_974 = arith.shli %get3A_973, %broadcast_in_dim3A_3 : vector<16xi32>
        %bitcast_convert_type3A_975 = tpu.bitcast %shift_left3A_974 : vector<16xi32> -> vector<16xf32>
        %add3A_976 = arith.addf %add3A_932, %bitcast_convert_type3A_975 : vector<16xf32>
        %add3A_977 = arith.constant 8 : i32
        %add3A_978 = arith.addi %mul3A_782, %add3A_977 : i32
        %get3A_979 = arith.constant 0 : i32
        %get3A_980 = arith.index_cast %get3A_979 : i32 to index
        %get3A_981 = arith.index_cast %add3A_978 : i32 to index
        %get3A_982 = arith.constant 0 : index
        %get3A_983 = tpu.vector_load %arg6[%get3A_980, %get3A_981, %get3A_982] {strides = array<i32>} : memref<2x640x16xi32, #tpu.memory_space<vmem>>, vector<1x1x16xi32>,
        %get3A_984 = vector.shape_cast %get3A_983 : vector<1x1x16xi32> to vector<16xi32>
        %and3A_985 = arith.andi %get3A_984, %broadcast_in_dim3A_5 : vector<16xi32>
        %bitcast_convert_type3A_986 = tpu.bitcast %and3A_985 : vector<16xi32> -> vector<16xf32>
        %add3A_987 = arith.addf %add3A_943, %bitcast_convert_type3A_986 : vector<16xf32>
        %add3A_988 = arith.constant 9 : i32
        %add3A_989 = arith.addi %mul3A_782, %add3A_988 : i32
        %get3A_990 = arith.constant 0 : i32
        %get3A_991 = arith.index_cast %get3A_990 : i32 to index
        %get3A_992 = arith.index_cast %add3A_989 : i32 to index
        %get3A_993 = arith.constant 0 : index
        %get3A_994 = tpu.vector_load %arg6[%get3A_991, %get3A_992, %get3A_993] {strides = array<i32>} : memref<2x640x16xi32, #tpu.memory_space<vmem>>, vector<1x1x16xi32>,
        %get3A_995 = vector.shape_cast %get3A_994 : vector<1x1x16xi32> to vector<16xi32>
        %and3A_996 = arith.andi %get3A_995, %broadcast_in_dim3A_5 : vector<16xi32>
        %bitcast_convert_type3A_997 = tpu.bitcast %and3A_996 : vector<16xi32> -> vector<16xf32>
        %add3A_998 = arith.addf %add3A_954, %bitcast_convert_type3A_997 : vector<16xf32>
        %add3A_999 = arith.constant 10 : i32
        %add3A_1000 = arith.addi %mul3A_782, %add3A_999 : i32
        %get3A_1001 = arith.constant 0 : i32
        %get3A_1002 = arith.index_cast %get3A_1001 : i32 to index
        %get3A_1003 = arith.index_cast %add3A_1000 : i32 to index
        %get3A_1004 = arith.constant 0 : index
        %get3A_1005 = tpu.vector_load %arg6[%get3A_1002, %get3A_1003, %get3A_1004] {strides = array<i32>} : memref<2x640x16xi32, #tpu.memory_space<vmem>>, vector<1x1x16xi32>,
        %get3A_1006 = vector.shape_cast %get3A_1005 : vector<1x1x16xi32> to vector<16xi32>
        %shift_left3A_1007 = arith.shli %get3A_1006, %broadcast_in_dim3A_3 : vector<16xi32>
        %bitcast_convert_type3A_1008 = tpu.bitcast %shift_left3A_1007 : vector<16xi32> -> vector<16xf32>
        %add3A_1009 = arith.addf %add3A_965, %bitcast_convert_type3A_1008 : vector<16xf32>
        %add3A_1010 = arith.constant 11 : i32
        %add3A_1011 = arith.addi %mul3A_782, %add3A_1010 : i32
        %get3A_1012 = arith.constant 0 : i32
        %get3A_1013 = arith.index_cast %get3A_1012 : i32 to index
        %get3A_1014 = arith.index_cast %add3A_1011 : i32 to index
        %get3A_1015 = arith.constant 0 : index
        %get3A_1016 = tpu.vector_load %arg6[%get3A_1013, %get3A_1014, %get3A_1015] {strides = array<i32>} : memref<2x640x16xi32, #tpu.memory_space<vmem>>, vector<1x1x16xi32>,
        %get3A_1017 = vector.shape_cast %get3A_1016 : vector<1x1x16xi32> to vector<16xi32>
        %shift_left3A_1018 = arith.shli %get3A_1017, %broadcast_in_dim3A_3 : vector<16xi32>
        %bitcast_convert_type3A_1019 = tpu.bitcast %shift_left3A_1018 : vector<16xi32> -> vector<16xf32>
        %add3A_1020 = arith.addf %add3A_976, %bitcast_convert_type3A_1019 : vector<16xf32>
        %add3A_1021 = arith.constant 10 : i32
        %add3A_1022 = arith.addi %mul3A_782, %add3A_1021 : i32
        %get3A_1023 = arith.constant 0 : i32
        %get3A_1024 = arith.index_cast %get3A_1023 : i32 to index
        %get3A_1025 = arith.index_cast %add3A_1022 : i32 to index
        %get3A_1026 = arith.constant 0 : index
        %get3A_1027 = tpu.vector_load %arg6[%get3A_1024, %get3A_1025, %get3A_1026] {strides = array<i32>} : memref<2x640x16xi32, #tpu.memory_space<vmem>>, vector<1x1x16xi32>,
        %get3A_1028 = vector.shape_cast %get3A_1027 : vector<1x1x16xi32> to vector<16xi32>
        %and3A_1029 = arith.andi %get3A_1028, %broadcast_in_dim3A_5 : vector<16xi32>
        %bitcast_convert_type3A_1030 = tpu.bitcast %and3A_1029 : vector<16xi32> -> vector<16xf32>
        %add3A_1031 = arith.addf %add3A_987, %bitcast_convert_type3A_1030 : vector<16xf32>
        %add3A_1032 = arith.constant 11 : i32
        %add3A_1033 = arith.addi %mul3A_782, %add3A_1032 : i32
        %get3A_1034 = arith.constant 0 : i32
        %get3A_1035 = arith.index_cast %get3A_1034 : i32 to index
        %get3A_1036 = arith.index_cast %add3A_1033 : i32 to index
        %get3A_1037 = arith.constant 0 : index
        %get3A_1038 = tpu.vector_load %arg6[%get3A_1035, %get3A_1036, %get3A_1037] {strides = array<i32>} : memref<2x640x16xi32, #tpu.memory_space<vmem>>, vector<1x1x16xi32>,
        %get3A_1039 = vector.shape_cast %get3A_1038 : vector<1x1x16xi32> to vector<16xi32>
        %and3A_1040 = arith.andi %get3A_1039, %broadcast_in_dim3A_5 : vector<16xi32>
        %bitcast_convert_type3A_1041 = tpu.bitcast %and3A_1040 : vector<16xi32> -> vector<16xf32>
        %add3A_1042 = arith.addf %add3A_998, %bitcast_convert_type3A_1041 : vector<16xf32>
        %add3A_1043 = arith.constant 12 : i32
        %add3A_1044 = arith.addi %mul3A_782, %add3A_1043 : i32
        %get3A_1045 = arith.constant 0 : i32
        %get3A_1046 = arith.index_cast %get3A_1045 : i32 to index
        %get3A_1047 = arith.index_cast %add3A_1044 : i32 to index
        %get3A_1048 = arith.constant 0 : index
        %get3A_1049 = tpu.vector_load %arg6[%get3A_1046, %get3A_1047, %get3A_1048] {strides = array<i32>} : memref<2x640x16xi32, #tpu.memory_space<vmem>>, vector<1x1x16xi32>,
        %get3A_1050 = vector.shape_cast %get3A_1049 : vector<1x1x16xi32> to vector<16xi32>
        %shift_left3A_1051 = arith.shli %get3A_1050, %broadcast_in_dim3A_3 : vector<16xi32>
        %bitcast_convert_type3A_1052 = tpu.bitcast %shift_left3A_1051 : vector<16xi32> -> vector<16xf32>
        %add3A_1053 = arith.addf %add3A_1009, %bitcast_convert_type3A_1052 : vector<16xf32>
        %add3A_1054 = arith.constant 13 : i32
        %add3A_1055 = arith.addi %mul3A_782, %add3A_1054 : i32
        %get3A_1056 = arith.constant 0 : i32
        %get3A_1057 = arith.index_cast %get3A_1056 : i32 to index
        %get3A_1058 = arith.index_cast %add3A_1055 : i32 to index
        %get3A_1059 = arith.constant 0 : index
        %get3A_1060 = tpu.vector_load %arg6[%get3A_1057, %get3A_1058, %get3A_1059] {strides = array<i32>} : memref<2x640x16xi32, #tpu.memory_space<vmem>>, vector<1x1x16xi32>,
        %get3A_1061 = vector.shape_cast %get3A_1060 : vector<1x1x16xi32> to vector<16xi32>
        %shift_left3A_1062 = arith.shli %get3A_1061, %broadcast_in_dim3A_3 : vector<16xi32>
        %bitcast_convert_type3A_1063 = tpu.bitcast %shift_left3A_1062 : vector<16xi32> -> vector<16xf32>
        %add3A_1064 = arith.addf %add3A_1020, %bitcast_convert_type3A_1063 : vector<16xf32>
        %add3A_1065 = arith.constant 12 : i32
        %add3A_1066 = arith.addi %mul3A_782, %add3A_1065 : i32
        %get3A_1067 = arith.constant 0 : i32
        %get3A_1068 = arith.index_cast %get3A_1067 : i32 to index
        %get3A_1069 = arith.index_cast %add3A_1066 : i32 to index
        %get3A_1070 = arith.constant 0 : index
        %get3A_1071 = tpu.vector_load %arg6[%get3A_1068, %get3A_1069, %get3A_1070] {strides = array<i32>} : memref<2x640x16xi32, #tpu.memory_space<vmem>>, vector<1x1x16xi32>,
        %get3A_1072 = vector.shape_cast %get3A_1071 : vector<1x1x16xi32> to vector<16xi32>
        %and3A_1073 = arith.andi %get3A_1072, %broadcast_in_dim3A_5 : vector<16xi32>
        %bitcast_convert_type3A_1074 = tpu.bitcast %and3A_1073 : vector<16xi32> -> vector<16xf32>
        %add3A_1075 = arith.addf %add3A_1031, %bitcast_convert_type3A_1074 : vector<16xf32>
        %add3A_1076 = arith.constant 13 : i32
        %add3A_1077 = arith.addi %mul3A_782, %add3A_1076 : i32
        %get3A_1078 = arith.constant 0 : i32
        %get3A_1079 = arith.index_cast %get3A_1078 : i32 to index
        %get3A_1080 = arith.index_cast %add3A_1077 : i32 to index
        %get3A_1081 = arith.constant 0 : index
        %get3A_1082 = tpu.vector_load %arg6[%get3A_1079, %get3A_1080, %get3A_1081] {strides = array<i32>} : memref<2x640x16xi32, #tpu.memory_space<vmem>>, vector<1x1x16xi32>,
        %get3A_1083 = vector.shape_cast %get3A_1082 : vector<1x1x16xi32> to vector<16xi32>
        %and3A_1084 = arith.andi %get3A_1083, %broadcast_in_dim3A_5 : vector<16xi32>
        %bitcast_convert_type3A_1085 = tpu.bitcast %and3A_1084 : vector<16xi32> -> vector<16xf32>
        %add3A_1086 = arith.addf %add3A_1042, %bitcast_convert_type3A_1085 : vector<16xf32>
        %add3A_1087 = arith.constant 14 : i32
        %add3A_1088 = arith.addi %mul3A_782, %add3A_1087 : i32
        %get3A_1089 = arith.constant 0 : i32
        %get3A_1090 = arith.index_cast %get3A_1089 : i32 to index
        %get3A_1091 = arith.index_cast %add3A_1088 : i32 to index
        %get3A_1092 = arith.constant 0 : index
        %get3A_1093 = tpu.vector_load %arg6[%get3A_1090, %get3A_1091, %get3A_1092] {strides = array<i32>} : memref<2x640x16xi32, #tpu.memory_space<vmem>>, vector<1x1x16xi32>,
        %get3A_1094 = vector.shape_cast %get3A_1093 : vector<1x1x16xi32> to vector<16xi32>
        %shift_left3A_1095 = arith.shli %get3A_1094, %broadcast_in_dim3A_3 : vector<16xi32>
        %bitcast_convert_type3A_1096 = tpu.bitcast %shift_left3A_1095 : vector<16xi32> -> vector<16xf32>
        %add3A_1097 = arith.addf %add3A_1053, %bitcast_convert_type3A_1096 : vector<16xf32>
        %add3A_1098 = arith.constant 15 : i32
        %add3A_1099 = arith.addi %mul3A_782, %add3A_1098 : i32
        %get3A_1100 = arith.constant 0 : i32
        %get3A_1101 = arith.index_cast %get3A_1100 : i32 to index
        %get3A_1102 = arith.index_cast %add3A_1099 : i32 to index
        %get3A_1103 = arith.constant 0 : index
        %get3A_1104 = tpu.vector_load %arg6[%get3A_1101, %get3A_1102, %get3A_1103] {strides = array<i32>} : memref<2x640x16xi32, #tpu.memory_space<vmem>>, vector<1x1x16xi32>,
        %get3A_1105 = vector.shape_cast %get3A_1104 : vector<1x1x16xi32> to vector<16xi32>
        %shift_left3A_1106 = arith.shli %get3A_1105, %broadcast_in_dim3A_3 : vector<16xi32>
        %bitcast_convert_type3A_1107 = tpu.bitcast %shift_left3A_1106 : vector<16xi32> -> vector<16xf32>
        %add3A_1108 = arith.addf %add3A_1064, %bitcast_convert_type3A_1107 : vector<16xf32>
        %add3A_1109 = arith.constant 14 : i32
        %add3A_1110 = arith.addi %mul3A_782, %add3A_1109 : i32
        %get3A_1111 = arith.constant 0 : i32
        %get3A_1112 = arith.index_cast %get3A_1111 : i32 to index
        %get3A_1113 = arith.index_cast %add3A_1110 : i32 to index
        %get3A_1114 = arith.constant 0 : index
        %get3A_1115 = tpu.vector_load %arg6[%get3A_1112, %get3A_1113, %get3A_1114] {strides = array<i32>} : memref<2x640x16xi32, #tpu.memory_space<vmem>>, vector<1x1x16xi32>,
        %get3A_1116 = vector.shape_cast %get3A_1115 : vector<1x1x16xi32> to vector<16xi32>
        %and3A_1117 = arith.andi %get3A_1116, %broadcast_in_dim3A_5 : vector<16xi32>
        %bitcast_convert_type3A_1118 = tpu.bitcast %and3A_1117 : vector<16xi32> -> vector<16xf32>
        %add3A_1119 = arith.addf %add3A_1075, %bitcast_convert_type3A_1118 : vector<16xf32>
        %add3A_1120 = arith.constant 15 : i32
        %add3A_1121 = arith.addi %mul3A_782, %add3A_1120 : i32
        %get3A_1122 = arith.constant 0 : i32
        %get3A_1123 = arith.index_cast %get3A_1122 : i32 to index
        %get3A_1124 = arith.index_cast %add3A_1121 : i32 to index
        %get3A_1125 = arith.constant 0 : index
        %get3A_1126 = tpu.vector_load %arg6[%get3A_1123, %get3A_1124, %get3A_1125] {strides = array<i32>} : memref<2x640x16xi32, #tpu.memory_space<vmem>>, vector<1x1x16xi32>,
        %get3A_1127 = vector.shape_cast %get3A_1126 : vector<1x1x16xi32> to vector<16xi32>
        %and3A_1128 = arith.andi %get3A_1127, %broadcast_in_dim3A_5 : vector<16xi32>
        %bitcast_convert_type3A_1129 = tpu.bitcast %and3A_1128 : vector<16xi32> -> vector<16xf32>
        %add3A_1130 = arith.addf %add3A_1086, %bitcast_convert_type3A_1129 : vector<16xf32>
        %add3A_1131 = arith.constant 16 : i32
        %add3A_1132 = arith.addi %mul3A_782, %add3A_1131 : i32
        %get3A_1133 = arith.constant 0 : i32
        %get3A_1134 = arith.index_cast %get3A_1133 : i32 to index
        %get3A_1135 = arith.index_cast %add3A_1132 : i32 to index
        %get3A_1136 = arith.constant 0 : index
        %get3A_1137 = tpu.vector_load %arg6[%get3A_1134, %get3A_1135, %get3A_1136] {strides = array<i32>} : memref<2x640x16xi32, #tpu.memory_space<vmem>>, vector<1x1x16xi32>,
        %get3A_1138 = vector.shape_cast %get3A_1137 : vector<1x1x16xi32> to vector<16xi32>
        %shift_left3A_1139 = arith.shli %get3A_1138, %broadcast_in_dim3A_3 : vector<16xi32>
        %bitcast_convert_type3A_1140 = tpu.bitcast %shift_left3A_1139 : vector<16xi32> -> vector<16xf32>
        %add3A_1141 = arith.addf %add3A_1097, %bitcast_convert_type3A_1140 : vector<16xf32>
        %add3A_1142 = arith.constant 17 : i32
        %add3A_1143 = arith.addi %mul3A_782, %add3A_1142 : i32
        %get3A_1144 = arith.constant 0 : i32
        %get3A_1145 = arith.index_cast %get3A_1144 : i32 to index
        %get3A_1146 = arith.index_cast %add3A_1143 : i32 to index
        %get3A_1147 = arith.constant 0 : index
        %get3A_1148 = tpu.vector_load %arg6[%get3A_1145, %get3A_1146, %get3A_1147] {strides = array<i32>} : memref<2x640x16xi32, #tpu.memory_space<vmem>>, vector<1x1x16xi32>,
        %get3A_1149 = vector.shape_cast %get3A_1148 : vector<1x1x16xi32> to vector<16xi32>
        %shift_left3A_1150 = arith.shli %get3A_1149, %broadcast_in_dim3A_3 : vector<16xi32>
        %bitcast_convert_type3A_1151 = tpu.bitcast %shift_left3A_1150 : vector<16xi32> -> vector<16xf32>
        %add3A_1152 = arith.addf %add3A_1108, %bitcast_convert_type3A_1151 : vector<16xf32>
        %add3A_1153 = arith.constant 16 : i32
        %add3A_1154 = arith.addi %mul3A_782, %add3A_1153 : i32
        %get3A_1155 = arith.constant 0 : i32
        %get3A_1156 = arith.index_cast %get3A_1155 : i32 to index
        %get3A_1157 = arith.index_cast %add3A_1154 : i32 to index
        %get3A_1158 = arith.constant 0 : index
        %get3A_1159 = tpu.vector_load %arg6[%get3A_1156, %get3A_1157, %get3A_1158] {strides = array<i32>} : memref<2x640x16xi32, #tpu.memory_space<vmem>>, vector<1x1x16xi32>,
        %get3A_1160 = vector.shape_cast %get3A_1159 : vector<1x1x16xi32> to vector<16xi32>
        %and3A_1161 = arith.andi %get3A_1160, %broadcast_in_dim3A_5 : vector<16xi32>
        %bitcast_convert_type3A_1162 = tpu.bitcast %and3A_1161 : vector<16xi32> -> vector<16xf32>
        %add3A_1163 = arith.addf %add3A_1119, %bitcast_convert_type3A_1162 : vector<16xf32>
        %add3A_1164 = arith.constant 17 : i32
        %add3A_1165 = arith.addi %mul3A_782, %add3A_1164 : i32
        %get3A_1166 = arith.constant 0 : i32
        %get3A_1167 = arith.index_cast %get3A_1166 : i32 to index
        %get3A_1168 = arith.index_cast %add3A_1165 : i32 to index
        %get3A_1169 = arith.constant 0 : index
        %get3A_1170 = tpu.vector_load %arg6[%get3A_1167, %get3A_1168, %get3A_1169] {strides = array<i32>} : memref<2x640x16xi32, #tpu.memory_space<vmem>>, vector<1x1x16xi32>,
        %get3A_1171 = vector.shape_cast %get3A_1170 : vector<1x1x16xi32> to vector<16xi32>
        %and3A_1172 = arith.andi %get3A_1171, %broadcast_in_dim3A_5 : vector<16xi32>
        %bitcast_convert_type3A_1173 = tpu.bitcast %and3A_1172 : vector<16xi32> -> vector<16xf32>
        %add3A_1174 = arith.addf %add3A_1130, %bitcast_convert_type3A_1173 : vector<16xf32>
        %add3A_1175 = arith.constant 18 : i32
        %add3A_1176 = arith.addi %mul3A_782, %add3A_1175 : i32
        %get3A_1177 = arith.constant 0 : i32
        %get3A_1178 = arith.index_cast %get3A_1177 : i32 to index
        %get3A_1179 = arith.index_cast %add3A_1176 : i32 to index
        %get3A_1180 = arith.constant 0 : index
        %get3A_1181 = tpu.vector_load %arg6[%get3A_1178, %get3A_1179, %get3A_1180] {strides = array<i32>} : memref<2x640x16xi32, #tpu.memory_space<vmem>>, vector<1x1x16xi32>,
        %get3A_1182 = vector.shape_cast %get3A_1181 : vector<1x1x16xi32> to vector<16xi32>
        %shift_left3A_1183 = arith.shli %get3A_1182, %broadcast_in_dim3A_3 : vector<16xi32>
        %bitcast_convert_type3A_1184 = tpu.bitcast %shift_left3A_1183 : vector<16xi32> -> vector<16xf32>
        %add3A_1185 = arith.addf %add3A_1141, %bitcast_convert_type3A_1184 : vector<16xf32>
        %add3A_1186 = arith.constant 19 : i32
        %add3A_1187 = arith.addi %mul3A_782, %add3A_1186 : i32
        %get3A_1188 = arith.constant 0 : i32
        %get3A_1189 = arith.index_cast %get3A_1188 : i32 to index
        %get3A_1190 = arith.index_cast %add3A_1187 : i32 to index
        %get3A_1191 = arith.constant 0 : index
        %get3A_1192 = tpu.vector_load %arg6[%get3A_1189, %get3A_1190, %get3A_1191] {strides = array<i32>} : memref<2x640x16xi32, #tpu.memory_space<vmem>>, vector<1x1x16xi32>,
        %get3A_1193 = vector.shape_cast %get3A_1192 : vector<1x1x16xi32> to vector<16xi32>
        %shift_left3A_1194 = arith.shli %get3A_1193, %broadcast_in_dim3A_3 : vector<16xi32>
        %bitcast_convert_type3A_1195 = tpu.bitcast %shift_left3A_1194 : vector<16xi32> -> vector<16xf32>
        %add3A_1196 = arith.addf %add3A_1152, %bitcast_convert_type3A_1195 : vector<16xf32>
        %add3A_1197 = arith.constant 18 : i32
        %add3A_1198 = arith.addi %mul3A_782, %add3A_1197 : i32
        %get3A_1199 = arith.constant 0 : i32
        %get3A_1200 = arith.index_cast %get3A_1199 : i32 to index
        %get3A_1201 = arith.index_cast %add3A_1198 : i32 to index
        %get3A_1202 = arith.constant 0 : index
        %get3A_1203 = tpu.vector_load %arg6[%get3A_1200, %get3A_1201, %get3A_1202] {strides = array<i32>} : memref<2x640x16xi32, #tpu.memory_space<vmem>>, vector<1x1x16xi32>,
        %get3A_1204 = vector.shape_cast %get3A_1203 : vector<1x1x16xi32> to vector<16xi32>
        %and3A_1205 = arith.andi %get3A_1204, %broadcast_in_dim3A_5 : vector<16xi32>
        %bitcast_convert_type3A_1206 = tpu.bitcast %and3A_1205 : vector<16xi32> -> vector<16xf32>
        %add3A_1207 = arith.addf %add3A_1163, %bitcast_convert_type3A_1206 : vector<16xf32>
        %add3A_1208 = arith.constant 19 : i32
        %add3A_1209 = arith.addi %mul3A_782, %add3A_1208 : i32
        %get3A_1210 = arith.constant 0 : i32
        %get3A_1211 = arith.index_cast %get3A_1210 : i32 to index
        %get3A_1212 = arith.index_cast %add3A_1209 : i32 to index
        %get3A_1213 = arith.constant 0 : index
        %get3A_1214 = tpu.vector_load %arg6[%get3A_1211, %get3A_1212, %get3A_1213] {strides = array<i32>} : memref<2x640x16xi32, #tpu.memory_space<vmem>>, vector<1x1x16xi32>,
        %get3A_1215 = vector.shape_cast %get3A_1214 : vector<1x1x16xi32> to vector<16xi32>
        %and3A_1216 = arith.andi %get3A_1215, %broadcast_in_dim3A_5 : vector<16xi32>
        %bitcast_convert_type3A_1217 = tpu.bitcast %and3A_1216 : vector<16xi32> -> vector<16xf32>
        %add3A_1218 = arith.addf %add3A_1174, %bitcast_convert_type3A_1217 : vector<16xf32>
        %mul3A_1219 = arith.constant 128 : i32
        %mul3A_1220 = arith.muli %add3A_780, %mul3A_1219 : i32
        %add3A_1221 = arith.constant 0 : i32
        %add3A_1222 = arith.addi %add3A_1221, %mul3A_1220 : i32
        %add3A_1223 = arith.addf %add3A_1185, %add3A_1196 : vector<16xf32>
        %swap3A_1224 = arith.index_cast %add3A_1222 : i32 to index
        %swap3A_1225 = tpu.vector_load %arg7[%swap3A_1224] {strides = array<i32>} : memref<8192xf32, #tpu.memory_space<vmem>>, vector<16xf32>,
        %swap3A_1226 = vector.shape_cast %swap3A_1225 : vector<16xf32> to vector<16xf32>
        %swap3A_1227 = vector.shape_cast %add3A_1223 : vector<16xf32> to vector<16xf32>
        tpu.vector_store %arg7[%swap3A_1224], %swap3A_1227 {strides = array<i32>} : memref<8192xf32, #tpu.memory_space<vmem>>, vector<16xf32>,
        %add3A_1228 = arith.addf %add3A_1207, %add3A_1218 : vector<16xf32>
        %add3A_1229 = arith.constant 16 : i32
        %add3A_1230 = arith.addi %add3A_1222, %add3A_1229 : i32
        %swap3A_1231 = arith.index_cast %add3A_1230 : i32 to index
        %swap3A_1232 = tpu.vector_load %arg7[%swap3A_1231] {strides = array<i32>} : memref<8192xf32, #tpu.memory_space<vmem>>, vector<16xf32>,
        %swap3A_1233 = vector.shape_cast %swap3A_1232 : vector<16xf32> to vector<16xf32>
        %swap3A_1234 = vector.shape_cast %add3A_1228 : vector<16xf32> to vector<16xf32>
        tpu.vector_store %arg7[%swap3A_1231], %swap3A_1234 {strides = array<i32>} : memref<8192xf32, #tpu.memory_space<vmem>>, vector<16xf32>,
      }
      %scan3A_212 = arith.constant 32 : i32
      %mul3A_213 = arith.constant 32 : i32
      %mul3A_214 = arith.muli %add3A_132, %mul3A_213 : i32
      %add3A_215 = arith.addi %mul3A_2, %mul3A_214 : i32
      %mul3A_216 = arith.constant 128 : i32
      %mul3A_217 = arith.muli %add3A_215, %mul3A_216 : i32
      %dma_start3A_218 = arith.constant 0 : i32
      %dma_start3A_219 = tpu.memref_slice %arg7[%dma_start3A_218] : memref<8192xf32, #tpu.memory_space<vmem>> -> memref<4096xf32, #tpu.memory_space<vmem>>
      %dma_start3A_220 = tpu.memref_slice %arg4[%mul3A_217] : memref<6553600xf32, #tpu.memory_space<hbm>> -> memref<4096xf32, #tpu.memory_space<hbm>>
      %dma_start3A_221 = tpu.memref_slice %arg4[%mul3A_217] : memref<6553600xf32, #tpu.memory_space<hbm>> -> memref<4096xf32, #tpu.memory_space<hbm>>
      %dma_start3A_222 = arith.constant 0 : i32
      %dma_start3A_223 = tpu.memref_slice %arg7[%dma_start3A_222] : memref<8192xf32, #tpu.memory_space<vmem>> -> memref<4096xf32, #tpu.memory_space<vmem>>
      tpu.enqueue_dma source(%dma_start3A_223 : memref<4096xf32, #tpu.memory_space<vmem>>) target(%dma_start3A_221 : memref<4096xf32, #tpu.memory_space<hbm>>) target_semaphore(%arg10 : memref<!tpu.dma_semaphore, #tpu.memory_space<semaphore_mem>>)
      %add3A_224 = arith.constant 1 : i32
      %add3A_225 = arith.addi %add3A_130, %add3A_224 : i32
      %dma_wait3A_226 = arith.constant 1 : i32
      %dma_wait3A_227 = arith.constant 1 : i32
      %dma_wait3A_228 = arith.constant 0 : i32
      %dma_wait3A_229 = arith.constant 0 : i32
      %dma_wait3A_230 = tpu.memref_slice %arg6[%dma_wait3A_227, %dma_wait3A_228, %dma_wait3A_229] : memref<2x640x16xi32, #tpu.memory_space<vmem>> -> memref<1x128x16xi32, #tpu.memory_space<vmem>>
      %dma_wait3A_231 = tpu.memref_squeeze %dma_wait3A_230 : memref<1x128x16xi32, #tpu.memory_space<vmem>> -> memref<128x16xi32, #tpu.memory_space<vmem>>
      %dma_wait3A_232 = arith.constant 0 : i32
      %dma_wait3A_233 = tpu.memref_slice %arg5[%dma_wait3A_226, %dma_wait3A_232] : memref<2x640xi32, #tpu.memory_space<vmem>> -> memref<1x128xi32, #tpu.memory_space<vmem>>
      %dma_wait3A_234 = tpu.memref_squeeze %dma_wait3A_233 : memref<1x128xi32, #tpu.memory_space<vmem>> -> memref<128xi32, #tpu.memory_space<vmem>>
      %dma_wait3A_235 = arith.constant 0 : i32
      %dma_wait3A_236 = arith.constant 0 : i32
      %dma_wait3A_237 = tpu.memref_slice %arg3[%dma_wait3A_235, %dma_wait3A_236] : memref<1201x16xi32, #tpu.memory_space<hbm>> -> memref<1201x16xi32, #tpu.memory_space<hbm>>
      tpu.wait_indirect_dma semaphore(%arg8 : memref<!tpu.dma_semaphore, #tpu.memory_space<semaphore_mem>>) src(%dma_wait3A_237 : memref<1201x16xi32, #tpu.memory_space<hbm>>) dst(%dma_wait3A_231 : memref<128x16xi32, #tpu.memory_space<vmem>>)
      %dma_wait3A_238 = arith.constant 1 : i32
      %dma_wait3A_239 = arith.constant 1 : i32
      %dma_wait3A_240 = arith.constant 128 : i32
      %dma_wait3A_241 = arith.constant 0 : i32
      %dma_wait3A_242 = tpu.memref_slice %arg6[%dma_wait3A_239, %dma_wait3A_240, %dma_wait3A_241] : memref<2x640x16xi32, #tpu.memory_space<vmem>> -> memref<1x128x16xi32, #tpu.memory_space<vmem>>
      %dma_wait3A_243 = tpu.memref_squeeze %dma_wait3A_242 : memref<1x128x16xi32, #tpu.memory_space<vmem>> -> memref<128x16xi32, #tpu.memory_space<vmem>>
      %dma_wait3A_244 = arith.constant 128 : i32
      %dma_wait3A_245 = tpu.memref_slice %arg5[%dma_wait3A_238, %dma_wait3A_244] : memref<2x640xi32, #tpu.memory_space<vmem>> -> memref<1x128xi32, #tpu.memory_space<vmem>>
      %dma_wait3A_246 = tpu.memref_squeeze %dma_wait3A_245 : memref<1x128xi32, #tpu.memory_space<vmem>> -> memref<128xi32, #tpu.memory_space<vmem>>
      %dma_wait3A_247 = arith.constant 0 : i32
      %dma_wait3A_248 = arith.constant 0 : i32
      %dma_wait3A_249 = tpu.memref_slice %arg3[%dma_wait3A_247, %dma_wait3A_248] : memref<1201x16xi32, #tpu.memory_space<hbm>> -> memref<1201x16xi32, #tpu.memory_space<hbm>>
      tpu.wait_indirect_dma semaphore(%arg8 : memref<!tpu.dma_semaphore, #tpu.memory_space<semaphore_mem>>) src(%dma_wait3A_249 : memref<1201x16xi32, #tpu.memory_space<hbm>>) dst(%dma_wait3A_243 : memref<128x16xi32, #tpu.memory_space<vmem>>)
      %dma_wait3A_250 = arith.constant 1 : i32
      %dma_wait3A_251 = arith.constant 1 : i32
      %dma_wait3A_252 = arith.constant 256 : i32
      %dma_wait3A_253 = arith.constant 0 : i32
      %dma_wait3A_254 = tpu.memref_slice %arg6[%dma_wait3A_251, %dma_wait3A_252, %dma_wait3A_253] : memref<2x640x16xi32, #tpu.memory_space<vmem>> -> memref<1x128x16xi32, #tpu.memory_space<vmem>>
      %dma_wait3A_255 = tpu.memref_squeeze %dma_wait3A_254 : memref<1x128x16xi32, #tpu.memory_space<vmem>> -> memref<128x16xi32, #tpu.memory_space<vmem>>
      %dma_wait3A_256 = arith.constant 256 : i32
      %dma_wait3A_257 = tpu.memref_slice %arg5[%dma_wait3A_250, %dma_wait3A_256] : memref<2x640xi32, #tpu.memory_space<vmem>> -> memref<1x128xi32, #tpu.memory_space<vmem>>
      %dma_wait3A_258 = tpu.memref_squeeze %dma_wait3A_257 : memref<1x128xi32, #tpu.memory_space<vmem>> -> memref<128xi32, #tpu.memory_space<vmem>>
      %dma_wait3A_259 = arith.constant 0 : i32
      %dma_wait3A_260 = arith.constant 0 : i32
      %dma_wait3A_261 = tpu.memref_slice %arg3[%dma_wait3A_259, %dma_wait3A_260] : memref<1201x16xi32, #tpu.memory_space<hbm>> -> memref<1201x16xi32, #tpu.memory_space<hbm>>
      tpu.wait_indirect_dma semaphore(%arg8 : memref<!tpu.dma_semaphore, #tpu.memory_space<semaphore_mem>>) src(%dma_wait3A_261 : memref<1201x16xi32, #tpu.memory_space<hbm>>) dst(%dma_wait3A_255 : memref<128x16xi32, #tpu.memory_space<vmem>>)
      %dma_wait3A_262 = arith.constant 1 : i32
      %dma_wait3A_263 = arith.constant 1 : i32
      %dma_wait3A_264 = arith.constant 384 : i32
      %dma_wait3A_265 = arith.constant 0 : i32
      %dma_wait3A_266 = tpu.memref_slice %arg6[%dma_wait3A_263, %dma_wait3A_264, %dma_wait3A_265] : memref<2x640x16xi32, #tpu.memory_space<vmem>> -> memref<1x128x16xi32, #tpu.memory_space<vmem>>
      %dma_wait3A_267 = tpu.memref_squeeze %dma_wait3A_266 : memref<1x128x16xi32, #tpu.memory_space<vmem>> -> memref<128x16xi32, #tpu.memory_space<vmem>>
      %dma_wait3A_268 = arith.constant 384 : i32
      %dma_wait3A_269 = tpu.memref_slice %arg5[%dma_wait3A_262, %dma_wait3A_268] : memref<2x640xi32, #tpu.memory_space<vmem>> -> memref<1x128xi32, #tpu.memory_space<vmem>>
      %dma_wait3A_270 = tpu.memref_squeeze %dma_wait3A_269 : memref<1x128xi32, #tpu.memory_space<vmem>> -> memref<128xi32, #tpu.memory_space<vmem>>
      %dma_wait3A_271 = arith.constant 0 : i32
      %dma_wait3A_272 = arith.constant 0 : i32
      %dma_wait3A_273 = tpu.memref_slice %arg3[%dma_wait3A_271, %dma_wait3A_272] : memref<1201x16xi32, #tpu.memory_space<hbm>> -> memref<1201x16xi32, #tpu.memory_space<hbm>>
      tpu.wait_indirect_dma semaphore(%arg8 : memref<!tpu.dma_semaphore, #tpu.memory_space<semaphore_mem>>) src(%dma_wait3A_273 : memref<1201x16xi32, #tpu.memory_space<hbm>>) dst(%dma_wait3A_267 : memref<128x16xi32, #tpu.memory_space<vmem>>)
      %dma_wait3A_274 = arith.constant 1 : i32
      %dma_wait3A_275 = arith.constant 1 : i32
      %dma_wait3A_276 = arith.constant 512 : i32
      %dma_wait3A_277 = arith.constant 0 : i32
      %dma_wait3A_278 = tpu.memref_slice %arg6[%dma_wait3A_275, %dma_wait3A_276, %dma_wait3A_277] : memref<2x640x16xi32, #tpu.memory_space<vmem>> -> memref<1x128x16xi32, #tpu.memory_space<vmem>>
      %dma_wait3A_279 = tpu.memref_squeeze %dma_wait3A_278 : memref<1x128x16xi32, #tpu.memory_space<vmem>> -> memref<128x16xi32, #tpu.memory_space<vmem>>
      %dma_wait3A_280 = arith.constant 512 : i32
      %dma_wait3A_281 = tpu.memref_slice %arg5[%dma_wait3A_274, %dma_wait3A_280] : memref<2x640xi32, #tpu.memory_space<vmem>> -> memref<1x128xi32, #tpu.memory_space<vmem>>
      %dma_wait3A_282 = tpu.memref_squeeze %dma_wait3A_281 : memref<1x128xi32, #tpu.memory_space<vmem>> -> memref<128xi32, #tpu.memory_space<vmem>>
      %dma_wait3A_283 = arith.constant 0 : i32
      %dma_wait3A_284 = arith.constant 0 : i32
      %dma_wait3A_285 = tpu.memref_slice %arg3[%dma_wait3A_283, %dma_wait3A_284] : memref<1201x16xi32, #tpu.memory_space<hbm>> -> memref<1201x16xi32, #tpu.memory_space<hbm>>
      tpu.wait_indirect_dma semaphore(%arg8 : memref<!tpu.dma_semaphore, #tpu.memory_space<semaphore_mem>>) src(%dma_wait3A_285 : memref<1201x16xi32, #tpu.memory_space<hbm>>) dst(%dma_wait3A_279 : memref<128x16xi32, #tpu.memory_space<vmem>>)
      %add3A_286 = arith.constant 1 : i32
      %add3A_287 = arith.addi %add3A_225, %add3A_286 : i32
      %lt3A_288 = arith.constant 50 : i32
      %lt3A_289 = arith.cmpi slt, %add3A_287, %lt3A_288 : i32
      %convert_element_type3A_290 = arith.extui %lt3A_289 : i1 to i32
      %cond3A_291 = arith.constant 0 : i32
      %cond3A_292 = arith.cmpi ne, %convert_element_type3A_290, %cond3A_291 : i32
      scf.if %cond3A_292 {
        %dma_wait3A_321 = arith.constant 0 : i32
        %dma_wait3A_322 = arith.constant 0 : i32
        %dma_wait3A_323 = tpu.memref_slice %arg5[%dma_wait3A_321, %dma_wait3A_322] : memref<2x640xi32, #tpu.memory_space<vmem>> -> memref<1x640xi32, #tpu.memory_space<vmem>>
        %dma_wait3A_324 = tpu.memref_squeeze %dma_wait3A_323 : memref<1x640xi32, #tpu.memory_space<vmem>> -> memref<640xi32, #tpu.memory_space<vmem>>
        %dma_wait3A_325 = arith.constant 0 : i32
        %dma_wait3A_326 = tpu.memref_slice %arg2[%dma_wait3A_325] : memref<1024000xi32, #tpu.memory_space<hbm>> -> memref<640xi32, #tpu.memory_space<hbm>>
        %dma_wait3A_327 = arith.constant 0 : i32
        %dma_wait3A_328 = tpu.memref_slice %arg5[%dma_wait3A_321, %dma_wait3A_327] : memref<2x640xi32, #tpu.memory_space<vmem>> -> memref<1x640xi32, #tpu.memory_space<vmem>>
        %dma_wait3A_329 = tpu.memref_squeeze %dma_wait3A_328 : memref<1x640xi32, #tpu.memory_space<vmem>> -> memref<640xi32, #tpu.memory_space<vmem>>
        %dma_wait3A_330 = arith.constant 0 : i32
        %dma_wait3A_331 = tpu.memref_slice %arg2[%dma_wait3A_330] : memref<1024000xi32, #tpu.memory_space<hbm>> -> memref<640xi32, #tpu.memory_space<hbm>>
        tpu.wait_dma2 semaphore(%arg9 : memref<!tpu.dma_semaphore, #tpu.memory_space<semaphore_mem>>) src(%dma_wait3A_331 : memref<640xi32, #tpu.memory_space<hbm>>) dst(%dma_wait3A_329 : memref<640xi32, #tpu.memory_space<vmem>>)
        %dma_start3A_332 = arith.constant 0 : i32
        %dma_start3A_333 = arith.constant 0 : i32
        %dma_start3A_334 = arith.constant 0 : i32
        %dma_start3A_335 = arith.constant 0 : i32
        %dma_start3A_336 = tpu.memref_slice %arg6[%dma_start3A_333, %dma_start3A_334, %dma_start3A_335] : memref<2x640x16xi32, #tpu.memory_space<vmem>> -> memref<1x128x16xi32, #tpu.memory_space<vmem>>
        %dma_start3A_337 = tpu.memref_squeeze %dma_start3A_336 : memref<1x128x16xi32, #tpu.memory_space<vmem>> -> memref<128x16xi32, #tpu.memory_space<vmem>>
        %dma_start3A_338 = arith.constant 0 : i32
        %dma_start3A_339 = tpu.memref_slice %arg5[%dma_start3A_332, %dma_start3A_338] : memref<2x640xi32, #tpu.memory_space<vmem>> -> memref<1x128xi32, #tpu.memory_space<vmem>>
        %dma_start3A_340 = tpu.memref_squeeze %dma_start3A_339 : memref<1x128xi32, #tpu.memory_space<vmem>> -> memref<128xi32, #tpu.memory_space<vmem>>
        %dma_start3A_341 = arith.constant 0 : i32
        %dma_start3A_342 = arith.constant 0 : i32
        %dma_start3A_343 = tpu.memref_slice %arg3[%dma_start3A_341, %dma_start3A_342] : memref<1201x16xi32, #tpu.memory_space<hbm>> -> memref<1201x16xi32, #tpu.memory_space<hbm>>
        tpu.enqueue_indirect_dma source(%dma_start3A_343 : memref<1201x16xi32, #tpu.memory_space<hbm>>) target(%dma_start3A_337 : memref<128x16xi32, #tpu.memory_space<vmem>>) offsets(%dma_start3A_340 : memref<128xi32, #tpu.memory_space<vmem>>) semaphore(%arg8 : memref<!tpu.dma_semaphore, #tpu.memory_space<semaphore_mem>>)
        %dma_start3A_344 = arith.constant 0 : i32
        %dma_start3A_345 = arith.constant 0 : i32
        %dma_start3A_346 = arith.constant 128 : i32
        %dma_start3A_347 = arith.constant 0 : i32
        %dma_start3A_348 = tpu.memref_slice %arg6[%dma_start3A_345, %dma_start3A_346, %dma_start3A_347] : memref<2x640x16xi32, #tpu.memory_space<vmem>> -> memref<1x128x16xi32, #tpu.memory_space<vmem>>
        %dma_start3A_349 = tpu.memref_squeeze %dma_start3A_348 : memref<1x128x16xi32, #tpu.memory_space<vmem>> -> memref<128x16xi32, #tpu.memory_space<vmem>>
        %dma_start3A_350 = arith.constant 128 : i32
        %dma_start3A_351 = tpu.memref_slice %arg5[%dma_start3A_344, %dma_start3A_350] : memref<2x640xi32, #tpu.memory_space<vmem>> -> memref<1x128xi32, #tpu.memory_space<vmem>>
        %dma_start3A_352 = tpu.memref_squeeze %dma_start3A_351 : memref<1x128xi32, #tpu.memory_space<vmem>> -> memref<128xi32, #tpu.memory_space<vmem>>
        %dma_start3A_353 = arith.constant 0 : i32
        %dma_start3A_354 = arith.constant 0 : i32
        %dma_start3A_355 = tpu.memref_slice %arg3[%dma_start3A_353, %dma_start3A_354] : memref<1201x16xi32, #tpu.memory_space<hbm>> -> memref<1201x16xi32, #tpu.memory_space<hbm>>
        tpu.enqueue_indirect_dma source(%dma_start3A_355 : memref<1201x16xi32, #tpu.memory_space<hbm>>) target(%dma_start3A_349 : memref<128x16xi32, #tpu.memory_space<vmem>>) offsets(%dma_start3A_352 : memref<128xi32, #tpu.memory_space<vmem>>) semaphore(%arg8 : memref<!tpu.dma_semaphore, #tpu.memory_space<semaphore_mem>>)
        %dma_start3A_356 = arith.constant 0 : i32
        %dma_start3A_357 = arith.constant 0 : i32
        %dma_start3A_358 = arith.constant 256 : i32
        %dma_start3A_359 = arith.constant 0 : i32
        %dma_start3A_360 = tpu.memref_slice %arg6[%dma_start3A_357, %dma_start3A_358, %dma_start3A_359] : memref<2x640x16xi32, #tpu.memory_space<vmem>> -> memref<1x128x16xi32, #tpu.memory_space<vmem>>
        %dma_start3A_361 = tpu.memref_squeeze %dma_start3A_360 : memref<1x128x16xi32, #tpu.memory_space<vmem>> -> memref<128x16xi32, #tpu.memory_space<vmem>>
        %dma_start3A_362 = arith.constant 256 : i32
        %dma_start3A_363 = tpu.memref_slice %arg5[%dma_start3A_356, %dma_start3A_362] : memref<2x640xi32, #tpu.memory_space<vmem>> -> memref<1x128xi32, #tpu.memory_space<vmem>>
        %dma_start3A_364 = tpu.memref_squeeze %dma_start3A_363 : memref<1x128xi32, #tpu.memory_space<vmem>> -> memref<128xi32, #tpu.memory_space<vmem>>
        %dma_start3A_365 = arith.constant 0 : i32
        %dma_start3A_366 = arith.constant 0 : i32
        %dma_start3A_367 = tpu.memref_slice %arg3[%dma_start3A_365, %dma_start3A_366] : memref<1201x16xi32, #tpu.memory_space<hbm>> -> memref<1201x16xi32, #tpu.memory_space<hbm>>
        tpu.enqueue_indirect_dma source(%dma_start3A_367 : memref<1201x16xi32, #tpu.memory_space<hbm>>) target(%dma_start3A_361 : memref<128x16xi32, #tpu.memory_space<vmem>>) offsets(%dma_start3A_364 : memref<128xi32, #tpu.memory_space<vmem>>) semaphore(%arg8 : memref<!tpu.dma_semaphore, #tpu.memory_space<semaphore_mem>>)
        %dma_start3A_368 = arith.constant 0 : i32
        %dma_start3A_369 = arith.constant 0 : i32
        %dma_start3A_370 = arith.constant 384 : i32
        %dma_start3A_371 = arith.constant 0 : i32
        %dma_start3A_372 = tpu.memref_slice %arg6[%dma_start3A_369, %dma_start3A_370, %dma_start3A_371] : memref<2x640x16xi32, #tpu.memory_space<vmem>> -> memref<1x128x16xi32, #tpu.memory_space<vmem>>
        %dma_start3A_373 = tpu.memref_squeeze %dma_start3A_372 : memref<1x128x16xi32, #tpu.memory_space<vmem>> -> memref<128x16xi32, #tpu.memory_space<vmem>>
        %dma_start3A_374 = arith.constant 384 : i32
        %dma_start3A_375 = tpu.memref_slice %arg5[%dma_start3A_368, %dma_start3A_374] : memref<2x640xi32, #tpu.memory_space<vmem>> -> memref<1x128xi32, #tpu.memory_space<vmem>>
        %dma_start3A_376 = tpu.memref_squeeze %dma_start3A_375 : memref<1x128xi32, #tpu.memory_space<vmem>> -> memref<128xi32, #tpu.memory_space<vmem>>
        %dma_start3A_377 = arith.constant 0 : i32
        %dma_start3A_378 = arith.constant 0 : i32
        %dma_start3A_379 = tpu.memref_slice %arg3[%dma_start3A_377, %dma_start3A_378] : memref<1201x16xi32, #tpu.memory_space<hbm>> -> memref<1201x16xi32, #tpu.memory_space<hbm>>
        tpu.enqueue_indirect_dma source(%dma_start3A_379 : memref<1201x16xi32, #tpu.memory_space<hbm>>) target(%dma_start3A_373 : memref<128x16xi32, #tpu.memory_space<vmem>>) offsets(%dma_start3A_376 : memref<128xi32, #tpu.memory_space<vmem>>) semaphore(%arg8 : memref<!tpu.dma_semaphore, #tpu.memory_space<semaphore_mem>>)
        %dma_start3A_380 = arith.constant 0 : i32
        %dma_start3A_381 = arith.constant 0 : i32
        %dma_start3A_382 = arith.constant 512 : i32
        %dma_start3A_383 = arith.constant 0 : i32
        %dma_start3A_384 = tpu.memref_slice %arg6[%dma_start3A_381, %dma_start3A_382, %dma_start3A_383] : memref<2x640x16xi32, #tpu.memory_space<vmem>> -> memref<1x128x16xi32, #tpu.memory_space<vmem>>
        %dma_start3A_385 = tpu.memref_squeeze %dma_start3A_384 : memref<1x128x16xi32, #tpu.memory_space<vmem>> -> memref<128x16xi32, #tpu.memory_space<vmem>>
        %dma_start3A_386 = arith.constant 512 : i32
        %dma_start3A_387 = tpu.memref_slice %arg5[%dma_start3A_380, %dma_start3A_386] : memref<2x640xi32, #tpu.memory_space<vmem>> -> memref<1x128xi32, #tpu.memory_space<vmem>>
        %dma_start3A_388 = tpu.memref_squeeze %dma_start3A_387 : memref<1x128xi32, #tpu.memory_space<vmem>> -> memref<128xi32, #tpu.memory_space<vmem>>
        %dma_start3A_389 = arith.constant 0 : i32
        %dma_start3A_390 = arith.constant 0 : i32
        %dma_start3A_391 = tpu.memref_slice %arg3[%dma_start3A_389, %dma_start3A_390] : memref<1201x16xi32, #tpu.memory_space<hbm>> -> memref<1201x16xi32, #tpu.memory_space<hbm>>
        tpu.enqueue_indirect_dma source(%dma_start3A_391 : memref<1201x16xi32, #tpu.memory_space<hbm>>) target(%dma_start3A_385 : memref<128x16xi32, #tpu.memory_space<vmem>>) offsets(%dma_start3A_388 : memref<128xi32, #tpu.memory_space<vmem>>) semaphore(%arg8 : memref<!tpu.dma_semaphore, #tpu.memory_space<semaphore_mem>>)
      } else {
      }
      %add3A_293 = arith.constant 2 : i32
      %add3A_294 = arith.addi %add3A_225, %add3A_293 : i32
      %lt3A_295 = arith.constant 50 : i32
      %lt3A_296 = arith.cmpi slt, %add3A_294, %lt3A_295 : i32
      %convert_element_type3A_297 = arith.extui %lt3A_296 : i1 to i32
      %cond3A_298 = arith.constant 0 : i32
      %cond3A_299 = arith.cmpi ne, %convert_element_type3A_297, %cond3A_298 : i32
      scf.if %cond3A_299 {
        %add3A_321 = arith.constant 2 : i32
        %add3A_322 = arith.addi %add3A_225, %add3A_321 : i32
        %mul3A_323 = arith.constant 32 : i32
        %mul3A_324 = arith.muli %add3A_322, %mul3A_323 : i32
        %add3A_325 = arith.addi %mul3A_2, %mul3A_324 : i32
        %mul3A_326 = arith.constant 20 : i32
        %mul3A_327 = arith.muli %add3A_325, %mul3A_326 : i32
        %dma_start3A_328 = arith.constant 1 : i32
        %dma_start3A_329 = arith.constant 0 : i32
        %dma_start3A_330 = tpu.memref_slice %arg5[%dma_start3A_328, %dma_start3A_329] : memref<2x640xi32, #tpu.memory_space<vmem>> -> memref<1x640xi32, #tpu.memory_space<vmem>>
        %dma_start3A_331 = tpu.memref_squeeze %dma_start3A_330 : memref<1x640xi32, #tpu.memory_space<vmem>> -> memref<640xi32, #tpu.memory_space<vmem>>
        %dma_start3A_332 = tpu.memref_slice %arg2[%mul3A_327] : memref<1024000xi32, #tpu.memory_space<hbm>> -> memref<640xi32, #tpu.memory_space<hbm>>
        %dma_start3A_333 = arith.constant 0 : i32
        %dma_start3A_334 = tpu.memref_slice %arg5[%dma_start3A_328, %dma_start3A_333] : memref<2x640xi32, #tpu.memory_space<vmem>> -> memref<1x640xi32, #tpu.memory_space<vmem>>
        %dma_start3A_335 = tpu.memref_squeeze %dma_start3A_334 : memref<1x640xi32, #tpu.memory_space<vmem>> -> memref<640xi32, #tpu.memory_space<vmem>>
        %dma_start3A_336 = tpu.memref_slice %arg2[%mul3A_327] : memref<1024000xi32, #tpu.memory_space<hbm>> -> memref<640xi32, #tpu.memory_space<hbm>>
        tpu.enqueue_dma source(%dma_start3A_336 : memref<640xi32, #tpu.memory_space<hbm>>) target(%dma_start3A_335 : memref<640xi32, #tpu.memory_space<vmem>>) target_semaphore(%arg9 : memref<!tpu.dma_semaphore, #tpu.memory_space<semaphore_mem>>)
      } else {
      }
      %ge3A_300 = arith.constant 2 : i32
      %ge3A_301 = arith.cmpi sge, %add3A_130, %ge3A_300 : i32
      %convert_element_type3A_302 = arith.extui %ge3A_301 : i1 to i32
      %cond3A_303 = arith.constant 0 : i32
      %cond3A_304 = arith.cmpi ne, %convert_element_type3A_302, %cond3A_303 : i32
      scf.if %cond3A_304 {
        %dma_wait3A_321 = arith.constant 0 : i32
        %dma_wait3A_322 = tpu.memref_slice %arg7[%dma_wait3A_321] : memref<8192xf32, #tpu.memory_space<vmem>> -> memref<4096xf32, #tpu.memory_space<vmem>>
        %dma_wait3A_323 = arith.constant 0 : i32
        %dma_wait3A_324 = tpu.memref_slice %arg4[%dma_wait3A_323] : memref<6553600xf32, #tpu.memory_space<hbm>> -> memref<4096xf32, #tpu.memory_space<hbm>>
        %dma_wait3A_325 = arith.constant 0 : i32
        %dma_wait3A_326 = tpu.memref_slice %arg4[%dma_wait3A_325] : memref<6553600xf32, #tpu.memory_space<hbm>> -> memref<4096xf32, #tpu.memory_space<hbm>>
        %dma_wait3A_327 = arith.constant 0 : i32
        %dma_wait3A_328 = tpu.memref_slice %arg7[%dma_wait3A_327] : memref<8192xf32, #tpu.memory_space<vmem>> -> memref<4096xf32, #tpu.memory_space<vmem>>
        tpu.wait_dma2 semaphore(%arg10 : memref<!tpu.dma_semaphore, #tpu.memory_space<semaphore_mem>>) src(%dma_wait3A_328 : memref<4096xf32, #tpu.memory_space<vmem>>) dst(%dma_wait3A_326 : memref<4096xf32, #tpu.memory_space<hbm>>)
      } else {
      }
      %scan3A_305 = arith.constant 0 : i32
      %scan3A_306 = arith.constant 32 : i32
      %scan3A_307 = arith.addi %scan3A_305, %scan3A_306 : i32
      %scan3A_308 = arith.constant 2 : i32
      scf.for %scan3A_321 = %scan3A_305 to %scan3A_307 step %scan3A_308  : i32 {
        %mul3A_322 = arith.constant 1 : i32
        %mul3A_323 = arith.muli %scan3A_321, %mul3A_322 : i32
        %add3A_324 = arith.constant 0 : i32
        %add3A_325 = arith.addi %add3A_324, %mul3A_323 : i32
        %mul3A_326 = arith.constant 20 : i32
        %mul3A_327 = arith.muli %add3A_325, %mul3A_326 : i32
        %add3A_328 = arith.constant 0 : i32
        %add3A_329 = arith.addi %mul3A_327, %add3A_328 : i32
        %get3A = arith.constant 1 : i32
        %get3A_330 = arith.index_cast %get3A : i32 to index
        %get3A_331 = arith.index_cast %add3A_329 : i32 to index
        %get3A_332 = arith.constant 0 : index
        %get3A_333 = tpu.vector_load %arg6[%get3A_330, %get3A_331, %get3A_332] {strides = array<i32>} : memref<2x640x16xi32, #tpu.memory_space<vmem>>, vector<1x1x16xi32>,
        %get3A_334 = vector.shape_cast %get3A_333 : vector<1x1x16xi32> to vector<16xi32>
        %shift_left3A = arith.shli %get3A_334, %broadcast_in_dim3A_3 : vector<16xi32>
        %bitcast_convert_type3A = tpu.bitcast %shift_left3A : vector<16xi32> -> vector<16xf32>
        %add3A_335 = arith.constant 1 : i32
        %add3A_336 = arith.addi %mul3A_327, %add3A_335 : i32
        %get3A_337 = arith.constant 1 : i32
        %get3A_338 = arith.index_cast %get3A_337 : i32 to index
        %get3A_339 = arith.index_cast %add3A_336 : i32 to index
        %get3A_340 = arith.constant 0 : index
        %get3A_341 = tpu.vector_load %arg6[%get3A_338, %get3A_339, %get3A_340] {strides = array<i32>} : memref<2x640x16xi32, #tpu.memory_space<vmem>>, vector<1x1x16xi32>,
        %get3A_342 = vector.shape_cast %get3A_341 : vector<1x1x16xi32> to vector<16xi32>
        %shift_left3A_343 = arith.shli %get3A_342, %broadcast_in_dim3A_3 : vector<16xi32>
        %bitcast_convert_type3A_344 = tpu.bitcast %shift_left3A_343 : vector<16xi32> -> vector<16xf32>
        %add3A_345 = arith.constant 0 : i32
        %add3A_346 = arith.addi %mul3A_327, %add3A_345 : i32
        %get3A_347 = arith.constant 1 : i32
        %get3A_348 = arith.index_cast %get3A_347 : i32 to index
        %get3A_349 = arith.index_cast %add3A_346 : i32 to index
        %get3A_350 = arith.constant 0 : index
        %get3A_351 = tpu.vector_load %arg6[%get3A_348, %get3A_349, %get3A_350] {strides = array<i32>} : memref<2x640x16xi32, #tpu.memory_space<vmem>>, vector<1x1x16xi32>,
        %get3A_352 = vector.shape_cast %get3A_351 : vector<1x1x16xi32> to vector<16xi32>
        %and3A = arith.andi %get3A_352, %broadcast_in_dim3A_5 : vector<16xi32>
        %bitcast_convert_type3A_353 = tpu.bitcast %and3A : vector<16xi32> -> vector<16xf32>
        %add3A_354 = arith.constant 1 : i32
        %add3A_355 = arith.addi %mul3A_327, %add3A_354 : i32
        %get3A_356 = arith.constant 1 : i32
        %get3A_357 = arith.index_cast %get3A_356 : i32 to index
        %get3A_358 = arith.index_cast %add3A_355 : i32 to index
        %get3A_359 = arith.constant 0 : index
        %get3A_360 = tpu.vector_load %arg6[%get3A_357, %get3A_358, %get3A_359] {strides = array<i32>} : memref<2x640x16xi32, #tpu.memory_space<vmem>>, vector<1x1x16xi32>,
        %get3A_361 = vector.shape_cast %get3A_360 : vector<1x1x16xi32> to vector<16xi32>
        %and3A_362 = arith.andi %get3A_361, %broadcast_in_dim3A_5 : vector<16xi32>
        %bitcast_convert_type3A_363 = tpu.bitcast %and3A_362 : vector<16xi32> -> vector<16xf32>
        %add3A_364 = arith.constant 2 : i32
        %add3A_365 = arith.addi %mul3A_327, %add3A_364 : i32
        %get3A_366 = arith.constant 1 : i32
        %get3A_367 = arith.index_cast %get3A_366 : i32 to index
        %get3A_368 = arith.index_cast %add3A_365 : i32 to index
        %get3A_369 = arith.constant 0 : index
        %get3A_370 = tpu.vector_load %arg6[%get3A_367, %get3A_368, %get3A_369] {strides = array<i32>} : memref<2x640x16xi32, #tpu.memory_space<vmem>>, vector<1x1x16xi32>,
        %get3A_371 = vector.shape_cast %get3A_370 : vector<1x1x16xi32> to vector<16xi32>
        %shift_left3A_372 = arith.shli %get3A_371, %broadcast_in_dim3A_3 : vector<16xi32>
        %bitcast_convert_type3A_373 = tpu.bitcast %shift_left3A_372 : vector<16xi32> -> vector<16xf32>
        %add3A_374 = arith.addf %bitcast_convert_type3A, %bitcast_convert_type3A_373 : vector<16xf32>
        %add3A_375 = arith.constant 3 : i32
        %add3A_376 = arith.addi %mul3A_327, %add3A_375 : i32
        %get3A_377 = arith.constant 1 : i32
        %get3A_378 = arith.index_cast %get3A_377 : i32 to index
        %get3A_379 = arith.index_cast %add3A_376 : i32 to index
        %get3A_380 = arith.constant 0 : index
        %get3A_381 = tpu.vector_load %arg6[%get3A_378, %get3A_379, %get3A_380] {strides = array<i32>} : memref<2x640x16xi32, #tpu.memory_space<vmem>>, vector<1x1x16xi32>,
        %get3A_382 = vector.shape_cast %get3A_381 : vector<1x1x16xi32> to vector<16xi32>
        %shift_left3A_383 = arith.shli %get3A_382, %broadcast_in_dim3A_3 : vector<16xi32>
        %bitcast_convert_type3A_384 = tpu.bitcast %shift_left3A_383 : vector<16xi32> -> vector<16xf32>
        %add3A_385 = arith.addf %bitcast_convert_type3A_344, %bitcast_convert_type3A_384 : vector<16xf32>
        %add3A_386 = arith.constant 2 : i32
        %add3A_387 = arith.addi %mul3A_327, %add3A_386 : i32
        %get3A_388 = arith.constant 1 : i32
        %get3A_389 = arith.index_cast %get3A_388 : i32 to index
        %get3A_390 = arith.index_cast %add3A_387 : i32 to index
        %get3A_391 = arith.constant 0 : index
        %get3A_392 = tpu.vector_load %arg6[%get3A_389, %get3A_390, %get3A_391] {strides = array<i32>} : memref<2x640x16xi32, #tpu.memory_space<vmem>>, vector<1x1x16xi32>,
        %get3A_393 = vector.shape_cast %get3A_392 : vector<1x1x16xi32> to vector<16xi32>
        %and3A_394 = arith.andi %get3A_393, %broadcast_in_dim3A_5 : vector<16xi32>
        %bitcast_convert_type3A_395 = tpu.bitcast %and3A_394 : vector<16xi32> -> vector<16xf32>
        %add3A_396 = arith.addf %bitcast_convert_type3A_353, %bitcast_convert_type3A_395 : vector<16xf32>
        %add3A_397 = arith.constant 3 : i32
        %add3A_398 = arith.addi %mul3A_327, %add3A_397 : i32
        %get3A_399 = arith.constant 1 : i32
        %get3A_400 = arith.index_cast %get3A_399 : i32 to index
        %get3A_401 = arith.index_cast %add3A_398 : i32 to index
        %get3A_402 = arith.constant 0 : index
        %get3A_403 = tpu.vector_load %arg6[%get3A_400, %get3A_401, %get3A_402] {strides = array<i32>} : memref<2x640x16xi32, #tpu.memory_space<vmem>>, vector<1x1x16xi32>,
        %get3A_404 = vector.shape_cast %get3A_403 : vector<1x1x16xi32> to vector<16xi32>
        %and3A_405 = arith.andi %get3A_404, %broadcast_in_dim3A_5 : vector<16xi32>
        %bitcast_convert_type3A_406 = tpu.bitcast %and3A_405 : vector<16xi32> -> vector<16xf32>
        %add3A_407 = arith.addf %bitcast_convert_type3A_363, %bitcast_convert_type3A_406 : vector<16xf32>
        %add3A_408 = arith.constant 4 : i32
        %add3A_409 = arith.addi %mul3A_327, %add3A_408 : i32
        %get3A_410 = arith.constant 1 : i32
        %get3A_411 = arith.index_cast %get3A_410 : i32 to index
        %get3A_412 = arith.index_cast %add3A_409 : i32 to index
        %get3A_413 = arith.constant 0 : index
        %get3A_414 = tpu.vector_load %arg6[%get3A_411, %get3A_412, %get3A_413] {strides = array<i32>} : memref<2x640x16xi32, #tpu.memory_space<vmem>>, vector<1x1x16xi32>,
        %get3A_415 = vector.shape_cast %get3A_414 : vector<1x1x16xi32> to vector<16xi32>
        %shift_left3A_416 = arith.shli %get3A_415, %broadcast_in_dim3A_3 : vector<16xi32>
        %bitcast_convert_type3A_417 = tpu.bitcast %shift_left3A_416 : vector<16xi32> -> vector<16xf32>
        %add3A_418 = arith.addf %add3A_374, %bitcast_convert_type3A_417 : vector<16xf32>
        %add3A_419 = arith.constant 5 : i32
        %add3A_420 = arith.addi %mul3A_327, %add3A_419 : i32
        %get3A_421 = arith.constant 1 : i32
        %get3A_422 = arith.index_cast %get3A_421 : i32 to index
        %get3A_423 = arith.index_cast %add3A_420 : i32 to index
        %get3A_424 = arith.constant 0 : index
        %get3A_425 = tpu.vector_load %arg6[%get3A_422, %get3A_423, %get3A_424] {strides = array<i32>} : memref<2x640x16xi32, #tpu.memory_space<vmem>>, vector<1x1x16xi32>,
        %get3A_426 = vector.shape_cast %get3A_425 : vector<1x1x16xi32> to vector<16xi32>
        %shift_left3A_427 = arith.shli %get3A_426, %broadcast_in_dim3A_3 : vector<16xi32>
        %bitcast_convert_type3A_428 = tpu.bitcast %shift_left3A_427 : vector<16xi32> -> vector<16xf32>
        %add3A_429 = arith.addf %add3A_385, %bitcast_convert_type3A_428 : vector<16xf32>
        %add3A_430 = arith.constant 4 : i32
        %add3A_431 = arith.addi %mul3A_327, %add3A_430 : i32
        %get3A_432 = arith.constant 1 : i32
        %get3A_433 = arith.index_cast %get3A_432 : i32 to index
        %get3A_434 = arith.index_cast %add3A_431 : i32 to index
        %get3A_435 = arith.constant 0 : index
        %get3A_436 = tpu.vector_load %arg6[%get3A_433, %get3A_434, %get3A_435] {strides = array<i32>} : memref<2x640x16xi32, #tpu.memory_space<vmem>>, vector<1x1x16xi32>,
        %get3A_437 = vector.shape_cast %get3A_436 : vector<1x1x16xi32> to vector<16xi32>
        %and3A_438 = arith.andi %get3A_437, %broadcast_in_dim3A_5 : vector<16xi32>
        %bitcast_convert_type3A_439 = tpu.bitcast %and3A_438 : vector<16xi32> -> vector<16xf32>
        %add3A_440 = arith.addf %add3A_396, %bitcast_convert_type3A_439 : vector<16xf32>
        %add3A_441 = arith.constant 5 : i32
        %add3A_442 = arith.addi %mul3A_327, %add3A_441 : i32
        %get3A_443 = arith.constant 1 : i32
        %get3A_444 = arith.index_cast %get3A_443 : i32 to index
        %get3A_445 = arith.index_cast %add3A_442 : i32 to index
        %get3A_446 = arith.constant 0 : index
        %get3A_447 = tpu.vector_load %arg6[%get3A_444, %get3A_445, %get3A_446] {strides = array<i32>} : memref<2x640x16xi32, #tpu.memory_space<vmem>>, vector<1x1x16xi32>,
        %get3A_448 = vector.shape_cast %get3A_447 : vector<1x1x16xi32> to vector<16xi32>
        %and3A_449 = arith.andi %get3A_448, %broadcast_in_dim3A_5 : vector<16xi32>
        %bitcast_convert_type3A_450 = tpu.bitcast %and3A_449 : vector<16xi32> -> vector<16xf32>
        %add3A_451 = arith.addf %add3A_407, %bitcast_convert_type3A_450 : vector<16xf32>
        %add3A_452 = arith.constant 6 : i32
        %add3A_453 = arith.addi %mul3A_327, %add3A_452 : i32
        %get3A_454 = arith.constant 1 : i32
        %get3A_455 = arith.index_cast %get3A_454 : i32 to index
        %get3A_456 = arith.index_cast %add3A_453 : i32 to index
        %get3A_457 = arith.constant 0 : index
        %get3A_458 = tpu.vector_load %arg6[%get3A_455, %get3A_456, %get3A_457] {strides = array<i32>} : memref<2x640x16xi32, #tpu.memory_space<vmem>>, vector<1x1x16xi32>,
        %get3A_459 = vector.shape_cast %get3A_458 : vector<1x1x16xi32> to vector<16xi32>
        %shift_left3A_460 = arith.shli %get3A_459, %broadcast_in_dim3A_3 : vector<16xi32>
        %bitcast_convert_type3A_461 = tpu.bitcast %shift_left3A_460 : vector<16xi32> -> vector<16xf32>
        %add3A_462 = arith.addf %add3A_418, %bitcast_convert_type3A_461 : vector<16xf32>
        %add3A_463 = arith.constant 7 : i32
        %add3A_464 = arith.addi %mul3A_327, %add3A_463 : i32
        %get3A_465 = arith.constant 1 : i32
        %get3A_466 = arith.index_cast %get3A_465 : i32 to index
        %get3A_467 = arith.index_cast %add3A_464 : i32 to index
        %get3A_468 = arith.constant 0 : index
        %get3A_469 = tpu.vector_load %arg6[%get3A_466, %get3A_467, %get3A_468] {strides = array<i32>} : memref<2x640x16xi32, #tpu.memory_space<vmem>>, vector<1x1x16xi32>,
        %get3A_470 = vector.shape_cast %get3A_469 : vector<1x1x16xi32> to vector<16xi32>
        %shift_left3A_471 = arith.shli %get3A_470, %broadcast_in_dim3A_3 : vector<16xi32>
        %bitcast_convert_type3A_472 = tpu.bitcast %shift_left3A_471 : vector<16xi32> -> vector<16xf32>
        %add3A_473 = arith.addf %add3A_429, %bitcast_convert_type3A_472 : vector<16xf32>
        %add3A_474 = arith.constant 6 : i32
        %add3A_475 = arith.addi %mul3A_327, %add3A_474 : i32
        %get3A_476 = arith.constant 1 : i32
        %get3A_477 = arith.index_cast %get3A_476 : i32 to index
        %get3A_478 = arith.index_cast %add3A_475 : i32 to index
        %get3A_479 = arith.constant 0 : index
        %get3A_480 = tpu.vector_load %arg6[%get3A_477, %get3A_478, %get3A_479] {strides = array<i32>} : memref<2x640x16xi32, #tpu.memory_space<vmem>>, vector<1x1x16xi32>,
        %get3A_481 = vector.shape_cast %get3A_480 : vector<1x1x16xi32> to vector<16xi32>
        %and3A_482 = arith.andi %get3A_481, %broadcast_in_dim3A_5 : vector<16xi32>
        %bitcast_convert_type3A_483 = tpu.bitcast %and3A_482 : vector<16xi32> -> vector<16xf32>
        %add3A_484 = arith.addf %add3A_440, %bitcast_convert_type3A_483 : vector<16xf32>
        %add3A_485 = arith.constant 7 : i32
        %add3A_486 = arith.addi %mul3A_327, %add3A_485 : i32
        %get3A_487 = arith.constant 1 : i32
        %get3A_488 = arith.index_cast %get3A_487 : i32 to index
        %get3A_489 = arith.index_cast %add3A_486 : i32 to index
        %get3A_490 = arith.constant 0 : index
        %get3A_491 = tpu.vector_load %arg6[%get3A_488, %get3A_489, %get3A_490] {strides = array<i32>} : memref<2x640x16xi32, #tpu.memory_space<vmem>>, vector<1x1x16xi32>,
        %get3A_492 = vector.shape_cast %get3A_491 : vector<1x1x16xi32> to vector<16xi32>
        %and3A_493 = arith.andi %get3A_492, %broadcast_in_dim3A_5 : vector<16xi32>
        %bitcast_convert_type3A_494 = tpu.bitcast %and3A_493 : vector<16xi32> -> vector<16xf32>
        %add3A_495 = arith.addf %add3A_451, %bitcast_convert_type3A_494 : vector<16xf32>
        %add3A_496 = arith.constant 8 : i32
        %add3A_497 = arith.addi %mul3A_327, %add3A_496 : i32
        %get3A_498 = arith.constant 1 : i32
        %get3A_499 = arith.index_cast %get3A_498 : i32 to index
        %get3A_500 = arith.index_cast %add3A_497 : i32 to index
        %get3A_501 = arith.constant 0 : index
        %get3A_502 = tpu.vector_load %arg6[%get3A_499, %get3A_500, %get3A_501] {strides = array<i32>} : memref<2x640x16xi32, #tpu.memory_space<vmem>>, vector<1x1x16xi32>,
        %get3A_503 = vector.shape_cast %get3A_502 : vector<1x1x16xi32> to vector<16xi32>
        %shift_left3A_504 = arith.shli %get3A_503, %broadcast_in_dim3A_3 : vector<16xi32>
        %bitcast_convert_type3A_505 = tpu.bitcast %shift_left3A_504 : vector<16xi32> -> vector<16xf32>
        %add3A_506 = arith.addf %add3A_462, %bitcast_convert_type3A_505 : vector<16xf32>
        %add3A_507 = arith.constant 9 : i32
        %add3A_508 = arith.addi %mul3A_327, %add3A_507 : i32
        %get3A_509 = arith.constant 1 : i32
        %get3A_510 = arith.index_cast %get3A_509 : i32 to index
        %get3A_511 = arith.index_cast %add3A_508 : i32 to index
        %get3A_512 = arith.constant 0 : index
        %get3A_513 = tpu.vector_load %arg6[%get3A_510, %get3A_511, %get3A_512] {strides = array<i32>} : memref<2x640x16xi32, #tpu.memory_space<vmem>>, vector<1x1x16xi32>,
        %get3A_514 = vector.shape_cast %get3A_513 : vector<1x1x16xi32> to vector<16xi32>
        %shift_left3A_515 = arith.shli %get3A_514, %broadcast_in_dim3A_3 : vector<16xi32>
        %bitcast_convert_type3A_516 = tpu.bitcast %shift_left3A_515 : vector<16xi32> -> vector<16xf32>
        %add3A_517 = arith.addf %add3A_473, %bitcast_convert_type3A_516 : vector<16xf32>
        %add3A_518 = arith.constant 8 : i32
        %add3A_519 = arith.addi %mul3A_327, %add3A_518 : i32
        %get3A_520 = arith.constant 1 : i32
        %get3A_521 = arith.index_cast %get3A_520 : i32 to index
        %get3A_522 = arith.index_cast %add3A_519 : i32 to index
        %get3A_523 = arith.constant 0 : index
        %get3A_524 = tpu.vector_load %arg6[%get3A_521, %get3A_522, %get3A_523] {strides = array<i32>} : memref<2x640x16xi32, #tpu.memory_space<vmem>>, vector<1x1x16xi32>,
        %get3A_525 = vector.shape_cast %get3A_524 : vector<1x1x16xi32> to vector<16xi32>
        %and3A_526 = arith.andi %get3A_525, %broadcast_in_dim3A_5 : vector<16xi32>
        %bitcast_convert_type3A_527 = tpu.bitcast %and3A_526 : vector<16xi32> -> vector<16xf32>
        %add3A_528 = arith.addf %add3A_484, %bitcast_convert_type3A_527 : vector<16xf32>
        %add3A_529 = arith.constant 9 : i32
        %add3A_530 = arith.addi %mul3A_327, %add3A_529 : i32
        %get3A_531 = arith.constant 1 : i32
        %get3A_532 = arith.index_cast %get3A_531 : i32 to index
        %get3A_533 = arith.index_cast %add3A_530 : i32 to index
        %get3A_534 = arith.constant 0 : index
        %get3A_535 = tpu.vector_load %arg6[%get3A_532, %get3A_533, %get3A_534] {strides = array<i32>} : memref<2x640x16xi32, #tpu.memory_space<vmem>>, vector<1x1x16xi32>,
        %get3A_536 = vector.shape_cast %get3A_535 : vector<1x1x16xi32> to vector<16xi32>
        %and3A_537 = arith.andi %get3A_536, %broadcast_in_dim3A_5 : vector<16xi32>
        %bitcast_convert_type3A_538 = tpu.bitcast %and3A_537 : vector<16xi32> -> vector<16xf32>
        %add3A_539 = arith.addf %add3A_495, %bitcast_convert_type3A_538 : vector<16xf32>
        %add3A_540 = arith.constant 10 : i32
        %add3A_541 = arith.addi %mul3A_327, %add3A_540 : i32
        %get3A_542 = arith.constant 1 : i32
        %get3A_543 = arith.index_cast %get3A_542 : i32 to index
        %get3A_544 = arith.index_cast %add3A_541 : i32 to index
        %get3A_545 = arith.constant 0 : index
        %get3A_546 = tpu.vector_load %arg6[%get3A_543, %get3A_544, %get3A_545] {strides = array<i32>} : memref<2x640x16xi32, #tpu.memory_space<vmem>>, vector<1x1x16xi32>,
        %get3A_547 = vector.shape_cast %get3A_546 : vector<1x1x16xi32> to vector<16xi32>
        %shift_left3A_548 = arith.shli %get3A_547, %broadcast_in_dim3A_3 : vector<16xi32>
        %bitcast_convert_type3A_549 = tpu.bitcast %shift_left3A_548 : vector<16xi32> -> vector<16xf32>
        %add3A_550 = arith.addf %add3A_506, %bitcast_convert_type3A_549 : vector<16xf32>
        %add3A_551 = arith.constant 11 : i32
        %add3A_552 = arith.addi %mul3A_327, %add3A_551 : i32
        %get3A_553 = arith.constant 1 : i32
        %get3A_554 = arith.index_cast %get3A_553 : i32 to index
        %get3A_555 = arith.index_cast %add3A_552 : i32 to index
        %get3A_556 = arith.constant 0 : index
        %get3A_557 = tpu.vector_load %arg6[%get3A_554, %get3A_555, %get3A_556] {strides = array<i32>} : memref<2x640x16xi32, #tpu.memory_space<vmem>>, vector<1x1x16xi32>,
        %get3A_558 = vector.shape_cast %get3A_557 : vector<1x1x16xi32> to vector<16xi32>
        %shift_left3A_559 = arith.shli %get3A_558, %broadcast_in_dim3A_3 : vector<16xi32>
        %bitcast_convert_type3A_560 = tpu.bitcast %shift_left3A_559 : vector<16xi32> -> vector<16xf32>
        %add3A_561 = arith.addf %add3A_517, %bitcast_convert_type3A_560 : vector<16xf32>
        %add3A_562 = arith.constant 10 : i32
        %add3A_563 = arith.addi %mul3A_327, %add3A_562 : i32
        %get3A_564 = arith.constant 1 : i32
        %get3A_565 = arith.index_cast %get3A_564 : i32 to index
        %get3A_566 = arith.index_cast %add3A_563 : i32 to index
        %get3A_567 = arith.constant 0 : index
        %get3A_568 = tpu.vector_load %arg6[%get3A_565, %get3A_566, %get3A_567] {strides = array<i32>} : memref<2x640x16xi32, #tpu.memory_space<vmem>>, vector<1x1x16xi32>,
        %get3A_569 = vector.shape_cast %get3A_568 : vector<1x1x16xi32> to vector<16xi32>
        %and3A_570 = arith.andi %get3A_569, %broadcast_in_dim3A_5 : vector<16xi32>
        %bitcast_convert_type3A_571 = tpu.bitcast %and3A_570 : vector<16xi32> -> vector<16xf32>
        %add3A_572 = arith.addf %add3A_528, %bitcast_convert_type3A_571 : vector<16xf32>
        %add3A_573 = arith.constant 11 : i32
        %add3A_574 = arith.addi %mul3A_327, %add3A_573 : i32
        %get3A_575 = arith.constant 1 : i32
        %get3A_576 = arith.index_cast %get3A_575 : i32 to index
        %get3A_577 = arith.index_cast %add3A_574 : i32 to index
        %get3A_578 = arith.constant 0 : index
        %get3A_579 = tpu.vector_load %arg6[%get3A_576, %get3A_577, %get3A_578] {strides = array<i32>} : memref<2x640x16xi32, #tpu.memory_space<vmem>>, vector<1x1x16xi32>,
        %get3A_580 = vector.shape_cast %get3A_579 : vector<1x1x16xi32> to vector<16xi32>
        %and3A_581 = arith.andi %get3A_580, %broadcast_in_dim3A_5 : vector<16xi32>
        %bitcast_convert_type3A_582 = tpu.bitcast %and3A_581 : vector<16xi32> -> vector<16xf32>
        %add3A_583 = arith.addf %add3A_539, %bitcast_convert_type3A_582 : vector<16xf32>
        %add3A_584 = arith.constant 12 : i32
        %add3A_585 = arith.addi %mul3A_327, %add3A_584 : i32
        %get3A_586 = arith.constant 1 : i32
        %get3A_587 = arith.index_cast %get3A_586 : i32 to index
        %get3A_588 = arith.index_cast %add3A_585 : i32 to index
        %get3A_589 = arith.constant 0 : index
        %get3A_590 = tpu.vector_load %arg6[%get3A_587, %get3A_588, %get3A_589] {strides = array<i32>} : memref<2x640x16xi32, #tpu.memory_space<vmem>>, vector<1x1x16xi32>,
        %get3A_591 = vector.shape_cast %get3A_590 : vector<1x1x16xi32> to vector<16xi32>
        %shift_left3A_592 = arith.shli %get3A_591, %broadcast_in_dim3A_3 : vector<16xi32>
        %bitcast_convert_type3A_593 = tpu.bitcast %shift_left3A_592 : vector<16xi32> -> vector<16xf32>
        %add3A_594 = arith.addf %add3A_550, %bitcast_convert_type3A_593 : vector<16xf32>
        %add3A_595 = arith.constant 13 : i32
        %add3A_596 = arith.addi %mul3A_327, %add3A_595 : i32
        %get3A_597 = arith.constant 1 : i32
        %get3A_598 = arith.index_cast %get3A_597 : i32 to index
        %get3A_599 = arith.index_cast %add3A_596 : i32 to index
        %get3A_600 = arith.constant 0 : index
        %get3A_601 = tpu.vector_load %arg6[%get3A_598, %get3A_599, %get3A_600] {strides = array<i32>} : memref<2x640x16xi32, #tpu.memory_space<vmem>>, vector<1x1x16xi32>,
        %get3A_602 = vector.shape_cast %get3A_601 : vector<1x1x16xi32> to vector<16xi32>
        %shift_left3A_603 = arith.shli %get3A_602, %broadcast_in_dim3A_3 : vector<16xi32>
        %bitcast_convert_type3A_604 = tpu.bitcast %shift_left3A_603 : vector<16xi32> -> vector<16xf32>
        %add3A_605 = arith.addf %add3A_561, %bitcast_convert_type3A_604 : vector<16xf32>
        %add3A_606 = arith.constant 12 : i32
        %add3A_607 = arith.addi %mul3A_327, %add3A_606 : i32
        %get3A_608 = arith.constant 1 : i32
        %get3A_609 = arith.index_cast %get3A_608 : i32 to index
        %get3A_610 = arith.index_cast %add3A_607 : i32 to index
        %get3A_611 = arith.constant 0 : index
        %get3A_612 = tpu.vector_load %arg6[%get3A_609, %get3A_610, %get3A_611] {strides = array<i32>} : memref<2x640x16xi32, #tpu.memory_space<vmem>>, vector<1x1x16xi32>,
        %get3A_613 = vector.shape_cast %get3A_612 : vector<1x1x16xi32> to vector<16xi32>
        %and3A_614 = arith.andi %get3A_613, %broadcast_in_dim3A_5 : vector<16xi32>
        %bitcast_convert_type3A_615 = tpu.bitcast %and3A_614 : vector<16xi32> -> vector<16xf32>
        %add3A_616 = arith.addf %add3A_572, %bitcast_convert_type3A_615 : vector<16xf32>
        %add3A_617 = arith.constant 13 : i32
        %add3A_618 = arith.addi %mul3A_327, %add3A_617 : i32
        %get3A_619 = arith.constant 1 : i32
        %get3A_620 = arith.index_cast %get3A_619 : i32 to index
        %get3A_621 = arith.index_cast %add3A_618 : i32 to index
        %get3A_622 = arith.constant 0 : index
        %get3A_623 = tpu.vector_load %arg6[%get3A_620, %get3A_621, %get3A_622] {strides = array<i32>} : memref<2x640x16xi32, #tpu.memory_space<vmem>>, vector<1x1x16xi32>,
        %get3A_624 = vector.shape_cast %get3A_623 : vector<1x1x16xi32> to vector<16xi32>
        %and3A_625 = arith.andi %get3A_624, %broadcast_in_dim3A_5 : vector<16xi32>
        %bitcast_convert_type3A_626 = tpu.bitcast %and3A_625 : vector<16xi32> -> vector<16xf32>
        %add3A_627 = arith.addf %add3A_583, %bitcast_convert_type3A_626 : vector<16xf32>
        %add3A_628 = arith.constant 14 : i32
        %add3A_629 = arith.addi %mul3A_327, %add3A_628 : i32
        %get3A_630 = arith.constant 1 : i32
        %get3A_631 = arith.index_cast %get3A_630 : i32 to index
        %get3A_632 = arith.index_cast %add3A_629 : i32 to index
        %get3A_633 = arith.constant 0 : index
        %get3A_634 = tpu.vector_load %arg6[%get3A_631, %get3A_632, %get3A_633] {strides = array<i32>} : memref<2x640x16xi32, #tpu.memory_space<vmem>>, vector<1x1x16xi32>,
        %get3A_635 = vector.shape_cast %get3A_634 : vector<1x1x16xi32> to vector<16xi32>
        %shift_left3A_636 = arith.shli %get3A_635, %broadcast_in_dim3A_3 : vector<16xi32>
        %bitcast_convert_type3A_637 = tpu.bitcast %shift_left3A_636 : vector<16xi32> -> vector<16xf32>
        %add3A_638 = arith.addf %add3A_594, %bitcast_convert_type3A_637 : vector<16xf32>
        %add3A_639 = arith.constant 15 : i32
        %add3A_640 = arith.addi %mul3A_327, %add3A_639 : i32
        %get3A_641 = arith.constant 1 : i32
        %get3A_642 = arith.index_cast %get3A_641 : i32 to index
        %get3A_643 = arith.index_cast %add3A_640 : i32 to index
        %get3A_644 = arith.constant 0 : index
        %get3A_645 = tpu.vector_load %arg6[%get3A_642, %get3A_643, %get3A_644] {strides = array<i32>} : memref<2x640x16xi32, #tpu.memory_space<vmem>>, vector<1x1x16xi32>,
        %get3A_646 = vector.shape_cast %get3A_645 : vector<1x1x16xi32> to vector<16xi32>
        %shift_left3A_647 = arith.shli %get3A_646, %broadcast_in_dim3A_3 : vector<16xi32>
        %bitcast_convert_type3A_648 = tpu.bitcast %shift_left3A_647 : vector<16xi32> -> vector<16xf32>
        %add3A_649 = arith.addf %add3A_605, %bitcast_convert_type3A_648 : vector<16xf32>
        %add3A_650 = arith.constant 14 : i32
        %add3A_651 = arith.addi %mul3A_327, %add3A_650 : i32
        %get3A_652 = arith.constant 1 : i32
        %get3A_653 = arith.index_cast %get3A_652 : i32 to index
        %get3A_654 = arith.index_cast %add3A_651 : i32 to index
        %get3A_655 = arith.constant 0 : index
        %get3A_656 = tpu.vector_load %arg6[%get3A_653, %get3A_654, %get3A_655] {strides = array<i32>} : memref<2x640x16xi32, #tpu.memory_space<vmem>>, vector<1x1x16xi32>,
        %get3A_657 = vector.shape_cast %get3A_656 : vector<1x1x16xi32> to vector<16xi32>
        %and3A_658 = arith.andi %get3A_657, %broadcast_in_dim3A_5 : vector<16xi32>
        %bitcast_convert_type3A_659 = tpu.bitcast %and3A_658 : vector<16xi32> -> vector<16xf32>
        %add3A_660 = arith.addf %add3A_616, %bitcast_convert_type3A_659 : vector<16xf32>
        %add3A_661 = arith.constant 15 : i32
        %add3A_662 = arith.addi %mul3A_327, %add3A_661 : i32
        %get3A_663 = arith.constant 1 : i32
        %get3A_664 = arith.index_cast %get3A_663 : i32 to index
        %get3A_665 = arith.index_cast %add3A_662 : i32 to index
        %get3A_666 = arith.constant 0 : index
        %get3A_667 = tpu.vector_load %arg6[%get3A_664, %get3A_665, %get3A_666] {strides = array<i32>} : memref<2x640x16xi32, #tpu.memory_space<vmem>>, vector<1x1x16xi32>,
        %get3A_668 = vector.shape_cast %get3A_667 : vector<1x1x16xi32> to vector<16xi32>
        %and3A_669 = arith.andi %get3A_668, %broadcast_in_dim3A_5 : vector<16xi32>
        %bitcast_convert_type3A_670 = tpu.bitcast %and3A_669 : vector<16xi32> -> vector<16xf32>
        %add3A_671 = arith.addf %add3A_627, %bitcast_convert_type3A_670 : vector<16xf32>
        %add3A_672 = arith.constant 16 : i32
        %add3A_673 = arith.addi %mul3A_327, %add3A_672 : i32
        %get3A_674 = arith.constant 1 : i32
        %get3A_675 = arith.index_cast %get3A_674 : i32 to index
        %get3A_676 = arith.index_cast %add3A_673 : i32 to index
        %get3A_677 = arith.constant 0 : index
        %get3A_678 = tpu.vector_load %arg6[%get3A_675, %get3A_676, %get3A_677] {strides = array<i32>} : memref<2x640x16xi32, #tpu.memory_space<vmem>>, vector<1x1x16xi32>,
        %get3A_679 = vector.shape_cast %get3A_678 : vector<1x1x16xi32> to vector<16xi32>
        %shift_left3A_680 = arith.shli %get3A_679, %broadcast_in_dim3A_3 : vector<16xi32>
        %bitcast_convert_type3A_681 = tpu.bitcast %shift_left3A_680 : vector<16xi32> -> vector<16xf32>
        %add3A_682 = arith.addf %add3A_638, %bitcast_convert_type3A_681 : vector<16xf32>
        %add3A_683 = arith.constant 17 : i32
        %add3A_684 = arith.addi %mul3A_327, %add3A_683 : i32
        %get3A_685 = arith.constant 1 : i32
        %get3A_686 = arith.index_cast %get3A_685 : i32 to index
        %get3A_687 = arith.index_cast %add3A_684 : i32 to index
        %get3A_688 = arith.constant 0 : index
        %get3A_689 = tpu.vector_load %arg6[%get3A_686, %get3A_687, %get3A_688] {strides = array<i32>} : memref<2x640x16xi32, #tpu.memory_space<vmem>>, vector<1x1x16xi32>,
        %get3A_690 = vector.shape_cast %get3A_689 : vector<1x1x16xi32> to vector<16xi32>
        %shift_left3A_691 = arith.shli %get3A_690, %broadcast_in_dim3A_3 : vector<16xi32>
        %bitcast_convert_type3A_692 = tpu.bitcast %shift_left3A_691 : vector<16xi32> -> vector<16xf32>
        %add3A_693 = arith.addf %add3A_649, %bitcast_convert_type3A_692 : vector<16xf32>
        %add3A_694 = arith.constant 16 : i32
        %add3A_695 = arith.addi %mul3A_327, %add3A_694 : i32
        %get3A_696 = arith.constant 1 : i32
        %get3A_697 = arith.index_cast %get3A_696 : i32 to index
        %get3A_698 = arith.index_cast %add3A_695 : i32 to index
        %get3A_699 = arith.constant 0 : index
        %get3A_700 = tpu.vector_load %arg6[%get3A_697, %get3A_698, %get3A_699] {strides = array<i32>} : memref<2x640x16xi32, #tpu.memory_space<vmem>>, vector<1x1x16xi32>,
        %get3A_701 = vector.shape_cast %get3A_700 : vector<1x1x16xi32> to vector<16xi32>
        %and3A_702 = arith.andi %get3A_701, %broadcast_in_dim3A_5 : vector<16xi32>
        %bitcast_convert_type3A_703 = tpu.bitcast %and3A_702 : vector<16xi32> -> vector<16xf32>
        %add3A_704 = arith.addf %add3A_660, %bitcast_convert_type3A_703 : vector<16xf32>
        %add3A_705 = arith.constant 17 : i32
        %add3A_706 = arith.addi %mul3A_327, %add3A_705 : i32
        %get3A_707 = arith.constant 1 : i32
        %get3A_708 = arith.index_cast %get3A_707 : i32 to index
        %get3A_709 = arith.index_cast %add3A_706 : i32 to index
        %get3A_710 = arith.constant 0 : index
        %get3A_711 = tpu.vector_load %arg6[%get3A_708, %get3A_709, %get3A_710] {strides = array<i32>} : memref<2x640x16xi32, #tpu.memory_space<vmem>>, vector<1x1x16xi32>,
        %get3A_712 = vector.shape_cast %get3A_711 : vector<1x1x16xi32> to vector<16xi32>
        %and3A_713 = arith.andi %get3A_712, %broadcast_in_dim3A_5 : vector<16xi32>
        %bitcast_convert_type3A_714 = tpu.bitcast %and3A_713 : vector<16xi32> -> vector<16xf32>
        %add3A_715 = arith.addf %add3A_671, %bitcast_convert_type3A_714 : vector<16xf32>
        %add3A_716 = arith.constant 18 : i32
        %add3A_717 = arith.addi %mul3A_327, %add3A_716 : i32
        %get3A_718 = arith.constant 1 : i32
        %get3A_719 = arith.index_cast %get3A_718 : i32 to index
        %get3A_720 = arith.index_cast %add3A_717 : i32 to index
        %get3A_721 = arith.constant 0 : index
        %get3A_722 = tpu.vector_load %arg6[%get3A_719, %get3A_720, %get3A_721] {strides = array<i32>} : memref<2x640x16xi32, #tpu.memory_space<vmem>>, vector<1x1x16xi32>,
        %get3A_723 = vector.shape_cast %get3A_722 : vector<1x1x16xi32> to vector<16xi32>
        %shift_left3A_724 = arith.shli %get3A_723, %broadcast_in_dim3A_3 : vector<16xi32>
        %bitcast_convert_type3A_725 = tpu.bitcast %shift_left3A_724 : vector<16xi32> -> vector<16xf32>
        %add3A_726 = arith.addf %add3A_682, %bitcast_convert_type3A_725 : vector<16xf32>
        %add3A_727 = arith.constant 19 : i32
        %add3A_728 = arith.addi %mul3A_327, %add3A_727 : i32
        %get3A_729 = arith.constant 1 : i32
        %get3A_730 = arith.index_cast %get3A_729 : i32 to index
        %get3A_731 = arith.index_cast %add3A_728 : i32 to index
        %get3A_732 = arith.constant 0 : index
        %get3A_733 = tpu.vector_load %arg6[%get3A_730, %get3A_731, %get3A_732] {strides = array<i32>} : memref<2x640x16xi32, #tpu.memory_space<vmem>>, vector<1x1x16xi32>,
        %get3A_734 = vector.shape_cast %get3A_733 : vector<1x1x16xi32> to vector<16xi32>
        %shift_left3A_735 = arith.shli %get3A_734, %broadcast_in_dim3A_3 : vector<16xi32>
        %bitcast_convert_type3A_736 = tpu.bitcast %shift_left3A_735 : vector<16xi32> -> vector<16xf32>
        %add3A_737 = arith.addf %add3A_693, %bitcast_convert_type3A_736 : vector<16xf32>
        %add3A_738 = arith.constant 18 : i32
        %add3A_739 = arith.addi %mul3A_327, %add3A_738 : i32
        %get3A_740 = arith.constant 1 : i32
        %get3A_741 = arith.index_cast %get3A_740 : i32 to index
        %get3A_742 = arith.index_cast %add3A_739 : i32 to index
        %get3A_743 = arith.constant 0 : index
        %get3A_744 = tpu.vector_load %arg6[%get3A_741, %get3A_742, %get3A_743] {strides = array<i32>} : memref<2x640x16xi32, #tpu.memory_space<vmem>>, vector<1x1x16xi32>,
        %get3A_745 = vector.shape_cast %get3A_744 : vector<1x1x16xi32> to vector<16xi32>
        %and3A_746 = arith.andi %get3A_745, %broadcast_in_dim3A_5 : vector<16xi32>
        %bitcast_convert_type3A_747 = tpu.bitcast %and3A_746 : vector<16xi32> -> vector<16xf32>
        %add3A_748 = arith.addf %add3A_704, %bitcast_convert_type3A_747 : vector<16xf32>
        %add3A_749 = arith.constant 19 : i32
        %add3A_750 = arith.addi %mul3A_327, %add3A_749 : i32
        %get3A_751 = arith.constant 1 : i32
        %get3A_752 = arith.index_cast %get3A_751 : i32 to index
        %get3A_753 = arith.index_cast %add3A_750 : i32 to index
        %get3A_754 = arith.constant 0 : index
        %get3A_755 = tpu.vector_load %arg6[%get3A_752, %get3A_753, %get3A_754] {strides = array<i32>} : memref<2x640x16xi32, #tpu.memory_space<vmem>>, vector<1x1x16xi32>,
        %get3A_756 = vector.shape_cast %get3A_755 : vector<1x1x16xi32> to vector<16xi32>
        %and3A_757 = arith.andi %get3A_756, %broadcast_in_dim3A_5 : vector<16xi32>
        %bitcast_convert_type3A_758 = tpu.bitcast %and3A_757 : vector<16xi32> -> vector<16xf32>
        %add3A_759 = arith.addf %add3A_715, %bitcast_convert_type3A_758 : vector<16xf32>
        %mul3A_760 = arith.constant 128 : i32
        %mul3A_761 = arith.muli %add3A_325, %mul3A_760 : i32
        %add3A_762 = arith.constant 4096 : i32
        %add3A_763 = arith.addi %add3A_762, %mul3A_761 : i32
        %add3A_764 = arith.addf %add3A_726, %add3A_737 : vector<16xf32>
        %swap3A = arith.index_cast %add3A_763 : i32 to index
        %swap3A_765 = tpu.vector_load %arg7[%swap3A] {strides = array<i32>} : memref<8192xf32, #tpu.memory_space<vmem>>, vector<16xf32>,
        %swap3A_766 = vector.shape_cast %swap3A_765 : vector<16xf32> to vector<16xf32>
        %swap3A_767 = vector.shape_cast %add3A_764 : vector<16xf32> to vector<16xf32>
        tpu.vector_store %arg7[%swap3A], %swap3A_767 {strides = array<i32>} : memref<8192xf32, #tpu.memory_space<vmem>>, vector<16xf32>,
        %add3A_768 = arith.addf %add3A_748, %add3A_759 : vector<16xf32>
        %add3A_769 = arith.constant 16 : i32
        %add3A_770 = arith.addi %add3A_763, %add3A_769 : i32
        %swap3A_771 = arith.index_cast %add3A_770 : i32 to index
        %swap3A_772 = tpu.vector_load %arg7[%swap3A_771] {strides = array<i32>} : memref<8192xf32, #tpu.memory_space<vmem>>, vector<16xf32>,
        %swap3A_773 = vector.shape_cast %swap3A_772 : vector<16xf32> to vector<16xf32>
        %swap3A_774 = vector.shape_cast %add3A_768 : vector<16xf32> to vector<16xf32>
        tpu.vector_store %arg7[%swap3A_771], %swap3A_774 {strides = array<i32>} : memref<8192xf32, #tpu.memory_space<vmem>>, vector<16xf32>,
        %scan3A_775 = arith.constant 1 : i32
        %scan3A_776 = arith.addi %scan3A_321, %scan3A_775 : i32
        %mul3A_777 = arith.constant 1 : i32
        %mul3A_778 = arith.muli %scan3A_776, %mul3A_777 : i32
        %add3A_779 = arith.constant 0 : i32
        %add3A_780 = arith.addi %add3A_779, %mul3A_778 : i32
        %mul3A_781 = arith.constant 20 : i32
        %mul3A_782 = arith.muli %add3A_780, %mul3A_781 : i32
        %add3A_783 = arith.constant 0 : i32
        %add3A_784 = arith.addi %mul3A_782, %add3A_783 : i32
        %get3A_785 = arith.constant 1 : i32
        %get3A_786 = arith.index_cast %get3A_785 : i32 to index
        %get3A_787 = arith.index_cast %add3A_784 : i32 to index
        %get3A_788 = arith.constant 0 : index
        %get3A_789 = tpu.vector_load %arg6[%get3A_786, %get3A_787, %get3A_788] {strides = array<i32>} : memref<2x640x16xi32, #tpu.memory_space<vmem>>, vector<1x1x16xi32>,
        %get3A_790 = vector.shape_cast %get3A_789 : vector<1x1x16xi32> to vector<16xi32>
        %shift_left3A_791 = arith.shli %get3A_790, %broadcast_in_dim3A_3 : vector<16xi32>
        %bitcast_convert_type3A_792 = tpu.bitcast %shift_left3A_791 : vector<16xi32> -> vector<16xf32>
        %add3A_793 = arith.constant 1 : i32
        %add3A_794 = arith.addi %mul3A_782, %add3A_793 : i32
        %get3A_795 = arith.constant 1 : i32
        %get3A_796 = arith.index_cast %get3A_795 : i32 to index
        %get3A_797 = arith.index_cast %add3A_794 : i32 to index
        %get3A_798 = arith.constant 0 : index
        %get3A_799 = tpu.vector_load %arg6[%get3A_796, %get3A_797, %get3A_798] {strides = array<i32>} : memref<2x640x16xi32, #tpu.memory_space<vmem>>, vector<1x1x16xi32>,
        %get3A_800 = vector.shape_cast %get3A_799 : vector<1x1x16xi32> to vector<16xi32>
        %shift_left3A_801 = arith.shli %get3A_800, %broadcast_in_dim3A_3 : vector<16xi32>
        %bitcast_convert_type3A_802 = tpu.bitcast %shift_left3A_801 : vector<16xi32> -> vector<16xf32>
        %add3A_803 = arith.constant 0 : i32
        %add3A_804 = arith.addi %mul3A_782, %add3A_803 : i32
        %get3A_805 = arith.constant 1 : i32
        %get3A_806 = arith.index_cast %get3A_805 : i32 to index
        %get3A_807 = arith.index_cast %add3A_804 : i32 to index
        %get3A_808 = arith.constant 0 : index
        %get3A_809 = tpu.vector_load %arg6[%get3A_806, %get3A_807, %get3A_808] {strides = array<i32>} : memref<2x640x16xi32, #tpu.memory_space<vmem>>, vector<1x1x16xi32>,
        %get3A_810 = vector.shape_cast %get3A_809 : vector<1x1x16xi32> to vector<16xi32>
        %and3A_811 = arith.andi %get3A_810, %broadcast_in_dim3A_5 : vector<16xi32>
        %bitcast_convert_type3A_812 = tpu.bitcast %and3A_811 : vector<16xi32> -> vector<16xf32>
        %add3A_813 = arith.constant 1 : i32
        %add3A_814 = arith.addi %mul3A_782, %add3A_813 : i32
        %get3A_815 = arith.constant 1 : i32
        %get3A_816 = arith.index_cast %get3A_815 : i32 to index
        %get3A_817 = arith.index_cast %add3A_814 : i32 to index
        %get3A_818 = arith.constant 0 : index
        %get3A_819 = tpu.vector_load %arg6[%get3A_816, %get3A_817, %get3A_818] {strides = array<i32>} : memref<2x640x16xi32, #tpu.memory_space<vmem>>, vector<1x1x16xi32>,
        %get3A_820 = vector.shape_cast %get3A_819 : vector<1x1x16xi32> to vector<16xi32>
        %and3A_821 = arith.andi %get3A_820, %broadcast_in_dim3A_5 : vector<16xi32>
        %bitcast_convert_type3A_822 = tpu.bitcast %and3A_821 : vector<16xi32> -> vector<16xf32>
        %add3A_823 = arith.constant 2 : i32
        %add3A_824 = arith.addi %mul3A_782, %add3A_823 : i32
        %get3A_825 = arith.constant 1 : i32
        %get3A_826 = arith.index_cast %get3A_825 : i32 to index
        %get3A_827 = arith.index_cast %add3A_824 : i32 to index
        %get3A_828 = arith.constant 0 : index
        %get3A_829 = tpu.vector_load %arg6[%get3A_826, %get3A_827, %get3A_828] {strides = array<i32>} : memref<2x640x16xi32, #tpu.memory_space<vmem>>, vector<1x1x16xi32>,
        %get3A_830 = vector.shape_cast %get3A_829 : vector<1x1x16xi32> to vector<16xi32>
        %shift_left3A_831 = arith.shli %get3A_830, %broadcast_in_dim3A_3 : vector<16xi32>
        %bitcast_convert_type3A_832 = tpu.bitcast %shift_left3A_831 : vector<16xi32> -> vector<16xf32>
        %add3A_833 = arith.addf %bitcast_convert_type3A_792, %bitcast_convert_type3A_832 : vector<16xf32>
        %add3A_834 = arith.constant 3 : i32
        %add3A_835 = arith.addi %mul3A_782, %add3A_834 : i32
        %get3A_836 = arith.constant 1 : i32
        %get3A_837 = arith.index_cast %get3A_836 : i32 to index
        %get3A_838 = arith.index_cast %add3A_835 : i32 to index
        %get3A_839 = arith.constant 0 : index
        %get3A_840 = tpu.vector_load %arg6[%get3A_837, %get3A_838, %get3A_839] {strides = array<i32>} : memref<2x640x16xi32, #tpu.memory_space<vmem>>, vector<1x1x16xi32>,
        %get3A_841 = vector.shape_cast %get3A_840 : vector<1x1x16xi32> to vector<16xi32>
        %shift_left3A_842 = arith.shli %get3A_841, %broadcast_in_dim3A_3 : vector<16xi32>
        %bitcast_convert_type3A_843 = tpu.bitcast %shift_left3A_842 : vector<16xi32> -> vector<16xf32>
        %add3A_844 = arith.addf %bitcast_convert_type3A_802, %bitcast_convert_type3A_843 : vector<16xf32>
        %add3A_845 = arith.constant 2 : i32
        %add3A_846 = arith.addi %mul3A_782, %add3A_845 : i32
        %get3A_847 = arith.constant 1 : i32
        %get3A_848 = arith.index_cast %get3A_847 : i32 to index
        %get3A_849 = arith.index_cast %add3A_846 : i32 to index
        %get3A_850 = arith.constant 0 : index
        %get3A_851 = tpu.vector_load %arg6[%get3A_848, %get3A_849, %get3A_850] {strides = array<i32>} : memref<2x640x16xi32, #tpu.memory_space<vmem>>, vector<1x1x16xi32>,
        %get3A_852 = vector.shape_cast %get3A_851 : vector<1x1x16xi32> to vector<16xi32>
        %and3A_853 = arith.andi %get3A_852, %broadcast_in_dim3A_5 : vector<16xi32>
        %bitcast_convert_type3A_854 = tpu.bitcast %and3A_853 : vector<16xi32> -> vector<16xf32>
        %add3A_855 = arith.addf %bitcast_convert_type3A_812, %bitcast_convert_type3A_854 : vector<16xf32>
        %add3A_856 = arith.constant 3 : i32
        %add3A_857 = arith.addi %mul3A_782, %add3A_856 : i32
        %get3A_858 = arith.constant 1 : i32
        %get3A_859 = arith.index_cast %get3A_858 : i32 to index
        %get3A_860 = arith.index_cast %add3A_857 : i32 to index
        %get3A_861 = arith.constant 0 : index
        %get3A_862 = tpu.vector_load %arg6[%get3A_859, %get3A_860, %get3A_861] {strides = array<i32>} : memref<2x640x16xi32, #tpu.memory_space<vmem>>, vector<1x1x16xi32>,
        %get3A_863 = vector.shape_cast %get3A_862 : vector<1x1x16xi32> to vector<16xi32>
        %and3A_864 = arith.andi %get3A_863, %broadcast_in_dim3A_5 : vector<16xi32>
        %bitcast_convert_type3A_865 = tpu.bitcast %and3A_864 : vector<16xi32> -> vector<16xf32>
        %add3A_866 = arith.addf %bitcast_convert_type3A_822, %bitcast_convert_type3A_865 : vector<16xf32>
        %add3A_867 = arith.constant 4 : i32
        %add3A_868 = arith.addi %mul3A_782, %add3A_867 : i32
        %get3A_869 = arith.constant 1 : i32
        %get3A_870 = arith.index_cast %get3A_869 : i32 to index
        %get3A_871 = arith.index_cast %add3A_868 : i32 to index
        %get3A_872 = arith.constant 0 : index
        %get3A_873 = tpu.vector_load %arg6[%get3A_870, %get3A_871, %get3A_872] {strides = array<i32>} : memref<2x640x16xi32, #tpu.memory_space<vmem>>, vector<1x1x16xi32>,
        %get3A_874 = vector.shape_cast %get3A_873 : vector<1x1x16xi32> to vector<16xi32>
        %shift_left3A_875 = arith.shli %get3A_874, %broadcast_in_dim3A_3 : vector<16xi32>
        %bitcast_convert_type3A_876 = tpu.bitcast %shift_left3A_875 : vector<16xi32> -> vector<16xf32>
        %add3A_877 = arith.addf %add3A_833, %bitcast_convert_type3A_876 : vector<16xf32>
        %add3A_878 = arith.constant 5 : i32
        %add3A_879 = arith.addi %mul3A_782, %add3A_878 : i32
        %get3A_880 = arith.constant 1 : i32
        %get3A_881 = arith.index_cast %get3A_880 : i32 to index
        %get3A_882 = arith.index_cast %add3A_879 : i32 to index
        %get3A_883 = arith.constant 0 : index
        %get3A_884 = tpu.vector_load %arg6[%get3A_881, %get3A_882, %get3A_883] {strides = array<i32>} : memref<2x640x16xi32, #tpu.memory_space<vmem>>, vector<1x1x16xi32>,
        %get3A_885 = vector.shape_cast %get3A_884 : vector<1x1x16xi32> to vector<16xi32>
        %shift_left3A_886 = arith.shli %get3A_885, %broadcast_in_dim3A_3 : vector<16xi32>
        %bitcast_convert_type3A_887 = tpu.bitcast %shift_left3A_886 : vector<16xi32> -> vector<16xf32>
        %add3A_888 = arith.addf %add3A_844, %bitcast_convert_type3A_887 : vector<16xf32>
        %add3A_889 = arith.constant 4 : i32
        %add3A_890 = arith.addi %mul3A_782, %add3A_889 : i32
        %get3A_891 = arith.constant 1 : i32
        %get3A_892 = arith.index_cast %get3A_891 : i32 to index
        %get3A_893 = arith.index_cast %add3A_890 : i32 to index
        %get3A_894 = arith.constant 0 : index
        %get3A_895 = tpu.vector_load %arg6[%get3A_892, %get3A_893, %get3A_894] {strides = array<i32>} : memref<2x640x16xi32, #tpu.memory_space<vmem>>, vector<1x1x16xi32>,
        %get3A_896 = vector.shape_cast %get3A_895 : vector<1x1x16xi32> to vector<16xi32>
        %and3A_897 = arith.andi %get3A_896, %broadcast_in_dim3A_5 : vector<16xi32>
        %bitcast_convert_type3A_898 = tpu.bitcast %and3A_897 : vector<16xi32> -> vector<16xf32>
        %add3A_899 = arith.addf %add3A_855, %bitcast_convert_type3A_898 : vector<16xf32>
        %add3A_900 = arith.constant 5 : i32
        %add3A_901 = arith.addi %mul3A_782, %add3A_900 : i32
        %get3A_902 = arith.constant 1 : i32
        %get3A_903 = arith.index_cast %get3A_902 : i32 to index
        %get3A_904 = arith.index_cast %add3A_901 : i32 to index
        %get3A_905 = arith.constant 0 : index
        %get3A_906 = tpu.vector_load %arg6[%get3A_903, %get3A_904, %get3A_905] {strides = array<i32>} : memref<2x640x16xi32, #tpu.memory_space<vmem>>, vector<1x1x16xi32>,
        %get3A_907 = vector.shape_cast %get3A_906 : vector<1x1x16xi32> to vector<16xi32>
        %and3A_908 = arith.andi %get3A_907, %broadcast_in_dim3A_5 : vector<16xi32>
        %bitcast_convert_type3A_909 = tpu.bitcast %and3A_908 : vector<16xi32> -> vector<16xf32>
        %add3A_910 = arith.addf %add3A_866, %bitcast_convert_type3A_909 : vector<16xf32>
        %add3A_911 = arith.constant 6 : i32
        %add3A_912 = arith.addi %mul3A_782, %add3A_911 : i32
        %get3A_913 = arith.constant 1 : i32
        %get3A_914 = arith.index_cast %get3A_913 : i32 to index
        %get3A_915 = arith.index_cast %add3A_912 : i32 to index
        %get3A_916 = arith.constant 0 : index
        %get3A_917 = tpu.vector_load %arg6[%get3A_914, %get3A_915, %get3A_916] {strides = array<i32>} : memref<2x640x16xi32, #tpu.memory_space<vmem>>, vector<1x1x16xi32>,
        %get3A_918 = vector.shape_cast %get3A_917 : vector<1x1x16xi32> to vector<16xi32>
        %shift_left3A_919 = arith.shli %get3A_918, %broadcast_in_dim3A_3 : vector<16xi32>
        %bitcast_convert_type3A_920 = tpu.bitcast %shift_left3A_919 : vector<16xi32> -> vector<16xf32>
        %add3A_921 = arith.addf %add3A_877, %bitcast_convert_type3A_920 : vector<16xf32>
        %add3A_922 = arith.constant 7 : i32
        %add3A_923 = arith.addi %mul3A_782, %add3A_922 : i32
        %get3A_924 = arith.constant 1 : i32
        %get3A_925 = arith.index_cast %get3A_924 : i32 to index
        %get3A_926 = arith.index_cast %add3A_923 : i32 to index
        %get3A_927 = arith.constant 0 : index
        %get3A_928 = tpu.vector_load %arg6[%get3A_925, %get3A_926, %get3A_927] {strides = array<i32>} : memref<2x640x16xi32, #tpu.memory_space<vmem>>, vector<1x1x16xi32>,
        %get3A_929 = vector.shape_cast %get3A_928 : vector<1x1x16xi32> to vector<16xi32>
        %shift_left3A_930 = arith.shli %get3A_929, %broadcast_in_dim3A_3 : vector<16xi32>
        %bitcast_convert_type3A_931 = tpu.bitcast %shift_left3A_930 : vector<16xi32> -> vector<16xf32>
        %add3A_932 = arith.addf %add3A_888, %bitcast_convert_type3A_931 : vector<16xf32>
        %add3A_933 = arith.constant 6 : i32
        %add3A_934 = arith.addi %mul3A_782, %add3A_933 : i32
        %get3A_935 = arith.constant 1 : i32
        %get3A_936 = arith.index_cast %get3A_935 : i32 to index
        %get3A_937 = arith.index_cast %add3A_934 : i32 to index
        %get3A_938 = arith.constant 0 : index
        %get3A_939 = tpu.vector_load %arg6[%get3A_936, %get3A_937, %get3A_938] {strides = array<i32>} : memref<2x640x16xi32, #tpu.memory_space<vmem>>, vector<1x1x16xi32>,
        %get3A_940 = vector.shape_cast %get3A_939 : vector<1x1x16xi32> to vector<16xi32>
        %and3A_941 = arith.andi %get3A_940, %broadcast_in_dim3A_5 : vector<16xi32>
        %bitcast_convert_type3A_942 = tpu.bitcast %and3A_941 : vector<16xi32> -> vector<16xf32>
        %add3A_943 = arith.addf %add3A_899, %bitcast_convert_type3A_942 : vector<16xf32>
        %add3A_944 = arith.constant 7 : i32
        %add3A_945 = arith.addi %mul3A_782, %add3A_944 : i32
        %get3A_946 = arith.constant 1 : i32
        %get3A_947 = arith.index_cast %get3A_946 : i32 to index
        %get3A_948 = arith.index_cast %add3A_945 : i32 to index
        %get3A_949 = arith.constant 0 : index
        %get3A_950 = tpu.vector_load %arg6[%get3A_947, %get3A_948, %get3A_949] {strides = array<i32>} : memref<2x640x16xi32, #tpu.memory_space<vmem>>, vector<1x1x16xi32>,
        %get3A_951 = vector.shape_cast %get3A_950 : vector<1x1x16xi32> to vector<16xi32>
        %and3A_952 = arith.andi %get3A_951, %broadcast_in_dim3A_5 : vector<16xi32>
        %bitcast_convert_type3A_953 = tpu.bitcast %and3A_952 : vector<16xi32> -> vector<16xf32>
        %add3A_954 = arith.addf %add3A_910, %bitcast_convert_type3A_953 : vector<16xf32>
        %add3A_955 = arith.constant 8 : i32
        %add3A_956 = arith.addi %mul3A_782, %add3A_955 : i32
        %get3A_957 = arith.constant 1 : i32
        %get3A_958 = arith.index_cast %get3A_957 : i32 to index
        %get3A_959 = arith.index_cast %add3A_956 : i32 to index
        %get3A_960 = arith.constant 0 : index
        %get3A_961 = tpu.vector_load %arg6[%get3A_958, %get3A_959, %get3A_960] {strides = array<i32>} : memref<2x640x16xi32, #tpu.memory_space<vmem>>, vector<1x1x16xi32>,
        %get3A_962 = vector.shape_cast %get3A_961 : vector<1x1x16xi32> to vector<16xi32>
        %shift_left3A_963 = arith.shli %get3A_962, %broadcast_in_dim3A_3 : vector<16xi32>
        %bitcast_convert_type3A_964 = tpu.bitcast %shift_left3A_963 : vector<16xi32> -> vector<16xf32>
        %add3A_965 = arith.addf %add3A_921, %bitcast_convert_type3A_964 : vector<16xf32>
        %add3A_966 = arith.constant 9 : i32
        %add3A_967 = arith.addi %mul3A_782, %add3A_966 : i32
        %get3A_968 = arith.constant 1 : i32
        %get3A_969 = arith.index_cast %get3A_968 : i32 to index
        %get3A_970 = arith.index_cast %add3A_967 : i32 to index
        %get3A_971 = arith.constant 0 : index
        %get3A_972 = tpu.vector_load %arg6[%get3A_969, %get3A_970, %get3A_971] {strides = array<i32>} : memref<2x640x16xi32, #tpu.memory_space<vmem>>, vector<1x1x16xi32>,
        %get3A_973 = vector.shape_cast %get3A_972 : vector<1x1x16xi32> to vector<16xi32>
        %shift_left3A_974 = arith.shli %get3A_973, %broadcast_in_dim3A_3 : vector<16xi32>
        %bitcast_convert_type3A_975 = tpu.bitcast %shift_left3A_974 : vector<16xi32> -> vector<16xf32>
        %add3A_976 = arith.addf %add3A_932, %bitcast_convert_type3A_975 : vector<16xf32>
        %add3A_977 = arith.constant 8 : i32
        %add3A_978 = arith.addi %mul3A_782, %add3A_977 : i32
        %get3A_979 = arith.constant 1 : i32
        %get3A_980 = arith.index_cast %get3A_979 : i32 to index
        %get3A_981 = arith.index_cast %add3A_978 : i32 to index
        %get3A_982 = arith.constant 0 : index
        %get3A_983 = tpu.vector_load %arg6[%get3A_980, %get3A_981, %get3A_982] {strides = array<i32>} : memref<2x640x16xi32, #tpu.memory_space<vmem>>, vector<1x1x16xi32>,
        %get3A_984 = vector.shape_cast %get3A_983 : vector<1x1x16xi32> to vector<16xi32>
        %and3A_985 = arith.andi %get3A_984, %broadcast_in_dim3A_5 : vector<16xi32>
        %bitcast_convert_type3A_986 = tpu.bitcast %and3A_985 : vector<16xi32> -> vector<16xf32>
        %add3A_987 = arith.addf %add3A_943, %bitcast_convert_type3A_986 : vector<16xf32>
        %add3A_988 = arith.constant 9 : i32
        %add3A_989 = arith.addi %mul3A_782, %add3A_988 : i32
        %get3A_990 = arith.constant 1 : i32
        %get3A_991 = arith.index_cast %get3A_990 : i32 to index
        %get3A_992 = arith.index_cast %add3A_989 : i32 to index
        %get3A_993 = arith.constant 0 : index
        %get3A_994 = tpu.vector_load %arg6[%get3A_991, %get3A_992, %get3A_993] {strides = array<i32>} : memref<2x640x16xi32, #tpu.memory_space<vmem>>, vector<1x1x16xi32>,
        %get3A_995 = vector.shape_cast %get3A_994 : vector<1x1x16xi32> to vector<16xi32>
        %and3A_996 = arith.andi %get3A_995, %broadcast_in_dim3A_5 : vector<16xi32>
        %bitcast_convert_type3A_997 = tpu.bitcast %and3A_996 : vector<16xi32> -> vector<16xf32>
        %add3A_998 = arith.addf %add3A_954, %bitcast_convert_type3A_997 : vector<16xf32>
        %add3A_999 = arith.constant 10 : i32
        %add3A_1000 = arith.addi %mul3A_782, %add3A_999 : i32
        %get3A_1001 = arith.constant 1 : i32
        %get3A_1002 = arith.index_cast %get3A_1001 : i32 to index
        %get3A_1003 = arith.index_cast %add3A_1000 : i32 to index
        %get3A_1004 = arith.constant 0 : index
        %get3A_1005 = tpu.vector_load %arg6[%get3A_1002, %get3A_1003, %get3A_1004] {strides = array<i32>} : memref<2x640x16xi32, #tpu.memory_space<vmem>>, vector<1x1x16xi32>,
        %get3A_1006 = vector.shape_cast %get3A_1005 : vector<1x1x16xi32> to vector<16xi32>
        %shift_left3A_1007 = arith.shli %get3A_1006, %broadcast_in_dim3A_3 : vector<16xi32>
        %bitcast_convert_type3A_1008 = tpu.bitcast %shift_left3A_1007 : vector<16xi32> -> vector<16xf32>
        %add3A_1009 = arith.addf %add3A_965, %bitcast_convert_type3A_1008 : vector<16xf32>
        %add3A_1010 = arith.constant 11 : i32
        %add3A_1011 = arith.addi %mul3A_782, %add3A_1010 : i32
        %get3A_1012 = arith.constant 1 : i32
        %get3A_1013 = arith.index_cast %get3A_1012 : i32 to index
        %get3A_1014 = arith.index_cast %add3A_1011 : i32 to index
        %get3A_1015 = arith.constant 0 : index
        %get3A_1016 = tpu.vector_load %arg6[%get3A_1013, %get3A_1014, %get3A_1015] {strides = array<i32>} : memref<2x640x16xi32, #tpu.memory_space<vmem>>, vector<1x1x16xi32>,
        %get3A_1017 = vector.shape_cast %get3A_1016 : vector<1x1x16xi32> to vector<16xi32>
        %shift_left3A_1018 = arith.shli %get3A_1017, %broadcast_in_dim3A_3 : vector<16xi32>
        %bitcast_convert_type3A_1019 = tpu.bitcast %shift_left3A_1018 : vector<16xi32> -> vector<16xf32>
        %add3A_1020 = arith.addf %add3A_976, %bitcast_convert_type3A_1019 : vector<16xf32>
        %add3A_1021 = arith.constant 10 : i32
        %add3A_1022 = arith.addi %mul3A_782, %add3A_1021 : i32
        %get3A_1023 = arith.constant 1 : i32
        %get3A_1024 = arith.index_cast %get3A_1023 : i32 to index
        %get3A_1025 = arith.index_cast %add3A_1022 : i32 to index
        %get3A_1026 = arith.constant 0 : index
        %get3A_1027 = tpu.vector_load %arg6[%get3A_1024, %get3A_1025, %get3A_1026] {strides = array<i32>} : memref<2x640x16xi32, #tpu.memory_space<vmem>>, vector<1x1x16xi32>,
        %get3A_1028 = vector.shape_cast %get3A_1027 : vector<1x1x16xi32> to vector<16xi32>
        %and3A_1029 = arith.andi %get3A_1028, %broadcast_in_dim3A_5 : vector<16xi32>
        %bitcast_convert_type3A_1030 = tpu.bitcast %and3A_1029 : vector<16xi32> -> vector<16xf32>
        %add3A_1031 = arith.addf %add3A_987, %bitcast_convert_type3A_1030 : vector<16xf32>
        %add3A_1032 = arith.constant 11 : i32
        %add3A_1033 = arith.addi %mul3A_782, %add3A_1032 : i32
        %get3A_1034 = arith.constant 1 : i32
        %get3A_1035 = arith.index_cast %get3A_1034 : i32 to index
        %get3A_1036 = arith.index_cast %add3A_1033 : i32 to index
        %get3A_1037 = arith.constant 0 : index
        %get3A_1038 = tpu.vector_load %arg6[%get3A_1035, %get3A_1036, %get3A_1037] {strides = array<i32>} : memref<2x640x16xi32, #tpu.memory_space<vmem>>, vector<1x1x16xi32>,
        %get3A_1039 = vector.shape_cast %get3A_1038 : vector<1x1x16xi32> to vector<16xi32>
        %and3A_1040 = arith.andi %get3A_1039, %broadcast_in_dim3A_5 : vector<16xi32>
        %bitcast_convert_type3A_1041 = tpu.bitcast %and3A_1040 : vector<16xi32> -> vector<16xf32>
        %add3A_1042 = arith.addf %add3A_998, %bitcast_convert_type3A_1041 : vector<16xf32>
        %add3A_1043 = arith.constant 12 : i32
        %add3A_1044 = arith.addi %mul3A_782, %add3A_1043 : i32
        %get3A_1045 = arith.constant 1 : i32
        %get3A_1046 = arith.index_cast %get3A_1045 : i32 to index
        %get3A_1047 = arith.index_cast %add3A_1044 : i32 to index
        %get3A_1048 = arith.constant 0 : index
        %get3A_1049 = tpu.vector_load %arg6[%get3A_1046, %get3A_1047, %get3A_1048] {strides = array<i32>} : memref<2x640x16xi32, #tpu.memory_space<vmem>>, vector<1x1x16xi32>,
        %get3A_1050 = vector.shape_cast %get3A_1049 : vector<1x1x16xi32> to vector<16xi32>
        %shift_left3A_1051 = arith.shli %get3A_1050, %broadcast_in_dim3A_3 : vector<16xi32>
        %bitcast_convert_type3A_1052 = tpu.bitcast %shift_left3A_1051 : vector<16xi32> -> vector<16xf32>
        %add3A_1053 = arith.addf %add3A_1009, %bitcast_convert_type3A_1052 : vector<16xf32>
        %add3A_1054 = arith.constant 13 : i32
        %add3A_1055 = arith.addi %mul3A_782, %add3A_1054 : i32
        %get3A_1056 = arith.constant 1 : i32
        %get3A_1057 = arith.index_cast %get3A_1056 : i32 to index
        %get3A_1058 = arith.index_cast %add3A_1055 : i32 to index
        %get3A_1059 = arith.constant 0 : index
        %get3A_1060 = tpu.vector_load %arg6[%get3A_1057, %get3A_1058, %get3A_1059] {strides = array<i32>} : memref<2x640x16xi32, #tpu.memory_space<vmem>>, vector<1x1x16xi32>,
        %get3A_1061 = vector.shape_cast %get3A_1060 : vector<1x1x16xi32> to vector<16xi32>
        %shift_left3A_1062 = arith.shli %get3A_1061, %broadcast_in_dim3A_3 : vector<16xi32>
        %bitcast_convert_type3A_1063 = tpu.bitcast %shift_left3A_1062 : vector<16xi32> -> vector<16xf32>
        %add3A_1064 = arith.addf %add3A_1020, %bitcast_convert_type3A_1063 : vector<16xf32>
        %add3A_1065 = arith.constant 12 : i32
        %add3A_1066 = arith.addi %mul3A_782, %add3A_1065 : i32
        %get3A_1067 = arith.constant 1 : i32
        %get3A_1068 = arith.index_cast %get3A_1067 : i32 to index
        %get3A_1069 = arith.index_cast %add3A_1066 : i32 to index
        %get3A_1070 = arith.constant 0 : index
        %get3A_1071 = tpu.vector_load %arg6[%get3A_1068, %get3A_1069, %get3A_1070] {strides = array<i32>} : memref<2x640x16xi32, #tpu.memory_space<vmem>>, vector<1x1x16xi32>,
        %get3A_1072 = vector.shape_cast %get3A_1071 : vector<1x1x16xi32> to vector<16xi32>
        %and3A_1073 = arith.andi %get3A_1072, %broadcast_in_dim3A_5 : vector<16xi32>
        %bitcast_convert_type3A_1074 = tpu.bitcast %and3A_1073 : vector<16xi32> -> vector<16xf32>
        %add3A_1075 = arith.addf %add3A_1031, %bitcast_convert_type3A_1074 : vector<16xf32>
        %add3A_1076 = arith.constant 13 : i32
        %add3A_1077 = arith.addi %mul3A_782, %add3A_1076 : i32
        %get3A_1078 = arith.constant 1 : i32
        %get3A_1079 = arith.index_cast %get3A_1078 : i32 to index
        %get3A_1080 = arith.index_cast %add3A_1077 : i32 to index
        %get3A_1081 = arith.constant 0 : index
        %get3A_1082 = tpu.vector_load %arg6[%get3A_1079, %get3A_1080, %get3A_1081] {strides = array<i32>} : memref<2x640x16xi32, #tpu.memory_space<vmem>>, vector<1x1x16xi32>,
        %get3A_1083 = vector.shape_cast %get3A_1082 : vector<1x1x16xi32> to vector<16xi32>
        %and3A_1084 = arith.andi %get3A_1083, %broadcast_in_dim3A_5 : vector<16xi32>
        %bitcast_convert_type3A_1085 = tpu.bitcast %and3A_1084 : vector<16xi32> -> vector<16xf32>
        %add3A_1086 = arith.addf %add3A_1042, %bitcast_convert_type3A_1085 : vector<16xf32>
        %add3A_1087 = arith.constant 14 : i32
        %add3A_1088 = arith.addi %mul3A_782, %add3A_1087 : i32
        %get3A_1089 = arith.constant 1 : i32
        %get3A_1090 = arith.index_cast %get3A_1089 : i32 to index
        %get3A_1091 = arith.index_cast %add3A_1088 : i32 to index
        %get3A_1092 = arith.constant 0 : index
        %get3A_1093 = tpu.vector_load %arg6[%get3A_1090, %get3A_1091, %get3A_1092] {strides = array<i32>} : memref<2x640x16xi32, #tpu.memory_space<vmem>>, vector<1x1x16xi32>,
        %get3A_1094 = vector.shape_cast %get3A_1093 : vector<1x1x16xi32> to vector<16xi32>
        %shift_left3A_1095 = arith.shli %get3A_1094, %broadcast_in_dim3A_3 : vector<16xi32>
        %bitcast_convert_type3A_1096 = tpu.bitcast %shift_left3A_1095 : vector<16xi32> -> vector<16xf32>
        %add3A_1097 = arith.addf %add3A_1053, %bitcast_convert_type3A_1096 : vector<16xf32>
        %add3A_1098 = arith.constant 15 : i32
        %add3A_1099 = arith.addi %mul3A_782, %add3A_1098 : i32
        %get3A_1100 = arith.constant 1 : i32
        %get3A_1101 = arith.index_cast %get3A_1100 : i32 to index
        %get3A_1102 = arith.index_cast %add3A_1099 : i32 to index
        %get3A_1103 = arith.constant 0 : index
        %get3A_1104 = tpu.vector_load %arg6[%get3A_1101, %get3A_1102, %get3A_1103] {strides = array<i32>} : memref<2x640x16xi32, #tpu.memory_space<vmem>>, vector<1x1x16xi32>,
        %get3A_1105 = vector.shape_cast %get3A_1104 : vector<1x1x16xi32> to vector<16xi32>
        %shift_left3A_1106 = arith.shli %get3A_1105, %broadcast_in_dim3A_3 : vector<16xi32>
        %bitcast_convert_type3A_1107 = tpu.bitcast %shift_left3A_1106 : vector<16xi32> -> vector<16xf32>
        %add3A_1108 = arith.addf %add3A_1064, %bitcast_convert_type3A_1107 : vector<16xf32>
        %add3A_1109 = arith.constant 14 : i32
        %add3A_1110 = arith.addi %mul3A_782, %add3A_1109 : i32
        %get3A_1111 = arith.constant 1 : i32
        %get3A_1112 = arith.index_cast %get3A_1111 : i32 to index
        %get3A_1113 = arith.index_cast %add3A_1110 : i32 to index
        %get3A_1114 = arith.constant 0 : index
        %get3A_1115 = tpu.vector_load %arg6[%get3A_1112, %get3A_1113, %get3A_1114] {strides = array<i32>} : memref<2x640x16xi32, #tpu.memory_space<vmem>>, vector<1x1x16xi32>,
        %get3A_1116 = vector.shape_cast %get3A_1115 : vector<1x1x16xi32> to vector<16xi32>
        %and3A_1117 = arith.andi %get3A_1116, %broadcast_in_dim3A_5 : vector<16xi32>
        %bitcast_convert_type3A_1118 = tpu.bitcast %and3A_1117 : vector<16xi32> -> vector<16xf32>
        %add3A_1119 = arith.addf %add3A_1075, %bitcast_convert_type3A_1118 : vector<16xf32>
        %add3A_1120 = arith.constant 15 : i32
        %add3A_1121 = arith.addi %mul3A_782, %add3A_1120 : i32
        %get3A_1122 = arith.constant 1 : i32
        %get3A_1123 = arith.index_cast %get3A_1122 : i32 to index
        %get3A_1124 = arith.index_cast %add3A_1121 : i32 to index
        %get3A_1125 = arith.constant 0 : index
        %get3A_1126 = tpu.vector_load %arg6[%get3A_1123, %get3A_1124, %get3A_1125] {strides = array<i32>} : memref<2x640x16xi32, #tpu.memory_space<vmem>>, vector<1x1x16xi32>,
        %get3A_1127 = vector.shape_cast %get3A_1126 : vector<1x1x16xi32> to vector<16xi32>
        %and3A_1128 = arith.andi %get3A_1127, %broadcast_in_dim3A_5 : vector<16xi32>
        %bitcast_convert_type3A_1129 = tpu.bitcast %and3A_1128 : vector<16xi32> -> vector<16xf32>
        %add3A_1130 = arith.addf %add3A_1086, %bitcast_convert_type3A_1129 : vector<16xf32>
        %add3A_1131 = arith.constant 16 : i32
        %add3A_1132 = arith.addi %mul3A_782, %add3A_1131 : i32
        %get3A_1133 = arith.constant 1 : i32
        %get3A_1134 = arith.index_cast %get3A_1133 : i32 to index
        %get3A_1135 = arith.index_cast %add3A_1132 : i32 to index
        %get3A_1136 = arith.constant 0 : index
        %get3A_1137 = tpu.vector_load %arg6[%get3A_1134, %get3A_1135, %get3A_1136] {strides = array<i32>} : memref<2x640x16xi32, #tpu.memory_space<vmem>>, vector<1x1x16xi32>,
        %get3A_1138 = vector.shape_cast %get3A_1137 : vector<1x1x16xi32> to vector<16xi32>
        %shift_left3A_1139 = arith.shli %get3A_1138, %broadcast_in_dim3A_3 : vector<16xi32>
        %bitcast_convert_type3A_1140 = tpu.bitcast %shift_left3A_1139 : vector<16xi32> -> vector<16xf32>
        %add3A_1141 = arith.addf %add3A_1097, %bitcast_convert_type3A_1140 : vector<16xf32>
        %add3A_1142 = arith.constant 17 : i32
        %add3A_1143 = arith.addi %mul3A_782, %add3A_1142 : i32
        %get3A_1144 = arith.constant 1 : i32
        %get3A_1145 = arith.index_cast %get3A_1144 : i32 to index
        %get3A_1146 = arith.index_cast %add3A_1143 : i32 to index
        %get3A_1147 = arith.constant 0 : index
        %get3A_1148 = tpu.vector_load %arg6[%get3A_1145, %get3A_1146, %get3A_1147] {strides = array<i32>} : memref<2x640x16xi32, #tpu.memory_space<vmem>>, vector<1x1x16xi32>,
        %get3A_1149 = vector.shape_cast %get3A_1148 : vector<1x1x16xi32> to vector<16xi32>
        %shift_left3A_1150 = arith.shli %get3A_1149, %broadcast_in_dim3A_3 : vector<16xi32>
        %bitcast_convert_type3A_1151 = tpu.bitcast %shift_left3A_1150 : vector<16xi32> -> vector<16xf32>
        %add3A_1152 = arith.addf %add3A_1108, %bitcast_convert_type3A_1151 : vector<16xf32>
        %add3A_1153 = arith.constant 16 : i32
        %add3A_1154 = arith.addi %mul3A_782, %add3A_1153 : i32
        %get3A_1155 = arith.constant 1 : i32
        %get3A_1156 = arith.index_cast %get3A_1155 : i32 to index
        %get3A_1157 = arith.index_cast %add3A_1154 : i32 to index
        %get3A_1158 = arith.constant 0 : index
        %get3A_1159 = tpu.vector_load %arg6[%get3A_1156, %get3A_1157, %get3A_1158] {strides = array<i32>} : memref<2x640x16xi32, #tpu.memory_space<vmem>>, vector<1x1x16xi32>,
        %get3A_1160 = vector.shape_cast %get3A_1159 : vector<1x1x16xi32> to vector<16xi32>
        %and3A_1161 = arith.andi %get3A_1160, %broadcast_in_dim3A_5 : vector<16xi32>
        %bitcast_convert_type3A_1162 = tpu.bitcast %and3A_1161 : vector<16xi32> -> vector<16xf32>
        %add3A_1163 = arith.addf %add3A_1119, %bitcast_convert_type3A_1162 : vector<16xf32>
        %add3A_1164 = arith.constant 17 : i32
        %add3A_1165 = arith.addi %mul3A_782, %add3A_1164 : i32
        %get3A_1166 = arith.constant 1 : i32
        %get3A_1167 = arith.index_cast %get3A_1166 : i32 to index
        %get3A_1168 = arith.index_cast %add3A_1165 : i32 to index
        %get3A_1169 = arith.constant 0 : index
        %get3A_1170 = tpu.vector_load %arg6[%get3A_1167, %get3A_1168, %get3A_1169] {strides = array<i32>} : memref<2x640x16xi32, #tpu.memory_space<vmem>>, vector<1x1x16xi32>,
        %get3A_1171 = vector.shape_cast %get3A_1170 : vector<1x1x16xi32> to vector<16xi32>
        %and3A_1172 = arith.andi %get3A_1171, %broadcast_in_dim3A_5 : vector<16xi32>
        %bitcast_convert_type3A_1173 = tpu.bitcast %and3A_1172 : vector<16xi32> -> vector<16xf32>
        %add3A_1174 = arith.addf %add3A_1130, %bitcast_convert_type3A_1173 : vector<16xf32>
        %add3A_1175 = arith.constant 18 : i32
        %add3A_1176 = arith.addi %mul3A_782, %add3A_1175 : i32
        %get3A_1177 = arith.constant 1 : i32
        %get3A_1178 = arith.index_cast %get3A_1177 : i32 to index
        %get3A_1179 = arith.index_cast %add3A_1176 : i32 to index
        %get3A_1180 = arith.constant 0 : index
        %get3A_1181 = tpu.vector_load %arg6[%get3A_1178, %get3A_1179, %get3A_1180] {strides = array<i32>} : memref<2x640x16xi32, #tpu.memory_space<vmem>>, vector<1x1x16xi32>,
        %get3A_1182 = vector.shape_cast %get3A_1181 : vector<1x1x16xi32> to vector<16xi32>
        %shift_left3A_1183 = arith.shli %get3A_1182, %broadcast_in_dim3A_3 : vector<16xi32>
        %bitcast_convert_type3A_1184 = tpu.bitcast %shift_left3A_1183 : vector<16xi32> -> vector<16xf32>
        %add3A_1185 = arith.addf %add3A_1141, %bitcast_convert_type3A_1184 : vector<16xf32>
        %add3A_1186 = arith.constant 19 : i32
        %add3A_1187 = arith.addi %mul3A_782, %add3A_1186 : i32
        %get3A_1188 = arith.constant 1 : i32
        %get3A_1189 = arith.index_cast %get3A_1188 : i32 to index
        %get3A_1190 = arith.index_cast %add3A_1187 : i32 to index
        %get3A_1191 = arith.constant 0 : index
        %get3A_1192 = tpu.vector_load %arg6[%get3A_1189, %get3A_1190, %get3A_1191] {strides = array<i32>} : memref<2x640x16xi32, #tpu.memory_space<vmem>>, vector<1x1x16xi32>,
        %get3A_1193 = vector.shape_cast %get3A_1192 : vector<1x1x16xi32> to vector<16xi32>
        %shift_left3A_1194 = arith.shli %get3A_1193, %broadcast_in_dim3A_3 : vector<16xi32>
        %bitcast_convert_type3A_1195 = tpu.bitcast %shift_left3A_1194 : vector<16xi32> -> vector<16xf32>
        %add3A_1196 = arith.addf %add3A_1152, %bitcast_convert_type3A_1195 : vector<16xf32>
        %add3A_1197 = arith.constant 18 : i32
        %add3A_1198 = arith.addi %mul3A_782, %add3A_1197 : i32
        %get3A_1199 = arith.constant 1 : i32
        %get3A_1200 = arith.index_cast %get3A_1199 : i32 to index
        %get3A_1201 = arith.index_cast %add3A_1198 : i32 to index
        %get3A_1202 = arith.constant 0 : index
        %get3A_1203 = tpu.vector_load %arg6[%get3A_1200, %get3A_1201, %get3A_1202] {strides = array<i32>} : memref<2x640x16xi32, #tpu.memory_space<vmem>>, vector<1x1x16xi32>,
        %get3A_1204 = vector.shape_cast %get3A_1203 : vector<1x1x16xi32> to vector<16xi32>
        %and3A_1205 = arith.andi %get3A_1204, %broadcast_in_dim3A_5 : vector<16xi32>
        %bitcast_convert_type3A_1206 = tpu.bitcast %and3A_1205 : vector<16xi32> -> vector<16xf32>
        %add3A_1207 = arith.addf %add3A_1163, %bitcast_convert_type3A_1206 : vector<16xf32>
        %add3A_1208 = arith.constant 19 : i32
        %add3A_1209 = arith.addi %mul3A_782, %add3A_1208 : i32
        %get3A_1210 = arith.constant 1 : i32
        %get3A_1211 = arith.index_cast %get3A_1210 : i32 to index
        %get3A_1212 = arith.index_cast %add3A_1209 : i32 to index
        %get3A_1213 = arith.constant 0 : index
        %get3A_1214 = tpu.vector_load %arg6[%get3A_1211, %get3A_1212, %get3A_1213] {strides = array<i32>} : memref<2x640x16xi32, #tpu.memory_space<vmem>>, vector<1x1x16xi32>,
        %get3A_1215 = vector.shape_cast %get3A_1214 : vector<1x1x16xi32> to vector<16xi32>
        %and3A_1216 = arith.andi %get3A_1215, %broadcast_in_dim3A_5 : vector<16xi32>
        %bitcast_convert_type3A_1217 = tpu.bitcast %and3A_1216 : vector<16xi32> -> vector<16xf32>
        %add3A_1218 = arith.addf %add3A_1174, %bitcast_convert_type3A_1217 : vector<16xf32>
        %mul3A_1219 = arith.constant 128 : i32
        %mul3A_1220 = arith.muli %add3A_780, %mul3A_1219 : i32
        %add3A_1221 = arith.constant 4096 : i32
        %add3A_1222 = arith.addi %add3A_1221, %mul3A_1220 : i32
        %add3A_1223 = arith.addf %add3A_1185, %add3A_1196 : vector<16xf32>
        %swap3A_1224 = arith.index_cast %add3A_1222 : i32 to index
        %swap3A_1225 = tpu.vector_load %arg7[%swap3A_1224] {strides = array<i32>} : memref<8192xf32, #tpu.memory_space<vmem>>, vector<16xf32>,
        %swap3A_1226 = vector.shape_cast %swap3A_1225 : vector<16xf32> to vector<16xf32>
        %swap3A_1227 = vector.shape_cast %add3A_1223 : vector<16xf32> to vector<16xf32>
        tpu.vector_store %arg7[%swap3A_1224], %swap3A_1227 {strides = array<i32>} : memref<8192xf32, #tpu.memory_space<vmem>>, vector<16xf32>,
        %add3A_1228 = arith.addf %add3A_1207, %add3A_1218 : vector<16xf32>
        %add3A_1229 = arith.constant 16 : i32
        %add3A_1230 = arith.addi %add3A_1222, %add3A_1229 : i32
        %swap3A_1231 = arith.index_cast %add3A_1230 : i32 to index
        %swap3A_1232 = tpu.vector_load %arg7[%swap3A_1231] {strides = array<i32>} : memref<8192xf32, #tpu.memory_space<vmem>>, vector<16xf32>,
        %swap3A_1233 = vector.shape_cast %swap3A_1232 : vector<16xf32> to vector<16xf32>
        %swap3A_1234 = vector.shape_cast %add3A_1228 : vector<16xf32> to vector<16xf32>
        tpu.vector_store %arg7[%swap3A_1231], %swap3A_1234 {strides = array<i32>} : memref<8192xf32, #tpu.memory_space<vmem>>, vector<16xf32>,
      }
      %scan3A_309 = arith.constant 32 : i32
      %mul3A_310 = arith.constant 32 : i32
      %mul3A_311 = arith.muli %add3A_225, %mul3A_310 : i32
      %add3A_312 = arith.addi %mul3A_2, %mul3A_311 : i32
      %mul3A_313 = arith.constant 128 : i32
      %mul3A_314 = arith.muli %add3A_312, %mul3A_313 : i32
      %dma_start3A_315 = arith.constant 4096 : i32
      %dma_start3A_316 = tpu.memref_slice %arg7[%dma_start3A_315] : memref<8192xf32, #tpu.memory_space<vmem>> -> memref<4096xf32, #tpu.memory_space<vmem>>
      %dma_start3A_317 = tpu.memref_slice %arg4[%mul3A_314] : memref<6553600xf32, #tpu.memory_space<hbm>> -> memref<4096xf32, #tpu.memory_space<hbm>>
      %dma_start3A_318 = tpu.memref_slice %arg4[%mul3A_314] : memref<6553600xf32, #tpu.memory_space<hbm>> -> memref<4096xf32, #tpu.memory_space<hbm>>
      %dma_start3A_319 = arith.constant 4096 : i32
      %dma_start3A_320 = tpu.memref_slice %arg7[%dma_start3A_319] : memref<8192xf32, #tpu.memory_space<vmem>> -> memref<4096xf32, #tpu.memory_space<vmem>>
      tpu.enqueue_dma source(%dma_start3A_320 : memref<4096xf32, #tpu.memory_space<vmem>>) target(%dma_start3A_318 : memref<4096xf32, #tpu.memory_space<hbm>>) target_semaphore(%arg10 : memref<!tpu.dma_semaphore, #tpu.memory_space<semaphore_mem>>)
    }
    %scan3A_109 = arith.constant 25 : i32
    %dma_wait3A_110 = arith.constant 0 : i32
    %dma_wait3A_111 = tpu.memref_slice %arg7[%dma_wait3A_110] : memref<8192xf32, #tpu.memory_space<vmem>> -> memref<4096xf32, #tpu.memory_space<vmem>>
    %dma_wait3A_112 = arith.constant 0 : i32
    %dma_wait3A_113 = tpu.memref_slice %arg4[%dma_wait3A_112] : memref<6553600xf32, #tpu.memory_space<hbm>> -> memref<4096xf32, #tpu.memory_space<hbm>>
    %dma_wait3A_114 = arith.constant 0 : i32
    %dma_wait3A_115 = tpu.memref_slice %arg4[%dma_wait3A_114] : memref<6553600xf32, #tpu.memory_space<hbm>> -> memref<4096xf32, #tpu.memory_space<hbm>>
    %dma_wait3A_116 = arith.constant 0 : i32
    %dma_wait3A_117 = tpu.memref_slice %arg7[%dma_wait3A_116] : memref<8192xf32, #tpu.memory_space<vmem>> -> memref<4096xf32, #tpu.memory_space<vmem>>
    tpu.wait_dma2 semaphore(%arg10 : memref<!tpu.dma_semaphore, #tpu.memory_space<semaphore_mem>>) src(%dma_wait3A_117 : memref<4096xf32, #tpu.memory_space<vmem>>) dst(%dma_wait3A_115 : memref<4096xf32, #tpu.memory_space<hbm>>)
    %dma_wait3A_118 = arith.constant 0 : i32
    %dma_wait3A_119 = tpu.memref_slice %arg7[%dma_wait3A_118] : memref<8192xf32, #tpu.memory_space<vmem>> -> memref<4096xf32, #tpu.memory_space<vmem>>
    %dma_wait3A_120 = arith.constant 0 : i32
    %dma_wait3A_121 = tpu.memref_slice %arg4[%dma_wait3A_120] : memref<6553600xf32, #tpu.memory_space<hbm>> -> memref<4096xf32, #tpu.memory_space<hbm>>
    %dma_wait3A_122 = arith.constant 0 : i32
    %dma_wait3A_123 = tpu.memref_slice %arg4[%dma_wait3A_122] : memref<6553600xf32, #tpu.memory_space<hbm>> -> memref<4096xf32, #tpu.memory_space<hbm>>
    %dma_wait3A_124 = arith.constant 0 : i32
    %dma_wait3A_125 = tpu.memref_slice %arg7[%dma_wait3A_124] : memref<8192xf32, #tpu.memory_space<vmem>> -> memref<4096xf32, #tpu.memory_space<vmem>>
    tpu.wait_dma2 semaphore(%arg10 : memref<!tpu.dma_semaphore, #tpu.memory_space<semaphore_mem>>) src(%dma_wait3A_125 : memref<4096xf32, #tpu.memory_space<vmem>>) dst(%dma_wait3A_123 : memref<4096xf32, #tpu.memory_space<hbm>>)
    return
  }
}

module attributes {stable_mosaic.version = 14 : i64} {
  func.func @body(%arg0: i32, %arg1: memref<1x1024x128xf32, #tpu.memory_space<vmem>>, %arg2: memref<1000x32xf32, #tpu.memory_space<vmem>>, %arg3: memref<1000x1xf32, #tpu.memory_space<vmem>>, %arg4: memref<1x1000x1024xf32, #tpu.memory_space<vmem>>) attributes {dimension_semantics = [#tpu.dimension_semantics<arbitrary>], iteration_bounds = array<i64: 50>, scalar_prefetch = 0 : i64, scratch_operands = 0 : i64, tpu.core_type = #tpu.core_type<tc>, window_params = [{transform_indices = @transform_0, window_bounds = array<i64: 1, 1024, 128>}, {pipeline_mode = #tpu.pipeline_mode<synchronous>, transform_indices = @transform_1, window_bounds = array<i64: 1000, 32>}, {pipeline_mode = #tpu.pipeline_mode<synchronous>, transform_indices = @transform_2, window_bounds = array<i64: 1000, 1>}, {transform_indices = @transform_3, window_bounds = array<i64: 1, 1000, 1024>}]} {
    %get3A = arith.constant 0 : index
    %get3A_0 = arith.constant 0 : index
    %get3A_1 = vector.load %arg2[%get3A, %get3A_0] : memref<1000x32xf32, #tpu.memory_space<vmem>>, vector<1000x32xf32>
    %get3A_2 = arith.constant 0 : index
    %get3A_3 = arith.constant 0 : index
    %get3A_4 = arith.constant 0 : index
    %get3A_5 = vector.load %arg1[%get3A_2, %get3A_3, %get3A_4] : memref<1x1024x128xf32, #tpu.memory_space<vmem>>, vector<1x1024x32xf32>
    %get3A_6 = vector.shape_cast %get3A_5 : vector<1x1024x32xf32> to vector<1024x32xf32>
    %dot_general3A = arith.constant dense<0.000000e+00> : vector<1000x1024xf32>
    %dot_general3A_7 = tpu.matmul %get3A_1, %get3A_6, %dot_general3A {dimension_numbers = #tpu.dot_dimension_numbers<[1], [1], [0], [0], [0, 0, 1, 0], [], []>, transpose_lhs_hint = false} : vector<1000x32xf32>, vector<1024x32xf32>, vector<1000x1024xf32> -> vector<1000x1024xf32>
    %get3A_8 = arith.constant 0 : index
    %get3A_9 = arith.constant 0 : index
    %get3A_10 = vector.load %arg3[%get3A_8, %get3A_9] : memref<1000x1xf32, #tpu.memory_space<vmem>>, vector<1000x1xf32>
    %add3A = vector.broadcast %get3A_10 : vector<1000x1xf32> to vector<1000x1024xf32>
    %add3A_11 = arith.addf %dot_general3A_7, %add3A : vector<1000x1024xf32>
    %swap3A = arith.constant 0 : index
    %swap3A_12 = arith.constant 0 : index
    %swap3A_13 = arith.constant 0 : index
    %swap3A_14 = vector.load %arg4[%swap3A, %swap3A_12, %swap3A_13] : memref<1x1000x1024xf32, #tpu.memory_space<vmem>>, vector<1x1000x1024xf32>
    %swap3A_15 = vector.shape_cast %swap3A_14 : vector<1x1000x1024xf32> to vector<1000x1024xf32>
    %swap3A_16 = vector.shape_cast %add3A_11 : vector<1000x1024xf32> to vector<1x1000x1024xf32>
    tpu.vector_store %arg4[%swap3A, %swap3A_12, %swap3A_13], %swap3A_16 {strides = array<i32>} : memref<1x1000x1024xf32, #tpu.memory_space<vmem>>, vector<1x1000x1024xf32>,
    return
  }
  func.func @transform_0(%arg0: i32) -> (i32, i32, i32) {
    %c0_i32 = arith.constant 0 : i32
    %c0_i32_0 = arith.constant 0 : i32
    %c0_i32_1 = arith.constant 0 : i32
    return %arg0, %c0_i32, %c0_i32_0 : i32, i32, i32
  }
  func.func @transform_1(%arg0: i32) -> (i32, i32) {
    %c0_i32 = arith.constant 0 : i32
    %c0_i32_0 = arith.constant 0 : i32
    %c0_i32_1 = arith.constant 0 : i32
    return %c0_i32, %c0_i32_0 : i32, i32
  }
  func.func @transform_2(%arg0: i32) -> (i32, i32) {
    %c0_i32 = arith.constant 0 : i32
    %c0_i32_0 = arith.constant 0 : i32
    %c0_i32_1 = arith.constant 0 : i32
    return %c0_i32, %c0_i32_0 : i32, i32
  }
  func.func @transform_3(%arg0: i32) -> (i32, i32, i32) {
    %add3A = arith.constant 0 : i32
    %add3A_0 = arith.addi %add3A, %arg0 : i32
    %c0_i32 = arith.constant 0 : i32
    %c0_i32_1 = arith.constant 0 : i32
    %c0_i32_2 = arith.constant 0 : i32
    return %add3A_0, %c0_i32, %c0_i32_1 : i32, i32, i32
  }
}

</mosaic_0001>

<sc_bundles>
// kernel: kernel.4.cloned.1.call-start
scs
__scs_entry_jumppad:
0x0: {  	(pc) =	sbr.rel $0x88, $3  }
0x1: {  	(tag) =	ssettag $0x0;
	lr =	simm.s32 $0x1  }
0x2: {  	[smem:$0x3F9D] =	sst lr;
	_ =	strace $0xD0000000  }
0x3: {  	_ = 	snop  }
0x4: {  	_ = 	snop  }
0x5: {  	_ = 	snop  }
0x6: {  	_ = 	snop  }
0x7: {  	_ = 	snop  }
__scs_overlays_trampoline_lowered:
0x8: {  	[smem:$0x3FAC] =	sst s0  }
0x9: {  	[smem:$0x3FAD] =	sst s1  }
0xa: {  	[smem:$0x3FAE] =	sst s2  }
0xb: {  	[smem:$0x3FAF] =	sst s3  }
0xc: {  	[smem:$0x3FB0] =	sst s4  }
0xd: {  	[smem:$0x3FB1] =	sst s5  }
0xe: {  	[smem:$0x3FB2] =	sst s6  }
0xf: {  	[smem:$0x3FB3] =	sst s7  }
0x10: {  	[smem:$0x3FB4] =	sst s8  }
0x11: {  	[smem:$0x3FB5] =	sst s9;
	s0 =	simm.s32 @!p0 $0x0  }
0x12: {  	s1 =	sld [smem:$0x3F9B];
	s0 =	simm.s32 @p0 $0x1  }
0x13: {  	[smem:$0x3FB6] =	sst s0;
	s0 =	simm.s32 @!p1 $0x0  }
0x14: {  	s2 =	sld [smem:$0x3F9A];
	s0 =	simm.s32 @p1 $0x1  }
0x15: {  	[smem:$0x3FB7] =	sst s0;
	s0 =	simm.s32 @!p2 $0x0  }
0x16: {  	s3 =	sld [smem:$0x3FDB];
	s0 =	simm.s32 @p2 $0x1  }
0x17: {  	s4 =	simm.s32 $0x1BF5;
	[smem:$0x3FB9] =	sst s0  }
0x18: {  	s0 =	sld [smem:$0x3F9C];
	_ =	swait.ge [sflag:s4], $0x0  }
0x19: {  	s7 =	sld [smem:$0x3F9D]  }
0x1a: {  	s8 =	sadd.s32 $0xFFFFE003, lr  }
0x1b: {  	s9 =	sadd.s32 $0xFFFFFEF7, lr;
	s5 =	simm.s32 $0xFFFFFFFF;
	p2 =	slt.u32 s8, $0xFFFFF086  }
0x1c: {  	p1 =	slt.u32 s9, $0xF7A;
	s5 =	simm.s32 @!p2 $0x0  }
0x1d: {  	s5 =	simm.s32 @p1 $0x1;
	p0 =	seq.s32 s7, s2  }
0x1e: {  	s7 =	smul.u32 @!p0 $0xF7A, s2;
	p2 =	seq.s32 @!p0 s5, $0x0  }
0x1f: {  	s9 =	smul.u32 $0xF7A, s1;
	s8 =	simm.s32 @!p0 $0x1BF5;
	p2 =	por !p2, p0  }
0x20: {  	[sflag:s8] =	ssyncset.s32 @!p0 $0xFFFFF086;
	s6 =	sadd.s32 @!p0 s3, s7;
	s7 =	simm.s32 @!p0 $0x108  }
0x21: {  	s3 =	sadd.s32 s3, s9;
	s6 =	sadd.s32 @!p0 $0x88, s6;
	s7 =	simm.s32 @p2 $0x1082  }
0x22: {  	[simem:s7], [sflag:s8] =	dma.local @!p0 [hbm:s6], $0xF7A  }
0x23: {  	s9 =	sor.u32 $0xD0000000, s2;
	s6 =	simm.s32 $0x108;
	_ =	swait.ge @!p0 [sflag:s8], $0x0  }
0x24: {  	s3 =	sadd.s32 $0x88, s3;
	s6 =	simm.s32 @!p1 $0x1082;
	[sflag:s4] =	ssyncset.s32 $0xFFFFF086  }
0x25: {  	[simem:s6], [sflag:s4] =	dma.local [hbm:s3], $0xF7A  }
0x26: {  	[smem:$0x3F9D] =	sst s1;
	(tag) =	ssettag s2;
	_ =	strace s9  }
0x27: {  	s1 =	sld [smem:$0x3FAD]  }
0x28: {  	s2 =	sld [smem:$0x3FAE]  }
0x29: {  	s4 =	sld [smem:$0x3FB0]  }
0x2a: {  	p0 =	seq.s32 s5, $0x0;
	s5 =	sld [smem:$0x3FB1]  }
0x2b: {  	s6 =	sld [smem:$0x3FB2]  }
0x2c: {  	s7 =	sld [smem:$0x3FB3]  }
0x2d: {  	s3 =	simm.s32 $0x108;
	s8 =	sld [smem:$0x3FB4]  }
0x2e: {  	s3 =	simm.s32 @!p0 $0x1082;
	s9 =	sld [smem:$0x3FB5]  }
0x2f: {  	lr =	sadd.s32 s0, s3;
	s0 =	sld [smem:$0x3FAC]  }
0x30: {  	s3 =	sld [smem:$0x3FAF]  }
0x31: {  	[smem:$0x3FB8] =	sst s10  }
0x32: {  	s10 =	sld [smem:$0x3FB6];
	_ =	sdelay $0x3  }
0x33: {  	p0 =	seq.s32 s10, $0x1;
	s10 =	sld [smem:$0x3FB8];
	_ =	sdelay $0x3  }
0x34: {  	[smem:$0x3FB8] =	sst s10  }
0x35: {  	s10 =	sld [smem:$0x3FB7];
	_ =	sdelay $0x3  }
0x36: {  	p1 =	seq.s32 s10, $0x1;
	s10 =	sld [smem:$0x3FB8];
	_ =	sdelay $0x3  }
0x37: {  	[smem:$0x3FB8] =	sst s10  }
0x38: {  	s10 =	sld [smem:$0x3FB9]  }
0x39: {  	_ = 	snop;
	(pc) =	sbr.ind lr, $3  }
0x3a: {  	_ = 	snop  }
0x3b: {  	_ = 	snop  }
0x3c: {  	p2 =	seq.s32 s10, $0x1;
	s10 =	sld [smem:$0x3FB8]  }
0x3d: {  	_ =	shalt  }
0x3e: {  	_ =	shalt  }
0x3f: {  	_ =	shalt  }
0x40: {  	_ =	shalt  }
0x41: {  	_ =	shalt  }
0x42: {  	_ =	shalt  }
0x43: {  	_ =	shalt  }
0x44: {  	_ =	shalt  }
0x45: {  	_ =	shalt  }
0x46: {  	_ =	shalt  }
0x47: {  	_ =	shalt  }
0x48: {  	_ =	shalt  }
0x49: {  	_ =	shalt  }
0x4a: {  	_ =	shalt  }
0x4b: {  	_ =	shalt  }
0x4c: {  	_ =	shalt  }
0x4d: {  	_ =	shalt  }
0x4e: {  	_ =	shalt  }
0x4f: {  	_ =	shalt  }
0x50: {  	_ =	shalt  }
0x51: {  	_ =	shalt  }
0x52: {  	_ =	shalt  }
0x53: {  	_ =	shalt  }
0x54: {  	_ =	shalt  }
0x55: {  	_ =	shalt  }
0x56: {  	_ =	shalt  }
0x57: {  	_ =	shalt  }
0x58: {  	_ =	shalt  }
0x59: {  	_ =	shalt  }
0x5a: {  	_ =	shalt  }
0x5b: {  	_ =	shalt  }
0x5c: {  	_ =	shalt  }
0x5d: {  	_ =	shalt  }
0x5e: {  	_ =	shalt  }
0x5f: {  	_ =	shalt  }
0x60: {  	_ =	shalt  }
0x61: {  	_ =	shalt  }
0x62: {  	_ =	shalt  }
0x63: {  	_ =	shalt  }
0x64: {  	_ =	shalt  }
0x65: {  	_ =	shalt  }
0x66: {  	_ =	shalt  }
0x67: {  	_ =	shalt  }
0x68: {  	_ =	shalt  }
0x69: {  	_ =	shalt  }
0x6a: {  	_ =	shalt  }
0x6b: {  	_ =	shalt  }
0x6c: {  	_ =	shalt  }
0x6d: {  	_ =	shalt  }
0x6e: {  	_ =	shalt  }
0x6f: {  	_ =	shalt  }
0x70: {  	_ =	shalt  }
0x71: {  	_ =	shalt  }
0x72: {  	_ =	shalt  }
0x73: {  	_ =	shalt  }
0x74: {  	_ =	shalt  }
0x75: {  	_ =	shalt  }
0x76: {  	_ =	shalt  }
0x77: {  	_ =	shalt  }
0x78: {  	_ =	shalt  }
0x79: {  	_ =	shalt  }
0x7a: {  	_ =	shalt  }
0x7b: {  	_ =	shalt  }
0x7c: {  	_ =	shalt  }
0x7d: {  	_ =	shalt  }
0x7e: {  	_ =	shalt  }
0x7f: {  	_ =	shalt  }
0x80: {  	_ =	shalt  }
0x81: {  	_ =	shalt  }
0x82: {  	_ =	shalt  }
0x83: {  	_ =	shalt  }
0x84: {  	_ =	shalt  }
0x85: {  	_ =	shalt  }
0x86: {  	_ =	shalt  }
0x87: {  	_ =	shalt  }
.Lfunc_end0:
.L_simem_size_0:
called_computation_lowered:
.L_overlay_start_0:
0x88: {  	s2 =	sld [smem:$0x3FD9]  }
0x89: {  	s3 =	sld [smem:$0x3FFE];
	_ =	sdelay $0x1  }
0x8a: {  	s1 =	srdreg.scid  }
0x8b: {  	s0 =	sand.u32 $0x1, s1  }
0x8c: {  	s17 =	sshll.u32 s0, $0xA;
	s2 =	sadd.s32 s3, s2  }
0x8d: {  	s2 =	sadd.s32 s2, s17  }
0x8e: {  	[smem:$0x3FC4] =	sst s2  }
0x8f: {  	_ = 	snop  }
0x90: {  	s2 =	sld [smem:$0x3FD0];
	(tm) =	ssettm $0x1  }
0x91: {  	s18 =	sld [smem:$0x3FFB];
	_ =	sdelay $0x3  }
0x92: {  	_ =	strace s18  }
0x93: {  	s3 =	sld [smem:$0x3FFC];
	_ =	sdelay $0x3  }
0x94: {  	_ =	strace s3  }
0x95: {  	s3 =	sld [smem:$0x3FFD];
	_ =	sdelay $0x3  }
0x96: {  	_ =	strace s3  }
0x97: {  	_ =	strace $0x8FFFFFFF  }
0x98: {  	s19 =	sld [smem:$0x3FDB];
	_ =	sdelay $0x1  }
0x99: {  	s4 =	simm.s32 $_scs_section_size  }
0x9a: {  	s5 =	simm.s32 $_size__tile_overlayer_lowered;
	s6 =	simm.s32 $_tile_overlayer_lowered  }
0x9b: {  	s22 =	simm.s32 $0x1BFF;
	s21 =	sshll.u32 s6, $0x1;
	s3 =	sadd.s32 s4, s19  }
0x9c: {  	s7 =	simm.s32 $0x0;
	s20 =	sshll.u32 s5, $0x1;
	s5 =	sadd.s32 s21, s3  }
0x9d: {  	[timem:s7], [sflag:s22] =	dma.local [hbm:s5], s20  }
0x9e: {  	_ =	swait.ge [sflag:s22], s20  }
0x9f: {  	s4 =	ssub.s32 $0x0, s20;
	[sflag:s22] =	ssyncset.done $0x0  }
0xa0: {  	[sflag:s22] =	ssyncadd.s32 s4;
	_ =	sdelay $0x1  }
0xa1: {  	s23 =	simm.s32 $0x1B8B  }
0xa2: {  	_ =	swait.ge [sflag:s23], $0x1  }
0xa3: {  	[sflag:s23] =	ssyncset.done $0x0  }
0xa4: {  	s25 =	simm.s32 $0x1B8E;
	s24 =	sld [smem:$0x3FFE];
	[sflag:s23] =	ssyncadd.s32 $0xFFFFFFFF  }
0xa5: {  	s26 =	simm.s32 $execute0_lowered;
	[smem:$0x3FD2] =	sst s25  }
0xa6: {  	s5 =	sshll.u32 s26, $0x1;
	_ =	strace $0x80000046;
	[dreg:$0x1] =	wrdreg $0xFFFFFFFF  }
0xa7: {  	s28 =	simm.s32 $_size_execute0_lowered;
	s3 =	sadd.s32 s3, s5;
	[dreg:$0x0] =	wrdreg $0x0  }
0xa8: {  	s5 =	sshll.u32 s28, $0x1;
	[dreg:$0x2] =	wrdreg s3  }
0xa9: {  	[dreg:$0x3] =	wrdreg s5  }
0xaa: {  	[dreg:$0x4] =	wrdreg $0xC0  }
0xab: {  	_ =	task [dreg:s7], $0x5FFFF  }
0xac: {  	[dreg:$0x1] =	wrdreg $0xFFFFFFFF  }
0xad: {  	[dreg:$0x0] =	wrdreg $0x60  }
0xae: {  	[dreg:$0x2] =	wrdreg s2  }
0xaf: {  	[dreg:$0x3] =	wrdreg s24  }
0xb0: {  	[dreg:$0x4] =	wrdreg $0x9  }
0xb1: {  	_ =	task.clear_ibuf [dreg:s7], $0x5FFFF;
	_ =	strace $0x90000046  }
0xb2: {  	s29 =	simm.s32 $0x9;
	_ =	strace $0x80000048  }
0xb3: {  	_ =	swait.ge [sflag:s29], $0x1  }
0xb4: {  	[sflag:s29] =	ssyncadd.s32 $0xFFFFFFFF  }
0xb5: {  	_ =	strace $0x90000048  }
0xb6: {  	_ =	sfence  }
0xb7: {  	s30 =	sld [smem:$0x0];
	_ =	sdelay $0x2  }
0xb8: {  	s31 =	sshll.u32 s1, $0xD;
	s1 =	sshrl.u32 s1, $0x2  }
0xb9: {  	s3 =	sand.u32 $0x4000, s31;
	s1 =	sadd.s32 s1, s30  }
0xba: {  	s0 =	sor.u32 s3, s0;
	s1 =	sshll.u32 s1, $0x11  }
0xbb: {  	s0 =	sor.u32 s1, s0  }
0xbc: {  	s0 =	sadd.s32 $0x8F2B, s0  }
0xbd: {  	[sflag:s0] =	ssyncadd.remote.s32 $0x1  }
0xbe: {  	_ =	sfence.sel $0xFFFF  }
0xbf: {  	[dreg:$0x0] =	wrdreg $0xFFFFFFFF;
	(pc) =	sbr.abs _section_cstart, $3  }
0xc0: {  	[dreg:$0x1] =	wrdreg $0xFFFFFFFF  }
0xc1: {  	_ =	task.clear_ibuf [dreg:s7], $0x2FFFF;
	_ =	strace $0x9FFFFFFF  }
0xc2: {  	(tm) =	ssettm $0x7FFFFFFF  }
0xc3: {  	_ =	shalt  }
tec
execute0_lowered:
.L_overlay_start_1:
0x0: {  	(tag) =	ssettag $0x1  }
0x1: {  	s1 =	rddreg [dreg:$0x0]  }
0x2: {  	s0 =	rddreg [dreg:$0x1];
	s3 =	simm.s32 $0x0;
	s2 =	srdreg.scid  }
0x3: {  	s4 =	stileid.u32;
	s13 =	simm.s32 $0x2;
	s14 =	simm.s32 $0x80  }
0x4: {  	s28 =	simm.s32 $0x3500;
	s29 =	simm.s32 $0x380;
	s30 =	simm.s32 $0x3D00  }
0x5: {  	s31 =	simm.s32 $0x400;
	s15 =	simm.s32 $0x4D00;
	s16 =	simm.s32 $0x5500  }
0x6: {  	s17 =	simm.s32 $0x6500;
	s2 =	sand.u32 $0x1, s2;
	s4 =	sshll.u32 s4, $0x1  }
0x7: {  	s18 =	simm.s32 $0x3;
	[smem:$0x7FF] =	sst s3;
	s6 =	sor.u32 s2, s4  }
0x8: {  	s5 =	sadd.s32 $0xE00, s0;
	s2 =	ssub.s32 $0x2, s2;
	s7 =	smul.u32 $0x7D00, s6  }
0x9: {  	_ =	strace $0x80000047;
	s23 =	sshrl.u32 s2, $0x1;
	s8 =	smul.u32 $0xFA0, s6  }
0xa: {  	s4 =	sadd.s32 $0x400, s0;
	s24 =	smul.u32 $0x640, s6;
	s0 =	ssub.s32 s2, s23  }
0xb: {  	s23 =	simm.s32 $0x280;
	s2 =	simm.s32 $0x480;
	s7 =	sshrl.u32 s7, $0x3  }
0xc: {  	s8 =	sadd.s32 s1, s8;
	s9 =	sadd.s32 $0x40, s24;
	s10 =	sadd.s32 $0x60, s24  }
0xd: {  	s0 =	smax.u32 s0, $0x1;
	s24 =	simm.s32 $0x1;
	[dreg:$0x3] =	wrdreg s8  }
0xe: {  	s25 =	sadd.s32 s1, s7;
	s7 =	smul.u32 $0x32000, s6;
	[dreg:$0x5] =	wrdreg s0  }
0xf: {  	s0 =	simm.s32 $0x4500;
	s8 =	simm.s32 $0x0;
	s26 =	sadd.s32 $0x50, s25  }
0x10: {  	v0 =	vimm.f32 $0.0e+00;
	[dreg:$0x4] =	wrdreg s26;
	s11 =	sor.u32 $0x1000, s7;
	s26 =	simm.s32 $0x300  }
.LBB2_1:
0x11: {  	[dreg:$0x6] =	wrdreg s8;
	s6 =	simm.s32 $0x40;
	s8 =	simm.s32 $0x0  }
.LBB2_2:
0x12: {  	p0 =	sne.s32 s6, $0x7FC0;
	[tilespmem:s8+$0x5500] =	vst v0;
	s8 =	smov.u32 s6;
	s6 =	sadd.s32 $0x40, s6  }
.Ltmp0:
0x13: {  	(pc) =	sbr.rel @p0 .LBB2_2-.Ltmp0, $2  }
0x14: {  	_ =	sdelay $0x2  }
0x15: {  	s8 =	sshra.s32 s8, $0x2  }
0x16: {  	[tilespmem:s8+$0x5500] =	vst v0;
	s20 =	simm.s32 $0x0;
	s6 =	rddreg [dreg:$0x3]  }
0x17: {  	[tilespmem:s20], [sflag:$0x2] =	stream.linear.gather [hbm4b:s6+s20], $0x280, $0x38;
	[tilespmem:$0x7500] =	vst v63  }
0x18: {  	_ =	swait.ge [sflag:s13], $0x280  }
0x19: {  	[sflag:s13] =	ssyncset.done $0x0  }
0x1a: {  	s19 =	simm.s32 $0x500;
	[sflag:s13] =	ssyncadd.s32 $0xFFFFFD80  }
0x1b: {  	[tilespmem:s19], [sflag:$0x1] =	stream.indirect.gather [hbm4b:s4+s14], $0x10, s20, s14, $0xb8;
	[tilespmem:$0x7500] =	vst v63  }
0x1c: {  	s21 =	simm.s32 $0xD00  }
0x1d: {  	[tilespmem:s21], [sflag:$0x1] =	stream.indirect.gather [hbm4b:s4+s14], $0x10, s14, s14, $0xb8;
	[tilespmem:$0x7500] =	vst v63  }
0x1e: {  	s22 =	simm.s32 $0x100;
	s25 =	simm.s32 $0x1500  }
0x1f: {  	[tilespmem:s25], [sflag:$0x1] =	stream.indirect.gather [hbm4b:s4+s14], $0x10, s22, s14, $0xb8;
	[tilespmem:$0x7500] =	vst v63  }
0x20: {  	s12 =	simm.s32 $0x180;
	s19 =	simm.s32 $0x1D00  }
0x21: {  	[tilespmem:s19], [sflag:$0x1] =	stream.indirect.gather [hbm4b:s4+s14], $0x10, s12, s14, $0xb8;
	[tilespmem:$0x7500] =	vst v63  }
0x22: {  	s21 =	simm.s32 $0x200;
	s22 =	simm.s32 $0x2500  }
0x23: {  	[tilespmem:s22], [sflag:$0x1] =	stream.indirect.gather [hbm4b:s4+s14], $0x10, s21, s14, $0xb8;
	[tilespmem:$0x7500] =	vst v63  }
0x24: {  	s25 =	rddreg [dreg:$0x4]  }
0x25: {  	[tilespmem:s23], [sflag:$0x2] =	stream.linear.gather [hbm4b:s25+s20], $0x280, $0x38;
	[tilespmem:$0x7500] =	vst v63  }
.LBB2_4:
0x26: {  	_ =	swait.ge [sflag:s24], $0x800  }
0x27: {  	[sflag:s24] =	ssyncset.done $0x0  }
0x28: {  	[sflag:s24] =	ssyncadd.s32 $0xFFFFF800  }
0x29: {  	_ =	swait.ge [sflag:s24], $0x800  }
0x2a: {  	[sflag:s24] =	ssyncset.done $0x0  }
0x2b: {  	[sflag:s24] =	ssyncadd.s32 $0xFFFFF800  }
0x2c: {  	_ =	swait.ge [sflag:s24], $0x800  }
0x2d: {  	[sflag:s24] =	ssyncset.done $0x0  }
0x2e: {  	[sflag:s24] =	ssyncadd.s32 $0xFFFFF800  }
0x2f: {  	_ =	swait.ge [sflag:s24], $0x800  }
0x30: {  	[sflag:s24] =	ssyncset.done $0x0  }
0x31: {  	[sflag:s24] =	ssyncadd.s32 $0xFFFFF800  }
0x32: {  	_ =	swait.ge [sflag:s24], $0x800  }
0x33: {  	[sflag:s24] =	ssyncset.done $0x0  }
0x34: {  	[sflag:s24] =	ssyncadd.s32 $0xFFFFF800  }
0x35: {  	_ =	swait.ge [sflag:s13], $0x280  }
0x36: {  	[sflag:s13] =	ssyncset.done $0x0  }
0x37: {  	s6 =	simm.s32 $0x2D00;
	p0 =	seq.s32 s20, $0x18;
	[sflag:s13] =	ssyncadd.s32 $0xFFFFFD80  }
0x38: {  	[tilespmem:s6], [sflag:$0x1] =	stream.indirect.gather [hbm4b:s4+s14], $0x10, s23, s14, $0xb8;
	[tilespmem:$0x7500] =	vst v63  }
0x39: {  	s22 =	sshll.u32 @!p0 s20, $0x6  }
0x3a: {  	[tilespmem:s28], [sflag:$0x1] =	stream.indirect.gather [hbm4b:s4+s14], $0x10, s26, s14, $0xb8;
	[tilespmem:$0x7500] =	vst v63  }
0x3b: {  	p1 =	seq.s32 @!p0 s20, $0x0;
	s6 =	sadd.s32 @!p0 s22, s9  }
0x3c: {  	[tilespmem:s30], [sflag:$0x1] =	stream.indirect.gather [hbm4b:s4+s14], $0x10, s29, s14, $0xb8;
	[tilespmem:$0x7500] =	vst v63  }
0x3d: {  	p1 =	por p0, !p1;
	s6 =	smul.u32 @!p0 $0x14, s6  }
0x3e: {  	[tilespmem:s0], [sflag:$0x1] =	stream.indirect.gather [hbm4b:s4+s14], $0x10, s31, s14, $0xb8;
	[tilespmem:$0x7500] =	vst v63  }
.Ltmp1:
0x3f: {  	_ = 	snop;
	(pc) =	sbr.rel @!p1 .LBB2_5-.Ltmp1, $4  }
0x40: {  	s6 =	sshrl.u32 @!p0 s6, $0x3  }
0x41: {  	[tilespmem:s15], [sflag:$0x1] =	stream.indirect.gather [hbm4b:s4+s14], $0x10, s2, s14, $0xb8;
	[tilespmem:$0x7500] =	vst v63  }
0x42: {  	s8 =	simm.s32 @!p0 $0x0;
	s6 =	sadd.s32 @!p0 s1, s6  }
0x43: {  	[tilespmem:s8], [sflag:$0x2] =	stream.linear.gather @!p0 [hbm4b:s6+s8], $0x280, $0x38;
	[tilespmem:$0x7500] =	vst v63  }
.Ltmp2:
0x44: {  	(pc) =	sbr.rel .LBB2_7-.Ltmp2, $4  }
0x45: {  	_ = 	snop  }
0x46: {  	_ =	swait.ge [sflag:s18], $0x1000  }
0x47: {  	[sflag:s18] =	ssyncset.done $0x0  }
0x48: {  	p1 =	por $0x0, $0x0;
	[sflag:s18] =	ssyncadd.s32 $0xFFFFF000  }
.LBB2_5:
0x49: {  	p1 =	por @!p0 $0x1, $0x1  }
.LBB2_7:
0x4a: {  	s6 =	simm.s32 $0x640  }
0x4b: {  	v1 =	vld [tilespmem:s6+$0xFFFFFEC0]  }
0x4c: {  	v2 =	vld [tilespmem:s6+$0xFFFFFEF0]  }
0x4d: {  	v3 =	vld [tilespmem:s6+$0xFFFFFEE0]  }
0x4e: {  	v4 =	vld [tilespmem:s6+$0xFFFFFED0]  }
0x4f: {  	v5 =	vld [tilespmem:s6+$0xFFFFFF00]  }
0x50: {  	v6 =	vld [tilespmem:s6+$0xFFFFFF10]  }
0x51: {  	v7 =	vand.u32 $0xFFFF0000, v1;
	v8 =	vshll.u32 v2, $0x10;
	v2 =	vand.u32 $0xFFFF0000, v2  }
0x52: {  	v9 =	vld [tilespmem:s6+$0xFFFFFF20];
	v1 =	vshll.u32 v1, $0x10;
	v10 =	vshll.u32 v3, $0x10;
	v3 =	vand.u32 $0xFFFF0000, v3  }
0x53: {  	v12 =	vld [tilespmem:s6+$0xFFFFFF30];
	v11 =	vshll.u32 v4, $0x10;
	v4 =	vand.u32 $0xFFFF0000, v4;
	v1 =	vadd.f32 v10, v1  }
0x54: {  	v13 =	vld [tilespmem:s6+$0xFFFFFF50];
	v8 =	vadd.f32 v8, v11;
	v2 =	vadd.f32 v2, v4;
	v4 =	vand.u32 $0xFFFF0000, v5  }
0x55: {  	v10 =	vshll.u32 v6, $0x10;
	v11 =	vld [tilespmem:s6+$0xFFFFFF40];
	v3 =	vadd.f32 v3, v7;
	v5 =	vshll.u32 v5, $0x10  }
0x56: {  	v6 =	vand.u32 $0xFFFF0000, v6;
	v7 =	vadd.f32 v10, v8;
	v1 =	vadd.f32 v5, v1  }
0x57: {  	v8 =	vand.u32 $0xFFFF0000, v9;
	v3 =	vadd.f32 v4, v3;
	v4 =	vshll.u32 v9, $0x10  }
0x58: {  	v5 =	vld [tilespmem:s6+$0xFFFFFF60];
	v2 =	vadd.f32 v6, v2;
	v6 =	vshll.u32 v12, $0x10;
	v1 =	vadd.f32 v4, v1  }
0x59: {  	v9 =	vand.u32 $0xFFFF0000, v12;
	v10 =	vld [tilespmem:s6+$0xFFFFFF70];
	v3 =	vadd.f32 v8, v3;
	v6 =	vadd.f32 v6, v7  }
0x5a: {  	v4 =	vld [tilespmem:s6+$0xFFFFFF80];
	v8 =	vshll.u32 v13, $0x10;
	v2 =	vadd.f32 v9, v2;
	v7 =	vshll.u32 v11, $0x10  }
0x5b: {  	v9 =	vand.u32 $0xFFFF0000, v13;
	v1 =	vadd.f32 v7, v1;
	v7 =	vand.u32 $0xFFFF0000, v11;
	v11 =	vld [tilespmem:s6+$0xFFFFFFA0]  }
0x5c: {  	v6 =	vadd.f32 v8, v6;
	v2 =	vadd.f32 v9, v2;
	v9 =	vld [tilespmem:s6+$0xFFFFFF90]  }
0x5d: {  	v8 =	vshll.u32 v5, $0x10;
	v3 =	vadd.f32 v7, v3;
	v5 =	vand.u32 $0xFFFF0000, v5  }
0x5e: {  	v12 =	vld [tilespmem:s6+$0xFFFFFFB0];
	v7 =	vshll.u32 v10, $0x10;
	v1 =	vadd.f32 v8, v1;
	v8 =	vand.u32 $0xFFFF0000, v10  }
0x5f: {  	v6 =	vadd.f32 v7, v6;
	v7 =	vld [tilespmem:s6+$0xFFFFFFD0];
	v10 =	vshll.u32 v4, $0x10;
	v3 =	vadd.f32 v5, v3  }
0x60: {  	v5 =	vld [tilespmem:s6+$0xFFFFFFC0];
	v4 =	vand.u32 $0xFFFF0000, v4;
	v2 =	vadd.f32 v8, v2;
	v1 =	vadd.f32 v10, v1  }
0x61: {  	v3 =	vadd.f32 v4, v3;
	v4 =	vand.u32 $0xFFFF0000, v9;
	v8 =	vshll.u32 v11, $0x10  }
0x62: {  	v10 =	vld [tilespmem:s6+$0xFFFFFFF0];
	v9 =	vshll.u32 v9, $0x10;
	v2 =	vadd.f32 v4, v2;
	v4 =	vand.u32 $0xFFFF0000, v11  }
0x63: {  	v1 =	vadd.f32 v8, v1;
	v8 =	vld [tilespmem:s6+$0xFFFFFFE0];
	v6 =	vadd.f32 v9, v6;
	v9 =	vshll.u32 v12, $0x10  }
0x64: {  	v3 =	vadd.f32 v4, v3;
	v4 =	vand.u32 $0xFFFF0000, v12;
	v11 =	vand.u32 $0xFFFF0000, v7  }
0x65: {  	v2 =	vadd.f32 v4, v2;
	v4 =	vshll.u32 v5, $0x10;
	v5 =	vand.u32 $0xFFFF0000, v5  }
0x66: {  	v6 =	vadd.f32 v9, v6;
	v1 =	vadd.f32 v4, v1;
	v4 =	vshll.u32 v7, $0x10  }
0x67: {  	v3 =	vadd.f32 v5, v3;
	v7 =	vshll.u32 v10, $0x10;
	v2 =	vadd.f32 v11, v2  }
0x68: {  	v4 =	vadd.f32 v4, v6;
	v6 =	vand.u32 $0xFFFF0000, v10;
	v5 =	vand.u32 $0xFFFF0000, v8  }
0x69: {  	v3 =	vadd.f32 v5, v3;
	v2 =	vadd.f32 v6, v2;
	v5 =	vshll.u32 v8, $0x10  }
0x6a: {  	v4 =	vadd.f32 v7, v4;
	v1 =	vadd.f32 v5, v1  }
0x6b: {  	v2 =	vadd.f32 v2, v3  }
0x6c: {  	s12 =	simm.s32 $0x5590;
	v1 =	vadd.f32 v4, v1  }
0x6d: {  	[tilespmem:s12+$0xFFFFFF80] =	vst v2  }
0x6e: {  	[tilespmem:s12+$0xFFFFFF70] =	vst v1  }
0x6f: {  	v1 =	vld [tilespmem:s6+$0x40]  }
0x70: {  	v3 =	vld [tilespmem:s6+$0x20]  }
0x71: {  	v4 =	vld [tilespmem:s6+$0x0]  }
0x72: {  	v5 =	vld [tilespmem:s6+$0x50]  }
0x73: {  	v10 =	vld [tilespmem:s6+$0x80]  }
0x74: {  	v6 =	vld [tilespmem:s6+$0x10];
	_ =	sdelay $0x1  }
0x75: {  	v7 =	vld [tilespmem:s6+$0x60];
	v8 =	vshll.u32 v3, $0x10;
	v3 =	vand.u32 $0xFFFF0000, v3  }
0x76: {  	v2 =	vld [tilespmem:s6+$0x90];
	v9 =	vshll.u32 v4, $0x10;
	v4 =	vand.u32 $0xFFFF0000, v4;
	v15 =	vand.u32 $0xFFFF0000, v5  }
0x77: {  	v12 =	vand.u32 $0xFFFF0000, v10;
	v8 =	vadd.f32 v8, v9;
	v3 =	vadd.f32 v3, v4;
	v9 =	vld [tilespmem:s6+$0x30]  }
0x78: {  	v14 =	vld [tilespmem:s6+$0xA0];
	v11 =	vshll.u32 v6, $0x10;
	v4 =	vshll.u32 v1, $0x10;
	v1 =	vand.u32 $0xFFFF0000, v1  }
0x79: {  	v13 =	vand.u32 $0xFFFF0000, v6;
	v4 =	vadd.f32 v4, v8;
	v3 =	vadd.f32 v1, v3  }
0x7a: {  	v1 =	vld [tilespmem:s6+$0x100];
	v8 =	vshll.u32 v5, $0x10;
	v5 =	vand.u32 $0xFFFF0000, v7;
	v7 =	vshll.u32 v7, $0x10  }
0x7b: {  	v6 =	vld [tilespmem:s6+$0x70];
	v10 =	vshll.u32 v10, $0x10;
	v4 =	vadd.f32 v7, v4;
	v5 =	vadd.f32 v5, v3  }
0x7c: {  	v3 =	vand.u32 $0xFFFF0000, v2;
	v7 =	vld [tilespmem:s6+$0xC0];
	v16 =	vshll.u32 v9, $0x10;
	v17 =	vand.u32 $0xFFFF0000, v9  }
0x7d: {  	v9 =	vand.u32 $0xFFFF0000, v14;
	v16 =	vadd.f32 v16, v11;
	v17 =	vadd.f32 v17, v13  }
0x7e: {  	s21 =	sshll.u32 s20, $0xD;
	v14 =	vshll.u32 v14, $0x10;
	v11 =	vadd.f32 v10, v4;
	v12 =	vadd.f32 v12, v5;
	v5 =	vld [tilespmem:s6+$0xE0]  }
0x7f: {  	s25 =	simm.s32 $0x0;
	s19 =	simm.s32 $0x640;
	s8 =	simm.s32 $0x5590;
	v4 =	vand.u32 $0xFFFF0000, v1;
	v13 =	vadd.f32 v8, v16;
	v10 =	vadd.f32 v15, v17;
	v8 =	vld [tilespmem:s6+$0xB0]  }
.LBB2_8:
0x80: {  	s25 =	sadd.s32 $0x2, s25;
	v15 =	vshll.u32 v6, $0x10;
	v11 =	vadd.f32 v14, v11;
	v9 =	vadd.f32 v9, v12;
	s6 =	sadd.s32 $0x280, s6;
	s12 =	sadd.s32 $0x100, s12  }
0x81: {  	v6 =	vand.u32 $0xFFFF0000, v6;
	p2 =	slt.u32 s25, $0x1E;
	v12 =	vadd.f32 v15, v13;
	v13 =	vld [tilespmem:s19+$0xD0];
	v14 =	vand.u32 $0xFFFF0000, v7  }
0x82: {  	v2 =	vshll.u32 v2, $0x10;
	v7 =	vshll.u32 v7, $0x10;
	v9 =	vadd.f32 v14, v9  }
0x83: {  	v6 =	vadd.f32 v6, v10;
	v2 =	vadd.f32 v2, v12;
	v10 =	vand.u32 $0xFFFF0000, v5  }
0x84: {  	v7 =	vadd.f32 v7, v11;
	v12 =	vshll.u32 v8, $0x10;
	v11 =	vld [tilespmem:s19+$0xF0];
	v9 =	vadd.f32 v10, v9  }
0x85: {  	v3 =	vadd.f32 v3, v6;
	v5 =	vshll.u32 v5, $0x10;
	v2 =	vadd.f32 v12, v2  }
0x86: {  	v6 =	vand.u32 $0xFFFF0000, v8;
	v5 =	vadd.f32 v5, v7;
	v4 =	vadd.f32 v4, v9;
	v7 =	vld [tilespmem:s19+$0x120]  }
0x87: {  	v1 =	vshll.u32 v1, $0x10;
	v3 =	vadd.f32 v6, v3;
	v6 =	vshll.u32 v13, $0x10;
	v8 =	vld [tilespmem:s19+$0x110]  }
0x88: {  	v1 =	vadd.f32 v1, v5;
	v2 =	vadd.f32 v6, v2;
	v6 =	vand.u32 $0xFFFF0000, v13  }
0x89: {  	v3 =	vadd.f32 v6, v3;
	v5 =	vshll.u32 v11, $0x10;
	v6 =	vld [tilespmem:s19+$0x130];
	s19 =	smov.u32 s6  }
0x8a: {  	v2 =	vadd.f32 v5, v2;
	v5 =	vand.u32 $0xFFFF0000, v11  }
0x8b: {  	v3 =	vadd.f32 v5, v3;
	v5 =	vshll.u32 v7, $0x10;
	v7 =	vand.u32 $0xFFFF0000, v7  }
0x8c: {  	v9 =	vshll.u32 v8, $0x10;
	v1 =	vadd.f32 v5, v1;
	v4 =	vadd.f32 v7, v4  }
0x8d: {  	v5 =	vand.u32 $0xFFFF0000, v8;
	v2 =	vadd.f32 v9, v2  }
0x8e: {  	v3 =	vadd.f32 v5, v3;
	v5 =	vshll.u32 v6, $0x10  }
0x8f: {  	v2 =	vadd.f32 v5, v2;
	v5 =	vand.u32 $0xFFFF0000, v6  }
0x90: {  	v3 =	vadd.f32 v5, v3  }
0x91: {  	v1 =	vadd.f32 v2, v1  }
0x92: {  	v2 =	vadd.f32 v3, v4;
	_ =	sdelay $0x1  }
0x93: {  	[tilespmem:s8+$0xFFFFFFF0] =	vst v1  }
0x94: {  	[tilespmem:s8+$0x0] =	vst v2;
	s8 =	smov.u32 s12  }
0x95: {  	v1 =	vld [tilespmem:s6+$0xFFFFFEC0]  }
0x96: {  	v2 =	vld [tilespmem:s6+$0xFFFFFEF0]  }
0x97: {  	v3 =	vld [tilespmem:s6+$0xFFFFFEE0]  }
0x98: {  	v4 =	vld [tilespmem:s6+$0xFFFFFED0]  }
0x99: {  	v5 =	vld [tilespmem:s6+$0xFFFFFF00]  }
0x9a: {  	v6 =	vld [tilespmem:s6+$0xFFFFFF10]  }
0x9b: {  	v7 =	vand.u32 $0xFFFF0000, v1;
	v8 =	vshll.u32 v2, $0x10;
	v2 =	vand.u32 $0xFFFF0000, v2;
	v9 =	vld [tilespmem:s6+$0xFFFFFF20]  }
0x9c: {  	v1 =	vshll.u32 v1, $0x10;
	v10 =	vshll.u32 v3, $0x10;
	v3 =	vand.u32 $0xFFFF0000, v3;
	v11 =	vld [tilespmem:s6+$0xFFFFFF30]  }
0x9d: {  	v12 =	vshll.u32 v4, $0x10;
	v4 =	vand.u32 $0xFFFF0000, v4;
	v1 =	vadd.f32 v10, v1  }
0x9e: {  	v8 =	vadd.f32 v8, v12;
	v2 =	vadd.f32 v2, v4;
	v4 =	vand.u32 $0xFFFF0000, v5;
	v10 =	vld [tilespmem:s6+$0xFFFFFF50]  }
0x9f: {  	v3 =	vadd.f32 v3, v7;
	v5 =	vshll.u32 v5, $0x10;
	v7 =	vshll.u32 v6, $0x10;
	v12 =	vld [tilespmem:s6+$0xFFFFFF40]  }
0xa0: {  	v6 =	vand.u32 $0xFFFF0000, v6;
	v7 =	vadd.f32 v7, v8;
	v8 =	vand.u32 $0xFFFF0000, v9  }
0xa1: {  	v1 =	vadd.f32 v5, v1;
	v3 =	vadd.f32 v4, v3;
	v4 =	vshll.u32 v9, $0x10;
	v5 =	vld [tilespmem:s6+$0xFFFFFF60]  }
0xa2: {  	v2 =	vadd.f32 v6, v2;
	v6 =	vshll.u32 v11, $0x10;
	v9 =	vand.u32 $0xFFFF0000, v11;
	v11 =	vld [tilespmem:s6+$0xFFFFFF70]  }
0xa3: {  	v1 =	vadd.f32 v4, v1;
	v3 =	vadd.f32 v8, v3;
	v4 =	vshll.u32 v10, $0x10;
	v8 =	vld [tilespmem:s6+$0xFFFFFF80]  }
0xa4: {  	v6 =	vadd.f32 v6, v7;
	v2 =	vadd.f32 v9, v2;
	v7 =	vshll.u32 v12, $0x10  }
0xa5: {  	v9 =	vand.u32 $0xFFFF0000, v10;
	v1 =	vadd.f32 v7, v1;
	v7 =	vand.u32 $0xFFFF0000, v12;
	v10 =	vld [tilespmem:s6+$0xFFFFFFA0]  }
0xa6: {  	v4 =	vadd.f32 v4, v6;
	v2 =	vadd.f32 v9, v2;
	v6 =	vshll.u32 v5, $0x10;
	v9 =	vld [tilespmem:s6+$0xFFFFFF90]  }
0xa7: {  	v3 =	vadd.f32 v7, v3;
	v5 =	vand.u32 $0xFFFF0000, v5;
	v1 =	vadd.f32 v6, v1  }
0xa8: {  	v6 =	vshll.u32 v11, $0x10;
	v7 =	vand.u32 $0xFFFF0000, v11;
	v11 =	vshll.u32 v8, $0x10;
	v12 =	vld [tilespmem:s6+$0xFFFFFFB0]  }
0xa9: {  	v3 =	vadd.f32 v5, v3;
	v1 =	vadd.f32 v11, v1;
	v5 =	vld [tilespmem:s6+$0xFFFFFFC0]  }
0xaa: {  	v4 =	vadd.f32 v6, v4;
	v2 =	vadd.f32 v7, v2;
	v6 =	vand.u32 $0xFFFF0000, v8;
	v7 =	vld [tilespmem:s6+$0xFFFFFFD0]  }
0xab: {  	v3 =	vadd.f32 v6, v3;
	v8 =	vshll.u32 v10, $0x10;
	v6 =	vand.u32 $0xFFFF0000, v9  }
0xac: {  	v9 =	vshll.u32 v9, $0x10;
	v2 =	vadd.f32 v6, v2;
	v6 =	vand.u32 $0xFFFF0000, v10;
	v10 =	vld [tilespmem:s6+$0xFFFFFFF0]  }
0xad: {  	v1 =	vadd.f32 v8, v1;
	v3 =	vadd.f32 v6, v3;
	v6 =	vand.u32 $0xFFFF0000, v12;
	v8 =	vld [tilespmem:s6+$0xFFFFFFE0]  }
0xae: {  	v4 =	vadd.f32 v9, v4;
	v9 =	vshll.u32 v12, $0x10;
	v2 =	vadd.f32 v6, v2  }
0xaf: {  	v6 =	vshll.u32 v5, $0x10;
	v5 =	vand.u32 $0xFFFF0000, v5;
	v11 =	vand.u32 $0xFFFF0000, v7  }
0xb0: {  	v4 =	vadd.f32 v9, v4;
	v2 =	vadd.f32 v11, v2  }
0xb1: {  	v1 =	vadd.f32 v6, v1;
	v6 =	vshll.u32 v7, $0x10;
	v3 =	vadd.f32 v5, v3  }
0xb2: {  	v4 =	vadd.f32 v6, v4;
	v6 =	vand.u32 $0xFFFF0000, v10;
	v5 =	vand.u32 $0xFFFF0000, v8  }
0xb3: {  	v7 =	vshll.u32 v10, $0x10;
	v2 =	vadd.f32 v6, v2;
	v3 =	vadd.f32 v5, v3  }
0xb4: {  	v4 =	vadd.f32 v7, v4;
	v5 =	vshll.u32 v8, $0x10  }
0xb5: {  	v1 =	vadd.f32 v5, v1;
	v2 =	vadd.f32 v2, v3;
	_ =	sdelay $0x1  }
0xb6: {  	v1 =	vadd.f32 v4, v1;
	[tilespmem:s12+$0xFFFFFF80] =	vst v2;
	_ =	sdelay $0x1  }
0xb7: {  	[tilespmem:s12+$0xFFFFFF70] =	vst v1  }
0xb8: {  	v3 =	vld [tilespmem:s6+$0x40]  }
0xb9: {  	v4 =	vld [tilespmem:s6+$0x50]  }
0xba: {  	v1 =	vld [tilespmem:s6+$0x20]  }
0xbb: {  	v5 =	vld [tilespmem:s6+$0x0]  }
0xbc: {  	v6 =	vld [tilespmem:s6+$0x10]  }
0xbd: {  	v7 =	vshll.u32 v3, $0x10;
	v2 =	vld [tilespmem:s6+$0x90]  }
0xbe: {  	v8 =	vld [tilespmem:s6+$0x60]  }
0xbf: {  	v9 =	vshll.u32 v1, $0x10;
	v10 =	vand.u32 $0xFFFF0000, v1;
	v1 =	vld [tilespmem:s6+$0x100]  }
0xc0: {  	v11 =	vshll.u32 v5, $0x10;
	v5 =	vand.u32 $0xFFFF0000, v5;
	v12 =	vld [tilespmem:s6+$0x80]  }
0xc1: {  	v9 =	vadd.f32 v9, v11;
	v5 =	vadd.f32 v10, v5;
	v10 =	vand.u32 $0xFFFF0000, v4;
	v14 =	vld [tilespmem:s6+$0xA0]  }
0xc2: {  	v3 =	vand.u32 $0xFFFF0000, v3;
	v13 =	vshll.u32 v4, $0x10;
	v11 =	vld [tilespmem:s6+$0x30]  }
0xc3: {  	v4 =	vadd.f32 v7, v9;
	v3 =	vadd.f32 v3, v5;
	v5 =	vand.u32 $0xFFFF0000, v8  }
0xc4: {  	v7 =	vshll.u32 v8, $0x10  }
0xc5: {  	v4 =	vadd.f32 v7, v4;
	v5 =	vadd.f32 v5, v3;
	v8 =	vand.u32 $0xFFFF0000, v12  }
.Ltmp3:
0xc6: {  	v15 =	vshll.u32 v6, $0x10;
	v16 =	vand.u32 $0xFFFF0000, v6;
	v3 =	vand.u32 $0xFFFF0000, v2;
	v6 =	vld [tilespmem:s6+$0x70];
	(pc) =	sbr.rel @p2 .LBB2_8-.Ltmp3, $4  }
0xc7: {  	v9 =	vand.u32 $0xFFFF0000, v14;
	v17 =	vshll.u32 v11, $0x10;
	v11 =	vand.u32 $0xFFFF0000, v11;
	v7 =	vld [tilespmem:s6+$0xC0]  }
0xc8: {  	v15 =	vadd.f32 v17, v15;
	v16 =	vadd.f32 v11, v16;
	v11 =	vshll.u32 v12, $0x10  }
0xc9: {  	v12 =	vadd.f32 v8, v5;
	v11 =	vadd.f32 v11, v4;
	v5 =	vld [tilespmem:s6+$0xE0];
	v4 =	vand.u32 $0xFFFF0000, v1  }
0xca: {  	v14 =	vshll.u32 v14, $0x10;
	v13 =	vadd.f32 v13, v15;
	v10 =	vadd.f32 v10, v16;
	v8 =	vld [tilespmem:s6+$0xB0]  }
0xcb: {  	v15 =	vshll.u32 v6, $0x10  }
0xcc: {  	v11 =	vadd.f32 v14, v11;
	v9 =	vadd.f32 v9, v12;
	v6 =	vand.u32 $0xFFFF0000, v6  }
0xcd: {  	v2 =	vshll.u32 v2, $0x10;
	v12 =	vadd.f32 v15, v13;
	v13 =	vld [tilespmem:s19+$0xD0];
	v14 =	vand.u32 $0xFFFF0000, v7  }
0xce: {  	v7 =	vshll.u32 v7, $0x10;
	v6 =	vadd.f32 v6, v10;
	v9 =	vadd.f32 v14, v9  }
0xcf: {  	v7 =	vadd.f32 v7, v11;
	v2 =	vadd.f32 v2, v12;
	v12 =	vld [tilespmem:s19+$0xF0]  }
0xd0: {  	v10 =	vand.u32 $0xFFFF0000, v5;
	v3 =	vadd.f32 v3, v6;
	v14 =	vshll.u32 v8, $0x10  }
0xd1: {  	v6 =	vadd.f32 v10, v9;
	v8 =	vand.u32 $0xFFFF0000, v8;
	v9 =	vld [tilespmem:s19+$0x110];
	v2 =	vadd.f32 v14, v2  }
0xd2: {  	v5 =	vshll.u32 v5, $0x10;
	v10 =	vld [tilespmem:s19+$0x120];
	v3 =	vadd.f32 v8, v3;
	v8 =	vshll.u32 v13, $0x10  }
0xd3: {  	v5 =	vadd.f32 v5, v7;
	v7 =	vand.u32 $0xFFFF0000, v13;
	v2 =	vadd.f32 v8, v2;
	v8 =	vld [tilespmem:s19+$0x130]  }
0xd4: {  	v4 =	vadd.f32 v4, v6;
	v3 =	vadd.f32 v7, v3;
	v6 =	vshll.u32 v12, $0x10  }
0xd5: {  	v1 =	vshll.u32 v1, $0x10;
	v2 =	vadd.f32 v6, v2;
	v6 =	vand.u32 $0xFFFF0000, v12  }
0xd6: {  	v1 =	vadd.f32 v1, v5;
	v5 =	vshll.u32 v9, $0x10;
	v3 =	vadd.f32 v6, v3  }
0xd7: {  	v7 =	vand.u32 $0xFFFF0000, v10;
	v2 =	vadd.f32 v5, v2;
	v5 =	vand.u32 $0xFFFF0000, v9  }
0xd8: {  	v6 =	vshll.u32 v10, $0x10;
	v3 =	vadd.f32 v5, v3;
	v5 =	vshll.u32 v8, $0x10  }
0xd9: {  	v1 =	vadd.f32 v6, v1;
	v2 =	vadd.f32 v5, v2;
	v5 =	vand.u32 $0xFFFF0000, v8  }
0xda: {  	v4 =	vadd.f32 v7, v4;
	v3 =	vadd.f32 v5, v3  }
0xdb: {  	v1 =	vadd.f32 v2, v1  }
0xdc: {  	s6 =	sadd.s32 s7, s21;
	v2 =	vadd.f32 v3, v4  }
0xdd: {  	s6 =	sshrl.u32 s6, $0x3;
	[tilespmem:s8+$0xFFFFFFF0] =	vst v1  }
0xde: {  	s6 =	sadd.s32 s5, s6;
	[tilespmem:s8+$0x0] =	vst v2  }
0xdf: {  	[hbm4b:s6+s3] =	stream.linear.scatter [tilespmem:s16], [sflag:$0x3], $0x1000, $0x38;
	[tilespmem:$0x7500] =	vst v63  }
0xe0: {  	_ =	swait.ge [sflag:s24], $0x800  }
0xe1: {  	[sflag:s24] =	ssyncset.done $0x0  }
0xe2: {  	[sflag:s24] =	ssyncadd.s32 $0xFFFFF800  }
0xe3: {  	_ =	swait.ge [sflag:s24], $0x800  }
0xe4: {  	[sflag:s24] =	ssyncset.done $0x0  }
0xe5: {  	[sflag:s24] =	ssyncadd.s32 $0xFFFFF800  }
0xe6: {  	_ =	swait.ge [sflag:s24], $0x800  }
0xe7: {  	[sflag:s24] =	ssyncset.done $0x0  }
0xe8: {  	[sflag:s24] =	ssyncadd.s32 $0xFFFFF800  }
0xe9: {  	_ =	swait.ge [sflag:s24], $0x800  }
0xea: {  	[sflag:s24] =	ssyncset.done $0x0  }
0xeb: {  	[sflag:s24] =	ssyncadd.s32 $0xFFFFF800  }
0xec: {  	_ =	swait.ge [sflag:s24], $0x800  }
0xed: {  	[sflag:s24] =	ssyncset.done $0x0  }
0xee: {  	s6 =	simm.s32 @!p0 $0x2;
	[sflag:s24] =	ssyncadd.s32 $0xFFFFF800  }
0xef: {  	_ =	swait.ge @!p0 [sflag:s6], $0x280  }
0xf0: {  	s12 =	simm.s32 @!p0 $0x500;
	[sflag:s6] =	ssyncset.done @!p0 $0x0  }
0xf1: {  	s8 =	simm.s32 @!p0 $0x0;
	[sflag:s6] =	ssyncadd.s32 @!p0 $0xFFFFFD80;
	s6 =	simm.s32 @!p0 $0x80  }
0xf2: {  	[tilespmem:s12], [sflag:$0x1] =	stream.indirect.gather @!p0 [hbm4b:s4+s6], $0x10, s8, s6, $0xb8;
	[tilespmem:$0x7500] =	vst v63  }
0xf3: {  	s12 =	simm.s32 @!p0 $0xD00  }
0xf4: {  	[tilespmem:s12], [sflag:$0x1] =	stream.indirect.gather @!p0 [hbm4b:s4+s6], $0x10, s6, s6, $0xb8;
	[tilespmem:$0x7500] =	vst v63  }
0xf5: {  	s19 =	simm.s32 @!p0 $0x1500;
	s12 =	simm.s32 @!p0 $0x100  }
0xf6: {  	[tilespmem:s19], [sflag:$0x1] =	stream.indirect.gather @!p0 [hbm4b:s4+s6], $0x10, s12, s6, $0xb8;
	[tilespmem:$0x7500] =	vst v63  }
0xf7: {  	s12 =	simm.s32 @!p0 $0x180;
	s19 =	simm.s32 @!p0 $0x1D00  }
0xf8: {  	[tilespmem:s19], [sflag:$0x1] =	stream.indirect.gather @!p0 [hbm4b:s4+s6], $0x10, s12, s6, $0xb8;
	[tilespmem:$0x7500] =	vst v63  }
0xf9: {  	s12 =	sadd.s32 @!p0 s22, s10  }
0xfa: {  	s19 =	simm.s32 @!p0 $0x200;
	s22 =	simm.s32 @!p0 $0x2500;
	s12 =	smul.u32 @!p0 $0x14, s12  }
0xfb: {  	[tilespmem:s22], [sflag:$0x1] =	stream.indirect.gather @!p0 [hbm4b:s4+s6], $0x10, s19, s6, $0xb8;
	[tilespmem:$0x7500] =	vst v63  }
0xfc: {  	s6 =	sshrl.u32 @!p0 s12, $0x3  }
0xfd: {  	s12 =	simm.s32 @!p0 $0x280;
	s6 =	sadd.s32 @!p0 s1, s6  }
0xfe: {  	[tilespmem:s12], [sflag:$0x2] =	stream.linear.gather @!p0 [hbm4b:s6+s8], $0x280, $0x38;
	[tilespmem:$0x7500] =	vst v63  }
0xff: {  	s6 =	simm.s32 @!p1 $0x3  }
0x100: {  	_ =	swait.ge @!p1 [sflag:s6], $0x1000  }
0x101: {  	[sflag:s6] =	ssyncset.done @!p1 $0x0  }
0x102: {  	[sflag:s6] =	ssyncadd.s32 @!p1 $0xFFFFF000;
	s6 =	simm.s32 $0x2F70  }
0x103: {  	v1 =	vld [tilespmem:s6+$0xFFFFFD90]  }
0x104: {  	v2 =	vld [tilespmem:s6+$0xFFFFFDC0]  }
0x105: {  	v3 =	vld [tilespmem:s6+$0xFFFFFDB0]  }
0x106: {  	v4 =	vld [tilespmem:s6+$0xFFFFFDA0]  }
0x107: {  	v5 =	vld [tilespmem:s6+$0xFFFFFDD0]  }
0x108: {  	v6 =	vld [tilespmem:s6+$0xFFFFFDE0]  }
0x109: {  	v7 =	vand.u32 $0xFFFF0000, v1;
	v8 =	vshll.u32 v2, $0x10;
	v2 =	vand.u32 $0xFFFF0000, v2  }
0x10a: {  	v9 =	vld [tilespmem:s6+$0xFFFFFDF0];
	v1 =	vshll.u32 v1, $0x10;
	v10 =	vshll.u32 v3, $0x10;
	v3 =	vand.u32 $0xFFFF0000, v3  }
0x10b: {  	v12 =	vld [tilespmem:s6+$0xFFFFFE00];
	v11 =	vshll.u32 v4, $0x10;
	v4 =	vand.u32 $0xFFFF0000, v4;
	v1 =	vadd.f32 v10, v1  }
0x10c: {  	v13 =	vld [tilespmem:s6+$0xFFFFFE20];
	v8 =	vadd.f32 v8, v11;
	v2 =	vadd.f32 v2, v4;
	v4 =	vand.u32 $0xFFFF0000, v5  }
0x10d: {  	v10 =	vshll.u32 v6, $0x10;
	v11 =	vld [tilespmem:s6+$0xFFFFFE10];
	v3 =	vadd.f32 v3, v7;
	v5 =	vshll.u32 v5, $0x10  }
0x10e: {  	v6 =	vand.u32 $0xFFFF0000, v6;
	v7 =	vadd.f32 v10, v8;
	v1 =	vadd.f32 v5, v1  }
0x10f: {  	v8 =	vand.u32 $0xFFFF0000, v9;
	v3 =	vadd.f32 v4, v3;
	v4 =	vshll.u32 v9, $0x10  }
0x110: {  	v5 =	vld [tilespmem:s6+$0xFFFFFE30];
	v2 =	vadd.f32 v6, v2;
	v6 =	vshll.u32 v12, $0x10;
	v1 =	vadd.f32 v4, v1  }
0x111: {  	v9 =	vand.u32 $0xFFFF0000, v12;
	v10 =	vld [tilespmem:s6+$0xFFFFFE40];
	v3 =	vadd.f32 v8, v3;
	v6 =	vadd.f32 v6, v7  }
0x112: {  	v4 =	vld [tilespmem:s6+$0xFFFFFE50];
	v8 =	vshll.u32 v13, $0x10;
	v2 =	vadd.f32 v9, v2;
	v7 =	vshll.u32 v11, $0x10  }
0x113: {  	v9 =	vand.u32 $0xFFFF0000, v13;
	v1 =	vadd.f32 v7, v1;
	v7 =	vand.u32 $0xFFFF0000, v11;
	v11 =	vld [tilespmem:s6+$0xFFFFFE70]  }
0x114: {  	v6 =	vadd.f32 v8, v6;
	v2 =	vadd.f32 v9, v2;
	v9 =	vld [tilespmem:s6+$0xFFFFFE60]  }
0x115: {  	v8 =	vshll.u32 v5, $0x10;
	v3 =	vadd.f32 v7, v3;
	v5 =	vand.u32 $0xFFFF0000, v5  }
0x116: {  	v12 =	vld [tilespmem:s6+$0xFFFFFE80];
	v7 =	vshll.u32 v10, $0x10;
	v1 =	vadd.f32 v8, v1;
	v8 =	vand.u32 $0xFFFF0000, v10  }
0x117: {  	v6 =	vadd.f32 v7, v6;
	v7 =	vld [tilespmem:s6+$0xFFFFFEA0];
	v10 =	vshll.u32 v4, $0x10;
	v3 =	vadd.f32 v5, v3  }
0x118: {  	v5 =	vld [tilespmem:s6+$0xFFFFFE90];
	v4 =	vand.u32 $0xFFFF0000, v4;
	v2 =	vadd.f32 v8, v2;
	v1 =	vadd.f32 v10, v1  }
0x119: {  	v3 =	vadd.f32 v4, v3;
	v4 =	vand.u32 $0xFFFF0000, v9;
	v8 =	vshll.u32 v11, $0x10  }
0x11a: {  	v10 =	vld [tilespmem:s6+$0xFFFFFEC0];
	v9 =	vshll.u32 v9, $0x10;
	v2 =	vadd.f32 v4, v2;
	v4 =	vand.u32 $0xFFFF0000, v11  }
0x11b: {  	v1 =	vadd.f32 v8, v1;
	v8 =	vld [tilespmem:s6+$0xFFFFFEB0];
	v6 =	vadd.f32 v9, v6;
	v9 =	vshll.u32 v12, $0x10  }
0x11c: {  	v3 =	vadd.f32 v4, v3;
	v4 =	vand.u32 $0xFFFF0000, v12;
	v11 =	vand.u32 $0xFFFF0000, v7  }
0x11d: {  	v2 =	vadd.f32 v4, v2;
	v4 =	vshll.u32 v5, $0x10;
	v5 =	vand.u32 $0xFFFF0000, v5  }
0x11e: {  	v6 =	vadd.f32 v9, v6;
	v1 =	vadd.f32 v4, v1;
	v4 =	vshll.u32 v7, $0x10  }
0x11f: {  	v3 =	vadd.f32 v5, v3;
	v7 =	vshll.u32 v10, $0x10;
	v2 =	vadd.f32 v11, v2  }
0x120: {  	v4 =	vadd.f32 v4, v6;
	v6 =	vand.u32 $0xFFFF0000, v10;
	v5 =	vand.u32 $0xFFFF0000, v8  }
0x121: {  	v3 =	vadd.f32 v5, v3;
	v2 =	vadd.f32 v6, v2;
	v5 =	vshll.u32 v8, $0x10  }
0x122: {  	v4 =	vadd.f32 v7, v4;
	v1 =	vadd.f32 v5, v1  }
0x123: {  	v2 =	vadd.f32 v2, v3  }
0x124: {  	s12 =	simm.s32 $0x6590;
	v1 =	vadd.f32 v4, v1  }
0x125: {  	[tilespmem:s12+$0xFFFFFF80] =	vst v2  }
0x126: {  	[tilespmem:s12+$0xFFFFFF70] =	vst v1  }
0x127: {  	v3 =	vld [tilespmem:s6+$0xFFFFFEF0]  }
0x128: {  	v4 =	vld [tilespmem:s6+$0xFFFFFED0]  }
0x129: {  	v1 =	vld [tilespmem:s6+$0xFFFFFF10]  }
0x12a: {  	v5 =	vld [tilespmem:s6+$0xFFFFFF20]  }
0x12b: {  	v6 =	vld [tilespmem:s6+$0xFFFFFEE0]  }
0x12c: {  	v7 =	vld [tilespmem:s6+$0xFFFFFF30]  }
0x12d: {  	v2 =	vld [tilespmem:s6+$0xFFFFFF60];
	v8 =	vshll.u32 v3, $0x10;
	v9 =	vshll.u32 v4, $0x10  }
0x12e: {  	v10 =	vld [tilespmem:s6+$0xFFFFFF50];
	v3 =	vand.u32 $0xFFFF0000, v3;
	v4 =	vand.u32 $0xFFFF0000, v4;
	v8 =	vadd.f32 v8, v9  }
0x12f: {  	v15 =	vand.u32 $0xFFFF0000, v5;
	v3 =	vadd.f32 v3, v4;
	v4 =	vshll.u32 v1, $0x10;
	v9 =	vld [tilespmem:s6+$0xFFFFFF00]  }
0x130: {  	v14 =	vld [tilespmem:s6+$0xFFFFFF70];
	v13 =	vshll.u32 v5, $0x10;
	v1 =	vand.u32 $0xFFFF0000, v1;
	v4 =	vadd.f32 v4, v8  }
0x131: {  	v5 =	vand.u32 $0xFFFF0000, v7;
	v7 =	vshll.u32 v7, $0x10;
	v3 =	vadd.f32 v1, v3  }
0x132: {  	v11 =	vshll.u32 v6, $0x10;
	v12 =	vand.u32 $0xFFFF0000, v6;
	v1 =	vld [tilespmem:s6+$0xFFFFFFD0];
	v4 =	vadd.f32 v7, v4  }
0x133: {  	v6 =	vld [tilespmem:s6+$0xFFFFFF40];
	v5 =	vadd.f32 v5, v3;
	v7 =	vand.u32 $0xFFFF0000, v10;
	v3 =	vand.u32 $0xFFFF0000, v2  }
0x134: {  	v8 =	vld [tilespmem:s6+$0xFFFFFF90];
	v10 =	vshll.u32 v10, $0x10;
	v16 =	vshll.u32 v9, $0x10;
	v17 =	vand.u32 $0xFFFF0000, v9  }
0x135: {  	v9 =	vand.u32 $0xFFFF0000, v14;
	v16 =	vadd.f32 v16, v11;
	v17 =	vadd.f32 v17, v12  }
0x136: {  	v14 =	vshll.u32 v14, $0x10;
	v11 =	vadd.f32 v10, v4;
	v12 =	vadd.f32 v7, v5;
	v5 =	vld [tilespmem:s6+$0xFFFFFFB0]  }
0x137: {  	s22 =	simm.s32 $0x0;
	s19 =	simm.s32 $0x2F70;
	s8 =	simm.s32 $0x6590;
	v7 =	vld [tilespmem:s6+$0xFFFFFF80];
	v4 =	vand.u32 $0xFFFF0000, v1;
	v13 =	vadd.f32 v13, v16;
	v10 =	vadd.f32 v15, v17  }
.LBB2_10:
0x138: {  	s22 =	sadd.s32 $0x2, s22;
	v15 =	vshll.u32 v6, $0x10;
	v11 =	vadd.f32 v14, v11;
	v9 =	vadd.f32 v9, v12;
	s6 =	sadd.s32 $0x280, s6;
	s12 =	sadd.s32 $0x100, s12  }
0x139: {  	v6 =	vand.u32 $0xFFFF0000, v6;
	p0 =	slt.u32 s22, $0x1E;
	v12 =	vadd.f32 v15, v13;
	v13 =	vld [tilespmem:s19+$0xFFFFFFA0];
	v14 =	vand.u32 $0xFFFF0000, v8  }
0x13a: {  	v2 =	vshll.u32 v2, $0x10;
	v8 =	vshll.u32 v8, $0x10;
	v9 =	vadd.f32 v14, v9  }
0x13b: {  	v6 =	vadd.f32 v6, v10;
	v2 =	vadd.f32 v2, v12;
	v10 =	vand.u32 $0xFFFF0000, v5  }
0x13c: {  	v8 =	vadd.f32 v8, v11;
	v12 =	vshll.u32 v7, $0x10;
	v11 =	vld [tilespmem:s19+$0xFFFFFFC0];
	v9 =	vadd.f32 v10, v9  }
0x13d: {  	v3 =	vadd.f32 v3, v6;
	v5 =	vshll.u32 v5, $0x10;
	v2 =	vadd.f32 v12, v2  }
0x13e: {  	v6 =	vand.u32 $0xFFFF0000, v7;
	v5 =	vadd.f32 v5, v8;
	v4 =	vadd.f32 v4, v9;
	v7 =	vld [tilespmem:s19+$0xFFFFFFF0]  }
0x13f: {  	v1 =	vshll.u32 v1, $0x10;
	v3 =	vadd.f32 v6, v3;
	v6 =	vshll.u32 v13, $0x10;
	v8 =	vld [tilespmem:s19+$0xFFFFFFE0]  }
0x140: {  	v1 =	vadd.f32 v1, v5;
	v2 =	vadd.f32 v6, v2;
	v6 =	vand.u32 $0xFFFF0000, v13  }
0x141: {  	v3 =	vadd.f32 v6, v3;
	v5 =	vshll.u32 v11, $0x10;
	v6 =	vld [tilespmem:s19+$0x0];
	s19 =	smov.u32 s6  }
0x142: {  	v2 =	vadd.f32 v5, v2;
	v5 =	vand.u32 $0xFFFF0000, v11  }
0x143: {  	v3 =	vadd.f32 v5, v3;
	v5 =	vshll.u32 v7, $0x10;
	v7 =	vand.u32 $0xFFFF0000, v7  }
0x144: {  	v9 =	vshll.u32 v8, $0x10;
	v1 =	vadd.f32 v5, v1;
	v4 =	vadd.f32 v7, v4  }
0x145: {  	v5 =	vand.u32 $0xFFFF0000, v8;
	v2 =	vadd.f32 v9, v2  }
0x146: {  	v3 =	vadd.f32 v5, v3;
	v5 =	vshll.u32 v6, $0x10  }
0x147: {  	v2 =	vadd.f32 v5, v2;
	v5 =	vand.u32 $0xFFFF0000, v6  }
0x148: {  	v3 =	vadd.f32 v5, v3  }
0x149: {  	v1 =	vadd.f32 v2, v1  }
0x14a: {  	v2 =	vadd.f32 v3, v4;
	_ =	sdelay $0x1  }
0x14b: {  	[tilespmem:s8+$0xFFFFFFF0] =	vst v1  }
0x14c: {  	[tilespmem:s8+$0x0] =	vst v2;
	s8 =	smov.u32 s12  }
0x14d: {  	v1 =	vld [tilespmem:s6+$0xFFFFFD90]  }
0x14e: {  	v2 =	vld [tilespmem:s6+$0xFFFFFDC0]  }
0x14f: {  	v3 =	vld [tilespmem:s6+$0xFFFFFDB0]  }
0x150: {  	v4 =	vld [tilespmem:s6+$0xFFFFFDA0]  }
0x151: {  	v5 =	vld [tilespmem:s6+$0xFFFFFDD0]  }
0x152: {  	v6 =	vld [tilespmem:s6+$0xFFFFFDE0]  }
0x153: {  	v7 =	vand.u32 $0xFFFF0000, v1;
	v8 =	vshll.u32 v2, $0x10;
	v2 =	vand.u32 $0xFFFF0000, v2;
	v9 =	vld [tilespmem:s6+$0xFFFFFDF0]  }
0x154: {  	v1 =	vshll.u32 v1, $0x10;
	v10 =	vshll.u32 v3, $0x10;
	v3 =	vand.u32 $0xFFFF0000, v3;
	v11 =	vld [tilespmem:s6+$0xFFFFFE00]  }
0x155: {  	v12 =	vshll.u32 v4, $0x10;
	v4 =	vand.u32 $0xFFFF0000, v4;
	v1 =	vadd.f32 v10, v1  }
0x156: {  	v8 =	vadd.f32 v8, v12;
	v2 =	vadd.f32 v2, v4;
	v4 =	vand.u32 $0xFFFF0000, v5;
	v10 =	vld [tilespmem:s6+$0xFFFFFE20]  }
0x157: {  	v3 =	vadd.f32 v3, v7;
	v5 =	vshll.u32 v5, $0x10;
	v7 =	vshll.u32 v6, $0x10;
	v12 =	vld [tilespmem:s6+$0xFFFFFE10]  }
0x158: {  	v6 =	vand.u32 $0xFFFF0000, v6;
	v7 =	vadd.f32 v7, v8;
	v8 =	vand.u32 $0xFFFF0000, v9  }
0x159: {  	v1 =	vadd.f32 v5, v1;
	v3 =	vadd.f32 v4, v3;
	v4 =	vshll.u32 v9, $0x10;
	v5 =	vld [tilespmem:s6+$0xFFFFFE30]  }
0x15a: {  	v2 =	vadd.f32 v6, v2;
	v6 =	vshll.u32 v11, $0x10;
	v9 =	vand.u32 $0xFFFF0000, v11;
	v11 =	vld [tilespmem:s6+$0xFFFFFE40]  }
0x15b: {  	v1 =	vadd.f32 v4, v1;
	v3 =	vadd.f32 v8, v3;
	v4 =	vshll.u32 v10, $0x10;
	v8 =	vld [tilespmem:s6+$0xFFFFFE50]  }
0x15c: {  	v6 =	vadd.f32 v6, v7;
	v2 =	vadd.f32 v9, v2;
	v7 =	vshll.u32 v12, $0x10  }
0x15d: {  	v9 =	vand.u32 $0xFFFF0000, v10;
	v1 =	vadd.f32 v7, v1;
	v7 =	vand.u32 $0xFFFF0000, v12;
	v10 =	vld [tilespmem:s6+$0xFFFFFE70]  }
0x15e: {  	v4 =	vadd.f32 v4, v6;
	v2 =	vadd.f32 v9, v2;
	v6 =	vshll.u32 v5, $0x10;
	v9 =	vld [tilespmem:s6+$0xFFFFFE60]  }
0x15f: {  	v3 =	vadd.f32 v7, v3;
	v5 =	vand.u32 $0xFFFF0000, v5;
	v1 =	vadd.f32 v6, v1  }
0x160: {  	v6 =	vshll.u32 v11, $0x10;
	v7 =	vand.u32 $0xFFFF0000, v11;
	v11 =	vshll.u32 v8, $0x10;
	v12 =	vld [tilespmem:s6+$0xFFFFFE80]  }
0x161: {  	v3 =	vadd.f32 v5, v3;
	v1 =	vadd.f32 v11, v1;
	v5 =	vld [tilespmem:s6+$0xFFFFFE90]  }
0x162: {  	v4 =	vadd.f32 v6, v4;
	v2 =	vadd.f32 v7, v2;
	v6 =	vand.u32 $0xFFFF0000, v8;
	v7 =	vld [tilespmem:s6+$0xFFFFFEA0]  }
0x163: {  	v3 =	vadd.f32 v6, v3;
	v8 =	vshll.u32 v10, $0x10;
	v6 =	vand.u32 $0xFFFF0000, v9  }
0x164: {  	v9 =	vshll.u32 v9, $0x10;
	v2 =	vadd.f32 v6, v2;
	v6 =	vand.u32 $0xFFFF0000, v10;
	v10 =	vld [tilespmem:s6+$0xFFFFFEC0]  }
0x165: {  	v1 =	vadd.f32 v8, v1;
	v3 =	vadd.f32 v6, v3;
	v6 =	vand.u32 $0xFFFF0000, v12;
	v8 =	vld [tilespmem:s6+$0xFFFFFEB0]  }
0x166: {  	v4 =	vadd.f32 v9, v4;
	v9 =	vshll.u32 v12, $0x10;
	v2 =	vadd.f32 v6, v2  }
0x167: {  	v6 =	vshll.u32 v5, $0x10;
	v5 =	vand.u32 $0xFFFF0000, v5;
	v11 =	vand.u32 $0xFFFF0000, v7  }
0x168: {  	v4 =	vadd.f32 v9, v4;
	v2 =	vadd.f32 v11, v2  }
0x169: {  	v1 =	vadd.f32 v6, v1;
	v6 =	vshll.u32 v7, $0x10;
	v3 =	vadd.f32 v5, v3  }
0x16a: {  	v4 =	vadd.f32 v6, v4;
	v6 =	vand.u32 $0xFFFF0000, v10;
	v5 =	vand.u32 $0xFFFF0000, v8  }
0x16b: {  	v7 =	vshll.u32 v10, $0x10;
	v2 =	vadd.f32 v6, v2;
	v3 =	vadd.f32 v5, v3  }
0x16c: {  	v4 =	vadd.f32 v7, v4;
	v5 =	vshll.u32 v8, $0x10  }
0x16d: {  	v1 =	vadd.f32 v5, v1;
	v2 =	vadd.f32 v2, v3;
	_ =	sdelay $0x1  }
0x16e: {  	v1 =	vadd.f32 v4, v1;
	[tilespmem:s12+$0xFFFFFF80] =	vst v2;
	_ =	sdelay $0x1  }
0x16f: {  	[tilespmem:s12+$0xFFFFFF70] =	vst v1  }
0x170: {  	v3 =	vld [tilespmem:s6+$0xFFFFFF10]  }
0x171: {  	v4 =	vld [tilespmem:s6+$0xFFFFFF20]  }
0x172: {  	v1 =	vld [tilespmem:s6+$0xFFFFFEF0]  }
0x173: {  	v5 =	vld [tilespmem:s6+$0xFFFFFED0]  }
0x174: {  	v6 =	vld [tilespmem:s6+$0xFFFFFEE0]  }
0x175: {  	v7 =	vshll.u32 v3, $0x10;
	v2 =	vld [tilespmem:s6+$0xFFFFFF60]  }
0x176: {  	v8 =	vld [tilespmem:s6+$0xFFFFFF30]  }
0x177: {  	v9 =	vshll.u32 v1, $0x10;
	v10 =	vand.u32 $0xFFFF0000, v1;
	v1 =	vld [tilespmem:s6+$0xFFFFFFD0]  }
0x178: {  	v11 =	vshll.u32 v5, $0x10;
	v5 =	vand.u32 $0xFFFF0000, v5;
	v12 =	vld [tilespmem:s6+$0xFFFFFF50]  }
0x179: {  	v9 =	vadd.f32 v9, v11;
	v5 =	vadd.f32 v10, v5;
	v10 =	vand.u32 $0xFFFF0000, v4;
	v14 =	vld [tilespmem:s6+$0xFFFFFF70]  }
0x17a: {  	v3 =	vand.u32 $0xFFFF0000, v3;
	v13 =	vshll.u32 v4, $0x10;
	v11 =	vld [tilespmem:s6+$0xFFFFFF00]  }
0x17b: {  	v4 =	vadd.f32 v7, v9;
	v3 =	vadd.f32 v3, v5;
	v5 =	vand.u32 $0xFFFF0000, v8  }
0x17c: {  	v7 =	vshll.u32 v8, $0x10  }
0x17d: {  	v4 =	vadd.f32 v7, v4;
	v5 =	vadd.f32 v5, v3;
	v7 =	vand.u32 $0xFFFF0000, v12  }
.Ltmp4:
0x17e: {  	v15 =	vshll.u32 v6, $0x10;
	v16 =	vand.u32 $0xFFFF0000, v6;
	v3 =	vand.u32 $0xFFFF0000, v2;
	v6 =	vld [tilespmem:s6+$0xFFFFFF40];
	(pc) =	sbr.rel @p0 .LBB2_10-.Ltmp4, $4  }
0x17f: {  	v9 =	vand.u32 $0xFFFF0000, v14;
	v17 =	vshll.u32 v11, $0x10;
	v11 =	vand.u32 $0xFFFF0000, v11;
	v8 =	vld [tilespmem:s6+$0xFFFFFF90]  }
0x180: {  	v15 =	vadd.f32 v17, v15;
	v16 =	vadd.f32 v11, v16;
	v11 =	vshll.u32 v12, $0x10  }
0x181: {  	v12 =	vadd.f32 v7, v5;
	v11 =	vadd.f32 v11, v4;
	v5 =	vld [tilespmem:s6+$0xFFFFFFB0];
	v4 =	vand.u32 $0xFFFF0000, v1  }
0x182: {  	v14 =	vshll.u32 v14, $0x10;
	v13 =	vadd.f32 v13, v15;
	v10 =	vadd.f32 v10, v16;
	v7 =	vld [tilespmem:s6+$0xFFFFFF80]  }
0x183: {  	v15 =	vshll.u32 v6, $0x10;
	v11 =	vadd.f32 v14, v11;
	v9 =	vadd.f32 v9, v12  }
0x184: {  	v41 =	vand.u32 $0xFFFF0000, v6;
	v42 =	vld [tilespmem:s19+$0xFFFFFFA0];
	v2 =	vshll.u32 v2, $0x10;
	v40 =	vadd.f32 v15, v13  }
0x185: {  	v1 =	vshll.u32 v1, $0x10;
	v43 =	vand.u32 $0xFFFF0000, v8;
	v6 =	vadd.f32 v41, v10  }
0x186: {  	v46 =	vld [tilespmem:s19+$0xFFFFFFC0];
	v44 =	vshll.u32 v8, $0x10;
	v9 =	vadd.f32 v43, v9;
	v2 =	vadd.f32 v2, v40  }
0x187: {  	v50 =	vld [tilespmem:s19+$0xFFFFFFE0];
	v8 =	vadd.f32 v44, v11;
	v3 =	vadd.f32 v3, v6;
	v47 =	vshll.u32 v7, $0x10  }
0x188: {  	v52 =	vld [tilespmem:s19+$0xFFFFFFF0];
	v45 =	vand.u32 $0xFFFF0000, v5;
	v49 =	vand.u32 $0xFFFF0000, v7;
	v2 =	vadd.f32 v47, v2  }
0x189: {  	v51 =	vshll.u32 v5, $0x10;
	v3 =	vadd.f32 v49, v3;
	v53 =	vshll.u32 v42, $0x10  }
0x18a: {  	v55 =	vld [tilespmem:s19+$0x0];
	v48 =	vadd.f32 v45, v9;
	v54 =	vand.u32 $0xFFFF0000, v42;
	v2 =	vadd.f32 v53, v2  }
0x18b: {  	v5 =	vadd.f32 v51, v8;
	v56 =	vshll.u32 v46, $0x10;
	v3 =	vadd.f32 v54, v3  }
0x18c: {  	v57 =	vand.u32 $0xFFFF0000, v46;
	v58 =	vshll.u32 v50, $0x10;
	v2 =	vadd.f32 v56, v2  }
0x18d: {  	v59 =	vshll.u32 v52, $0x10;
	v60 =	vand.u32 $0xFFFF0000, v50;
	v3 =	vadd.f32 v57, v3  }
0x18e: {  	v61 =	vand.u32 $0xFFFF0000, v52;
	v1 =	vadd.f32 v1, v5;
	v2 =	vadd.f32 v58, v2  }
0x18f: {  	v62 =	vshll.u32 v55, $0x10;
	v4 =	vadd.f32 v4, v48;
	v3 =	vadd.f32 v60, v3  }
0x190: {  	s20 =	sadd.s32 $0x1, s20;
	v63 =	vand.u32 $0xFFFF0000, v55;
	v1 =	vadd.f32 v59, v1;
	v2 =	vadd.f32 v62, v2  }
0x191: {  	p0 =	sne.s32 s20, $0x19;
	v4 =	vadd.f32 v61, v4;
	v3 =	vadd.f32 v63, v3  }
.Ltmp5:
0x192: {  	v1 =	vadd.f32 v2, v1;
	(pc) =	sbr.rel @p0 .LBB2_4-.Ltmp5, $4  }
0x193: {  	s6 =	sadd.s32 s21, s11;
	v2 =	vadd.f32 v3, v4  }
0x194: {  	s6 =	sshrl.u32 s6, $0x3;
	[tilespmem:s8+$0xFFFFFFF0] =	vst v1  }
0x195: {  	s6 =	sadd.s32 s5, s6;
	[tilespmem:s8+$0x0] =	vst v2  }
0x196: {  	[hbm4b:s6+s3] =	stream.linear.scatter [tilespmem:s17], [sflag:$0x3], $0x1000, $0x38;
	[tilespmem:$0x7500] =	vst v63  }
0x197: {  	_ =	swait.ge [sflag:s18], $0x1000  }
0x198: {  	[sflag:s18] =	ssyncset.done $0x0  }
0x199: {  	[sflag:s18] =	ssyncadd.s32 $0xFFFFF000  }
0x19a: {  	_ =	swait.ge [sflag:s18], $0x1000  }
0x19b: {  	s8 =	rddreg [dreg:$0x6]  }
0x19c: {  	s6 =	rddreg [dreg:$0x5];
	s8 =	sadd.s32 $0x1, s8  }
0x19d: {  	p0 =	sne.s32 s8, s6  }
.Ltmp6:
0x19e: {  	_ = 	snop;
	(pc) =	sbr.rel @p0 .LBB2_1-.Ltmp6, $3  }
0x19f: {  	_ =	sdelay $0x1  }
0x1a0: {  	[sflag:s18] =	ssyncset.done $0x0  }
0x1a1: {  	[sflag:s18] =	ssyncadd.s32 $0xFFFFF000  }
0x1a2: {  	_ =	sfence.sel $0x180000  }
0x1a3: {  	[bflag:$0x0] =	sbarrier.arrive $0xFFFF  }
0x1a4: {  	_ =	strace $0x90000047  }
0x1a5: {  	s0 =	stileid.u32;
	[bflag:$0x2] =	sbarrier.arrive $0xFFFF  }
0x1a6: {  	p0 =	sne.s32 s0, $0x0;
	s0 =	rddreg [dreg:$0x2]  }
0x1a7: {  	s0 =	sadd.s32 @!p0 $0x100000, s0  }
0x1a8: {  	[sflag:s0] =	ssyncadd.tile.s32 @!p0 $0x1;
	_ =	shalt  }
.Lfunc_end2:
_tile_overlayer_lowered:
.L_overlay_start_2:
0x1a9: {  	(tag) =	ssettag $0x2  }
0x1aa: {  	s0 =	rddreg [dreg:$0x0];
	s2 =	stileid.u32  }
0x1ab: {  	s1 =	rddreg [dreg:$0x1];
	p0 =	sne.s32 s2, $0x0  }
0x1ac: {  	s3 =	rddreg [dreg:$0x2];
	[bflag:$0x3] =	sbarrier.arrive $0xFFFF;
	s2 =	simm.s32 @!p0 $0x1C04  }
0x1ad: {  	[timem:s3], [sflag:s2] =	dma.local @!p0 [hbm:s0], s1  }
0x1ae: {  	s0 =	simm.s32 @!p0 $0x4  }
0x1af: {  	_ =	swait.ge @!p0 [sflag:s0], s1  }
0x1b0: {  	s1 =	ssub.s32 @!p0 $0x0, s1;
	[sflag:s0] =	ssyncset.done @!p0 $0x0  }
0x1b1: {  	[sflag:s0] =	ssyncadd.s32 @!p0 s1  }
0x1b2: {  	[bflag:$0x3] =	sbarrier.arrive $0xFFFF  }
0x1b3: {  	_ =	shalt  }

</sc_bundles>
